<compile_context>
chip_gen: v7x
topology: tpu7x:2x2x1
jax: 0.10.2.dev20260603
libtpu: 0.0.44.dev20260713+nightly
codegen_flags: <defaults>
</compile_context>

<pallas_src>
import functools

import jax
import jax.numpy as jnp
from jax import lax
from jax.experimental import pallas as pl
from jax.experimental.pallas import tpu as pltpu
from jax.experimental.pallas import tpu_sc as plsc

N_NODES = 10000
N_EDGES = 320000
D = 128

NW = 32
CH = 128
KJ = -(-N_EDGES // (NW * CH))
E_PAD = NW * KJ * CH
N_PAD = 10016
ROWS_PER_TILE = N_PAD // 16
N_PAD_DEG = 10240
DEG_PER_TILE = N_PAD_DEG // 16
NBUF = 3
NR = 5

_mesh = plsc.VectorSubcoreMesh(core_axis_name="c", subcore_axis_name="s")


def _worker_id():
    return lax.axis_index("s") * 2 + lax.axis_index("c")


@functools.partial(
    pl.kernel,
    mesh=_mesh,
    out_type=jax.ShapeDtypeStruct((2 * N_PAD_DEG,), jnp.float32),
    scratch_types=[
        pltpu.VMEM((KJ, 2, CH), jnp.int32),
        pltpu.VMEM((CH,), jnp.float32),
        pltpu.VMEM_SHARED((N_PAD_DEG,), jnp.float32),
    ],
)
def _deg_kernel(idx_hbm, zeros_hbm, out_hbm, idx_v, ones_v, deg_sh):
    cid = lax.axis_index("c")
    sid = lax.axis_index("s")
    wid = _worker_id()

    for i in range(CH // 16):
        ones_v[pl.ds(i * 16, 16)] = jnp.ones((16,), jnp.float32)

    pltpu.sync_copy(zeros_hbm.at[pl.ds(sid * DEG_PER_TILE, DEG_PER_TILE)],
                    deg_sh.at[pl.ds(sid * DEG_PER_TILE, DEG_PER_TILE)])
    pltpu.sync_copy(idx_hbm.at[wid], idx_v)
    plsc.subcore_barrier()

    def body(j, _):
        pltpu.sync_copy(ones_v, deg_sh.at[idx_v.at[j, 1]], add=True)
        return _

    lax.fori_loop(0, KJ, body, None)
    plsc.subcore_barrier()

    pltpu.sync_copy(deg_sh.at[pl.ds(sid * DEG_PER_TILE, DEG_PER_TILE)],
                    out_hbm.at[pl.ds(cid * N_PAD_DEG + sid * DEG_PER_TILE,
                                     DEG_PER_TILE)])


@functools.partial(
    pl.kernel,
    mesh=_mesh,
    out_type=jax.ShapeDtypeStruct((2 * N_PAD, D), jnp.float32),
    scratch_types=[
        pltpu.VMEM((NR, 2, CH), jnp.int32),
        pltpu.VMEM((NBUF, CH, D), jnp.float32),
        pltpu.VMEM_SHARED((N_PAD, D), jnp.float32),
        pltpu.SemaphoreType.DMA,
        pltpu.SemaphoreType.DMA,
        pltpu.SemaphoreType.DMA,
    ],
)
def _scatter_kernel(hs_hbm, idx_hbm, zeros_hbm, out_hbm,
                    idx_v, rows_v, acc_sh, gsem, ssem, isem):
    cid = lax.axis_index("c")
    sid = lax.axis_index("s")
    wid = _worker_id()

    @pl.when(sid < 15)
    def _z0():
        pltpu.sync_copy(zeros_hbm.at[pl.ds(sid * 632, 632)],
                        acc_sh.at[pl.ds(sid * 632, 632)])

    @pl.when(sid == 15)
    def _z1():
        pltpu.sync_copy(zeros_hbm.at[pl.ds(15 * 632, N_PAD - 15 * 632)],
                        acc_sh.at[pl.ds(15 * 632, N_PAD - 15 * 632)])

    plsc.subcore_barrier()

    def _gather(slot, pb):
        pltpu.async_copy(hs_hbm.at[idx_v.at[slot, 0, pl.ds(0, CH // 2)]],
                         rows_v.at[pb, pl.ds(0, CH // 2)], gsem)
        pltpu.async_copy(hs_hbm.at[idx_v.at[slot, 0, pl.ds(CH // 2, CH // 2)]],
                         rows_v.at[pb, pl.ds(CH // 2, CH // 2)], gsem)

    pltpu.sync_copy(idx_hbm.at[wid, 0], idx_v.at[0])
    for r in range(1, NR - 1):
        pltpu.async_copy(idx_hbm.at[wid, r], idx_v.at[r], isem)
    _gather(0, 0)
    for r in range(1, NBUF):
        pltpu.make_async_copy(idx_hbm.at[wid, 0], idx_v.at[r], isem).wait()
        _gather(r, r)

    def body(j, _):
        pb = lax.rem(j, NBUF)
        pr = lax.rem(j, NR)
        pltpu.make_async_copy(hs_hbm.at[pl.ds(0, CH)], rows_v.at[pb],
                              gsem).wait()
        pltpu.async_copy(rows_v.at[pb], acc_sh.at[idx_v.at[pr, 1]], ssem,
                         add=True)

        @pl.when(j + NBUF < KJ)
        def _nxt():
            pltpu.make_async_copy(idx_hbm.at[wid, 0],
                                  idx_v.at[lax.rem(j + NBUF, NR)],
                                  isem).wait()
            pltpu.make_async_copy(hs_hbm.at[pl.ds(0, CH)], rows_v.at[pb],
                                  ssem).wait()
            _gather(lax.rem(j + NBUF, NR), pb)

            @pl.when(j + NR - 1 < KJ)
            def _i():
                pltpu.async_copy(idx_hbm.at[wid, j + NR - 1],
                                 idx_v.at[lax.rem(j + NR - 1, NR)], isem)

        return _

    lax.fori_loop(0, KJ, body, None)
    for _ in range(NBUF):
        pltpu.make_async_copy(hs_hbm.at[pl.ds(0, CH)], rows_v.at[0],
                              ssem).wait()
    plsc.subcore_barrier()

    @pl.when(sid < 15)
    def _o0():
        pltpu.sync_copy(acc_sh.at[pl.ds(sid * 632, 632)],
                        out_hbm.at[pl.ds(cid * N_PAD + sid * 632, 632)])

    @pl.when(sid == 15)
    def _o1():
        pltpu.sync_copy(acc_sh.at[pl.ds(15 * 632, N_PAD - 15 * 632)],
                        out_hbm.at[pl.ds(cid * N_PAD + 15 * 632,
                                         N_PAD - 15 * 632)])


_BLK = 1000


def _mm_first(x_ref, w_ref, deg_ref, o_ref):
    dinv = lax.rsqrt(deg_ref[0] + deg_ref[1] + 1.0)
    o_ref[...] = jnp.dot(x_ref[...], w_ref[...],
                         preferred_element_type=jnp.float32) * dinv


def _mm_mid(acc_ref, hs_ref, deg_ref, w_ref, b_ref, o_ref):
    dinv = lax.rsqrt(deg_ref[0] + deg_ref[1] + 1.0)
    pre = (acc_ref[0] + acc_ref[1] + hs_ref[...]) * dinv + b_ref[...]
    h = jnp.maximum(pre, 0.0)
    o_ref[...] = jnp.dot(h, w_ref[...],
                         preferred_element_type=jnp.float32) * dinv


def _mm_last(acc_ref, hs_ref, deg_ref, b_ref, o_ref):
    dinv = lax.rsqrt(deg_ref[0] + deg_ref[1] + 1.0)
    pre = (acc_ref[0] + acc_ref[1] + hs_ref[...]) * dinv + b_ref[...]
    o_ref[...] = jnp.maximum(pre, 0.0)


def _row_spec(blk_rows, cols):
    return pl.BlockSpec((blk_rows, cols), lambda i: (i, 0))


def _pair_spec(blk_rows, cols):
    return pl.BlockSpec((2, blk_rows, cols), lambda i: (0, i, 0))


def _full_spec(shape):
    return pl.BlockSpec(shape, lambda i: tuple(0 for _ in shape))


def kernel(x, edge_index, batch_index, node_rankings, W1, b1, W2, b2):
    src = edge_index[0]
    dst = edge_index[1]
    pad = jnp.full((E_PAD - N_EDGES,), N_NODES, jnp.int32)
    src3 = jnp.sort(jnp.concatenate([src, pad]).reshape(NW, KJ * CH),
                    axis=-1).reshape(NW, KJ, CH)
    dst3 = jnp.concatenate([dst, pad]).reshape(NW, KJ, CH)
    idxp = jnp.stack([src3, dst3], axis=2)

    zeros_rows = jnp.zeros((N_PAD, D), jnp.float32)
    zeros_deg = jnp.zeros((N_PAD_DEG,), jnp.float32)
    b1r = b1.reshape(1, D)
    b2r = b2.reshape(1, D)

    deg = _deg_kernel(idxp, zeros_deg)
    deg3 = deg.reshape(2, N_PAD_DEG, 1)

    grid = N_NODES // _BLK

    hs1 = pl.pallas_call(
        _mm_first,
        grid=(grid,),
        in_specs=[_row_spec(_BLK, D), _full_spec((D, D)), _pair_spec(_BLK, 1)],
        out_specs=_row_spec(_BLK, D),
        out_shape=jax.ShapeDtypeStruct((N_PAD, D), jnp.float32),
    )(x, W1, deg3)

    acc1 = _scatter_kernel(hs1, idxp, zeros_rows).reshape(2, N_PAD, D)

    hs2 = pl.pallas_call(
        _mm_mid,
        grid=(grid,),
        in_specs=[_pair_spec(_BLK, D), _row_spec(_BLK, D), _pair_spec(_BLK, 1),
                  _full_spec((D, D)), _full_spec((1, D))],
        out_specs=_row_spec(_BLK, D),
        out_shape=jax.ShapeDtypeStruct((N_PAD, D), jnp.float32),
    )(acc1, hs1, deg3, W2, b1r)

    acc2 = _scatter_kernel(hs2, idxp, zeros_rows).reshape(2, N_PAD, D)

    out = pl.pallas_call(
        _mm_last,
        grid=(grid,),
        in_specs=[_pair_spec(_BLK, D), _row_spec(_BLK, D), _pair_spec(_BLK, 1),
                  _full_spec((1, D))],
        out_specs=_row_spec(_BLK, D),
        out_shape=jax.ShapeDtypeStruct((N_NODES, D), jnp.float32),
    )(acc2, hs2, deg3, b2r)

    return out

# --- scband reference (transcript-rebuilt; emitter-appended) ---
"""Pipeline reference for scband-gcnblock-75230647157512 (READ-ONLY COPY).

The authoritative reference and input builder live on the scoring server;
editing this copy changes nothing except your own understanding.
"""

import jax, jax.numpy as jnp
import numpy as np

N_NODES = 10000
N_EDGES = 320000
D = 128


def setup_inputs(seed: int = 0) -> dict:
    key = jax.random.key(seed)
    ks = jax.random.split(key, 8)
    x = jax.random.normal(ks[0], (N_NODES, D), dtype=jnp.float32)
    edge_index = jax.random.randint(ks[1], (2, N_EDGES), 0, N_NODES, dtype=jnp.int32)
    batch_index = jnp.zeros((N_NODES,), dtype=jnp.int32)
    node_rankings = jnp.arange(N_NODES, dtype=jnp.int32)
    # GCNConv params for 2 layers (weight [D, D], bias [D]) -- glorot-ish scale
    scale = 1.0 / np.sqrt(D)
    W1 = jax.random.normal(ks[2], (D, D), dtype=jnp.float32) * scale
    b1 = jnp.zeros((D,), dtype=jnp.float32)
    W2 = jax.random.normal(ks[3], (D, D), dtype=jnp.float32) * scale
    b2 = jnp.zeros((D,), dtype=jnp.float32)
    return {"x": x, "edge_index": edge_index, "batch_index": batch_index,
            "node_rankings": node_rankings, "W1": W1, "b1": b1, "W2": W2, "b2": b2}


def _gcn_conv(x, src, dst, W, b):
    # PyG GCNConv: h = x @ W; add self-loops; sym-normalized scatter-add; + bias
    n = x.shape[0]
    h = x @ W
    loop = jnp.arange(n, dtype=src.dtype)
    s = jnp.concatenate([src, loop])
    d = jnp.concatenate([dst, loop])
    deg = jnp.zeros((n,), dtype=x.dtype).at[d].add(1.0)
    dinv = jnp.where(deg > 0, jax.lax.rsqrt(deg), 0.0)
    norm = dinv[s] * dinv[d]
    msg = h[s] * norm[:, None]
    out = jax.ops.segment_sum(msg, d, num_segments=n)
    return out + b


def reference(x, edge_index, batch_index, node_rankings, W1, b1, W2, b2):
    # GCNBlock.forward: for each layer x = conv(x, edge_index) + control(...); relu; dropout
    # control is NullControl -> 0; dropout_rate=0.0 and eval mode -> identity
    src = edge_index[0]
    dst = edge_index[1]
    h = _gcn_conv(x, src, dst, W1, b1)
    h = jax.nn.relu(h)
    h = _gcn_conv(h, src, dst, W2, b2)
    h = jax.nn.relu(h)
    return h

if __name__ == "__main__":
    import jax
    _d = setup_inputs()
    print(jax.jit(kernel)(*tuple(_d.values())))

</pallas_src>

<mosaic_0001>
#map = affine_map<(d0, d1) -> (0, 0)>
#map1 = affine_map<(d0, d1) -> (0, 0, 0, 0)>
module attributes {stable_mosaic.version = 14 : i64} {
  func.func @_scatter_kernel(%arg0: i32, %arg1: i32, %arg2: memref<10016x128xf32, #tpu.memory_space<hbm>>, %arg3: memref<32x79x2x128xi32, #tpu.memory_space<hbm>>, %arg4: memref<10016x128xf32, #tpu.memory_space<hbm>>, %arg5: memref<20032x128xf32, #tpu.memory_space<hbm>>, %arg6: memref<5x2x128xi32, #tpu.memory_space<vmem>>, %arg7: memref<3x128x128xf32, #tpu.memory_space<vmem>>, %arg8: memref<10016x128xf32, #tpu.memory_space<vmem_shared>>, %arg9: memref<!tpu.dma_semaphore, #tpu.memory_space<semaphore_mem>>, %arg10: memref<!tpu.dma_semaphore, #tpu.memory_space<semaphore_mem>>, %arg11: memref<!tpu.dma_semaphore, #tpu.memory_space<semaphore_mem>>) attributes {dimension_semantics = [#tpu.dimension_semantics<core_parallel>, #tpu.dimension_semantics<subcore_parallel>], iteration_bounds = array<i64: 2, 16>, scalar_prefetch = 0 : i64, scratch_operands = 6 : i64, tpu.core_type = #tpu.core_type<sc_vector_subcore>, window_params = [{transform_indices = #map}, {transform_indices = #map1}, {transform_indices = #map}, {transform_indices = #map}]} {
    %mul3A = arith.constant 2 : i32
    %mul3A_0 = arith.muli %arg1, %mul3A : i32
    %add3A = arith.addi %mul3A_0, %arg0 : i32
    %lt3A = arith.constant 15 : i32
    %lt3A_1 = arith.cmpi slt, %arg1, %lt3A : i32
    %convert_element_type3A = arith.extui %lt3A_1 : i1 to i32
    %cond3A = arith.constant 0 : i32
    %cond3A_2 = arith.cmpi ne, %convert_element_type3A, %cond3A : i32
    scf.if %cond3A_2 {
      %mul3A_234 = arith.constant 632 : i32
      %mul3A_235 = arith.muli %arg1, %mul3A_234 : i32
      %mul3A_236 = arith.constant 632 : i32
      %mul3A_237 = arith.muli %arg1, %mul3A_236 : i32
      "tpu.region"() ({
        %run_scoped3A_238 = tpu.sem_alloc : memref<!tpu.dma_semaphore, #tpu.memory_space<semaphore_mem>>
        %dma_start3A_239 = arith.constant 0 : i32
        %dma_start3A_240 = tpu.memref_slice %arg8[%mul3A_237, %dma_start3A_239] : memref<10016x128xf32, #tpu.memory_space<vmem_shared>> -> memref<632x128xf32, #tpu.memory_space<vmem_shared>>
        %dma_start3A_241 = arith.constant 0 : i32
        %dma_start3A_242 = tpu.memref_slice %arg4[%mul3A_235, %dma_start3A_241] : memref<10016x128xf32, #tpu.memory_space<hbm>> -> memref<632x128xf32, #tpu.memory_space<hbm>>
        tpu.enqueue_dma source(%dma_start3A_242 : memref<632x128xf32, #tpu.memory_space<hbm>>) target(%dma_start3A_240 : memref<632x128xf32, #tpu.memory_space<vmem_shared>>) target_semaphore(%run_scoped3A_238 : memref<!tpu.dma_semaphore, #tpu.memory_space<semaphore_mem>>)
        %dma_wait3A_243 = arith.constant 0 : i32
        %dma_wait3A_244 = tpu.memref_slice %arg8[%mul3A_237, %dma_wait3A_243] : memref<10016x128xf32, #tpu.memory_space<vmem_shared>> -> memref<632x128xf32, #tpu.memory_space<vmem_shared>>
        %dma_wait3A_245 = arith.constant 0 : i32
        %dma_wait3A_246 = tpu.memref_slice %arg4[%mul3A_235, %dma_wait3A_245] : memref<10016x128xf32, #tpu.memory_space<hbm>> -> memref<632x128xf32, #tpu.memory_space<hbm>>
        tpu.wait_dma2 semaphore(%run_scoped3A_238 : memref<!tpu.dma_semaphore, #tpu.memory_space<semaphore_mem>>) src(%dma_wait3A_246 : memref<632x128xf32, #tpu.memory_space<hbm>>) dst(%dma_wait3A_244 : memref<632x128xf32, #tpu.memory_space<vmem_shared>>)
        tpu.yield
      }) : () -> ()
    } else {
    }
    %eq3A = arith.constant 15 : i32
    %eq3A_3 = arith.cmpi eq, %arg1, %eq3A : i32
    %convert_element_type3A_4 = arith.extui %eq3A_3 : i1 to i32
    %cond3A_5 = arith.constant 0 : i32
    %cond3A_6 = arith.cmpi ne, %convert_element_type3A_4, %cond3A_5 : i32
    scf.if %cond3A_6 {
      "tpu.region"() ({
        %run_scoped3A_234 = tpu.sem_alloc : memref<!tpu.dma_semaphore, #tpu.memory_space<semaphore_mem>>
        %dma_start3A_235 = arith.constant 9480 : i32
        %dma_start3A_236 = arith.constant 0 : i32
        %dma_start3A_237 = tpu.memref_slice %arg8[%dma_start3A_235, %dma_start3A_236] : memref<10016x128xf32, #tpu.memory_space<vmem_shared>> -> memref<536x128xf32, #tpu.memory_space<vmem_shared>>
        %dma_start3A_238 = arith.constant 9480 : i32
        %dma_start3A_239 = arith.constant 0 : i32
        %dma_start3A_240 = tpu.memref_slice %arg4[%dma_start3A_238, %dma_start3A_239] : memref<10016x128xf32, #tpu.memory_space<hbm>> -> memref<536x128xf32, #tpu.memory_space<hbm>>
        tpu.enqueue_dma source(%dma_start3A_240 : memref<536x128xf32, #tpu.memory_space<hbm>>) target(%dma_start3A_237 : memref<536x128xf32, #tpu.memory_space<vmem_shared>>) target_semaphore(%run_scoped3A_234 : memref<!tpu.dma_semaphore, #tpu.memory_space<semaphore_mem>>)
        %dma_wait3A_241 = arith.constant 9480 : i32
        %dma_wait3A_242 = arith.constant 0 : i32
        %dma_wait3A_243 = tpu.memref_slice %arg8[%dma_wait3A_241, %dma_wait3A_242] : memref<10016x128xf32, #tpu.memory_space<vmem_shared>> -> memref<536x128xf32, #tpu.memory_space<vmem_shared>>
        %dma_wait3A_244 = arith.constant 9480 : i32
        %dma_wait3A_245 = arith.constant 0 : i32
        %dma_wait3A_246 = tpu.memref_slice %arg4[%dma_wait3A_244, %dma_wait3A_245] : memref<10016x128xf32, #tpu.memory_space<hbm>> -> memref<536x128xf32, #tpu.memory_space<hbm>>
        tpu.wait_dma2 semaphore(%run_scoped3A_234 : memref<!tpu.dma_semaphore, #tpu.memory_space<semaphore_mem>>) src(%dma_wait3A_246 : memref<536x128xf32, #tpu.memory_space<hbm>>) dst(%dma_wait3A_243 : memref<536x128xf32, #tpu.memory_space<vmem_shared>>)
        tpu.yield
      }) : () -> ()
    } else {
    }
    %barrier3A = arith.constant 0 : index
    tpu.barrier barrier_id(%barrier3A)
    %run_scoped3A = arith.constant 0 : i32
    %run_scoped3A_7 = arith.constant 0 : i32
    "tpu.region"() ({
      %run_scoped3A_234 = tpu.sem_alloc : memref<!tpu.dma_semaphore, #tpu.memory_space<semaphore_mem>>
      %dma_start3A_235 = arith.constant 0 : i32
      %dma_start3A_236 = arith.constant 0 : i32
      %dma_start3A_237 = tpu.memref_slice %arg6[%run_scoped3A_7, %dma_start3A_235, %dma_start3A_236] : memref<5x2x128xi32, #tpu.memory_space<vmem>> -> memref<1x2x128xi32, #tpu.memory_space<vmem>>
      %dma_start3A_238 = tpu.memref_squeeze %dma_start3A_237 : memref<1x2x128xi32, #tpu.memory_space<vmem>> -> memref<2x128xi32, #tpu.memory_space<vmem>>
      %dma_start3A_239 = arith.constant 0 : i32
      %dma_start3A_240 = arith.constant 0 : i32
      %dma_start3A_241 = tpu.memref_slice %arg3[%add3A, %run_scoped3A, %dma_start3A_239, %dma_start3A_240] : memref<32x79x2x128xi32, #tpu.memory_space<hbm>> -> memref<1x1x2x128xi32, #tpu.memory_space<hbm>>
      %dma_start3A_242 = tpu.memref_squeeze %dma_start3A_241 : memref<1x1x2x128xi32, #tpu.memory_space<hbm>> -> memref<2x128xi32, #tpu.memory_space<hbm>>
      %dma_start3A_243 = arith.constant 0 : i32
      %dma_start3A_244 = arith.constant 0 : i32
      %dma_start3A_245 = tpu.memref_slice %arg6[%run_scoped3A_7, %dma_start3A_243, %dma_start3A_244] : memref<5x2x128xi32, #tpu.memory_space<vmem>> -> memref<1x2x128xi32, #tpu.memory_space<vmem>>
      %dma_start3A_246 = tpu.memref_squeeze %dma_start3A_245 : memref<1x2x128xi32, #tpu.memory_space<vmem>> -> memref<2x128xi32, #tpu.memory_space<vmem>>
      %dma_start3A_247 = arith.constant 0 : i32
      %dma_start3A_248 = arith.constant 0 : i32
      %dma_start3A_249 = tpu.memref_slice %arg3[%add3A, %run_scoped3A, %dma_start3A_247, %dma_start3A_248] : memref<32x79x2x128xi32, #tpu.memory_space<hbm>> -> memref<1x1x2x128xi32, #tpu.memory_space<hbm>>
      %dma_start3A_250 = tpu.memref_squeeze %dma_start3A_249 : memref<1x1x2x128xi32, #tpu.memory_space<hbm>> -> memref<2x128xi32, #tpu.memory_space<hbm>>
      tpu.enqueue_dma source(%dma_start3A_250 : memref<2x128xi32, #tpu.memory_space<hbm>>) target(%dma_start3A_246 : memref<2x128xi32, #tpu.memory_space<vmem>>) target_semaphore(%run_scoped3A_234 : memref<!tpu.dma_semaphore, #tpu.memory_space<semaphore_mem>>)
      %dma_wait3A_251 = arith.constant 0 : i32
      %dma_wait3A_252 = arith.constant 0 : i32
      %dma_wait3A_253 = tpu.memref_slice %arg6[%run_scoped3A_7, %dma_wait3A_251, %dma_wait3A_252] : memref<5x2x128xi32, #tpu.memory_space<vmem>> -> memref<1x2x128xi32, #tpu.memory_space<vmem>>
      %dma_wait3A_254 = tpu.memref_squeeze %dma_wait3A_253 : memref<1x2x128xi32, #tpu.memory_space<vmem>> -> memref<2x128xi32, #tpu.memory_space<vmem>>
      %dma_wait3A_255 = arith.constant 0 : i32
      %dma_wait3A_256 = arith.constant 0 : i32
      %dma_wait3A_257 = tpu.memref_slice %arg3[%add3A, %run_scoped3A, %dma_wait3A_255, %dma_wait3A_256] : memref<32x79x2x128xi32, #tpu.memory_space<hbm>> -> memref<1x1x2x128xi32, #tpu.memory_space<hbm>>
      %dma_wait3A_258 = tpu.memref_squeeze %dma_wait3A_257 : memref<1x1x2x128xi32, #tpu.memory_space<hbm>> -> memref<2x128xi32, #tpu.memory_space<hbm>>
      %dma_wait3A_259 = arith.constant 0 : i32
      %dma_wait3A_260 = arith.constant 0 : i32
      %dma_wait3A_261 = tpu.memref_slice %arg6[%run_scoped3A_7, %dma_wait3A_259, %dma_wait3A_260] : memref<5x2x128xi32, #tpu.memory_space<vmem>> -> memref<1x2x128xi32, #tpu.memory_space<vmem>>
      %dma_wait3A_262 = tpu.memref_squeeze %dma_wait3A_261 : memref<1x2x128xi32, #tpu.memory_space<vmem>> -> memref<2x128xi32, #tpu.memory_space<vmem>>
      %dma_wait3A_263 = arith.constant 0 : i32
      %dma_wait3A_264 = arith.constant 0 : i32
      %dma_wait3A_265 = tpu.memref_slice %arg3[%add3A, %run_scoped3A, %dma_wait3A_263, %dma_wait3A_264] : memref<32x79x2x128xi32, #tpu.memory_space<hbm>> -> memref<1x1x2x128xi32, #tpu.memory_space<hbm>>
      %dma_wait3A_266 = tpu.memref_squeeze %dma_wait3A_265 : memref<1x1x2x128xi32, #tpu.memory_space<hbm>> -> memref<2x128xi32, #tpu.memory_space<hbm>>
      tpu.wait_dma2 semaphore(%run_scoped3A_234 : memref<!tpu.dma_semaphore, #tpu.memory_space<semaphore_mem>>) src(%dma_wait3A_266 : memref<2x128xi32, #tpu.memory_space<hbm>>) dst(%dma_wait3A_262 : memref<2x128xi32, #tpu.memory_space<vmem>>)
      tpu.yield
    }) : () -> ()
    %dma_start3A = arith.constant 1 : i32
    %dma_start3A_8 = arith.constant 1 : i32
    %dma_start3A_9 = arith.constant 0 : i32
    %dma_start3A_10 = arith.constant 0 : i32
    %dma_start3A_11 = tpu.memref_slice %arg6[%dma_start3A_8, %dma_start3A_9, %dma_start3A_10] : memref<5x2x128xi32, #tpu.memory_space<vmem>> -> memref<1x2x128xi32, #tpu.memory_space<vmem>>
    %dma_start3A_12 = tpu.memref_squeeze %dma_start3A_11 : memref<1x2x128xi32, #tpu.memory_space<vmem>> -> memref<2x128xi32, #tpu.memory_space<vmem>>
    %dma_start3A_13 = arith.constant 0 : i32
    %dma_start3A_14 = arith.constant 0 : i32
    %dma_start3A_15 = tpu.memref_slice %arg3[%add3A, %dma_start3A, %dma_start3A_13, %dma_start3A_14] : memref<32x79x2x128xi32, #tpu.memory_space<hbm>> -> memref<1x1x2x128xi32, #tpu.memory_space<hbm>>
    %dma_start3A_16 = tpu.memref_squeeze %dma_start3A_15 : memref<1x1x2x128xi32, #tpu.memory_space<hbm>> -> memref<2x128xi32, #tpu.memory_space<hbm>>
    %dma_start3A_17 = arith.constant 0 : i32
    %dma_start3A_18 = arith.constant 0 : i32
    %dma_start3A_19 = tpu.memref_slice %arg6[%dma_start3A_8, %dma_start3A_17, %dma_start3A_18] : memref<5x2x128xi32, #tpu.memory_space<vmem>> -> memref<1x2x128xi32, #tpu.memory_space<vmem>>
    %dma_start3A_20 = tpu.memref_squeeze %dma_start3A_19 : memref<1x2x128xi32, #tpu.memory_space<vmem>> -> memref<2x128xi32, #tpu.memory_space<vmem>>
    %dma_start3A_21 = arith.constant 0 : i32
    %dma_start3A_22 = arith.constant 0 : i32
    %dma_start3A_23 = tpu.memref_slice %arg3[%add3A, %dma_start3A, %dma_start3A_21, %dma_start3A_22] : memref<32x79x2x128xi32, #tpu.memory_space<hbm>> -> memref<1x1x2x128xi32, #tpu.memory_space<hbm>>
    %dma_start3A_24 = tpu.memref_squeeze %dma_start3A_23 : memref<1x1x2x128xi32, #tpu.memory_space<hbm>> -> memref<2x128xi32, #tpu.memory_space<hbm>>
    tpu.enqueue_dma source(%dma_start3A_24 : memref<2x128xi32, #tpu.memory_space<hbm>>) target(%dma_start3A_20 : memref<2x128xi32, #tpu.memory_space<vmem>>) target_semaphore(%arg11 : memref<!tpu.dma_semaphore, #tpu.memory_space<semaphore_mem>>)
    %dma_start3A_25 = arith.constant 2 : i32
    %dma_start3A_26 = arith.constant 2 : i32
    %dma_start3A_27 = arith.constant 0 : i32
    %dma_start3A_28 = arith.constant 0 : i32
    %dma_start3A_29 = tpu.memref_slice %arg6[%dma_start3A_26, %dma_start3A_27, %dma_start3A_28] : memref<5x2x128xi32, #tpu.memory_space<vmem>> -> memref<1x2x128xi32, #tpu.memory_space<vmem>>
    %dma_start3A_30 = tpu.memref_squeeze %dma_start3A_29 : memref<1x2x128xi32, #tpu.memory_space<vmem>> -> memref<2x128xi32, #tpu.memory_space<vmem>>
    %dma_start3A_31 = arith.constant 0 : i32
    %dma_start3A_32 = arith.constant 0 : i32
    %dma_start3A_33 = tpu.memref_slice %arg3[%add3A, %dma_start3A_25, %dma_start3A_31, %dma_start3A_32] : memref<32x79x2x128xi32, #tpu.memory_space<hbm>> -> memref<1x1x2x128xi32, #tpu.memory_space<hbm>>
    %dma_start3A_34 = tpu.memref_squeeze %dma_start3A_33 : memref<1x1x2x128xi32, #tpu.memory_space<hbm>> -> memref<2x128xi32, #tpu.memory_space<hbm>>
    %dma_start3A_35 = arith.constant 0 : i32
    %dma_start3A_36 = arith.constant 0 : i32
    %dma_start3A_37 = tpu.memref_slice %arg6[%dma_start3A_26, %dma_start3A_35, %dma_start3A_36] : memref<5x2x128xi32, #tpu.memory_space<vmem>> -> memref<1x2x128xi32, #tpu.memory_space<vmem>>
    %dma_start3A_38 = tpu.memref_squeeze %dma_start3A_37 : memref<1x2x128xi32, #tpu.memory_space<vmem>> -> memref<2x128xi32, #tpu.memory_space<vmem>>
    %dma_start3A_39 = arith.constant 0 : i32
    %dma_start3A_40 = arith.constant 0 : i32
    %dma_start3A_41 = tpu.memref_slice %arg3[%add3A, %dma_start3A_25, %dma_start3A_39, %dma_start3A_40] : memref<32x79x2x128xi32, #tpu.memory_space<hbm>> -> memref<1x1x2x128xi32, #tpu.memory_space<hbm>>
    %dma_start3A_42 = tpu.memref_squeeze %dma_start3A_41 : memref<1x1x2x128xi32, #tpu.memory_space<hbm>> -> memref<2x128xi32, #tpu.memory_space<hbm>>
    tpu.enqueue_dma source(%dma_start3A_42 : memref<2x128xi32, #tpu.memory_space<hbm>>) target(%dma_start3A_38 : memref<2x128xi32, #tpu.memory_space<vmem>>) target_semaphore(%arg11 : memref<!tpu.dma_semaphore, #tpu.memory_space<semaphore_mem>>)
    %dma_start3A_43 = arith.constant 3 : i32
    %dma_start3A_44 = arith.constant 3 : i32
    %dma_start3A_45 = arith.constant 0 : i32
    %dma_start3A_46 = arith.constant 0 : i32
    %dma_start3A_47 = tpu.memref_slice %arg6[%dma_start3A_44, %dma_start3A_45, %dma_start3A_46] : memref<5x2x128xi32, #tpu.memory_space<vmem>> -> memref<1x2x128xi32, #tpu.memory_space<vmem>>
    %dma_start3A_48 = tpu.memref_squeeze %dma_start3A_47 : memref<1x2x128xi32, #tpu.memory_space<vmem>> -> memref<2x128xi32, #tpu.memory_space<vmem>>
    %dma_start3A_49 = arith.constant 0 : i32
    %dma_start3A_50 = arith.constant 0 : i32
    %dma_start3A_51 = tpu.memref_slice %arg3[%add3A, %dma_start3A_43, %dma_start3A_49, %dma_start3A_50] : memref<32x79x2x128xi32, #tpu.memory_space<hbm>> -> memref<1x1x2x128xi32, #tpu.memory_space<hbm>>
    %dma_start3A_52 = tpu.memref_squeeze %dma_start3A_51 : memref<1x1x2x128xi32, #tpu.memory_space<hbm>> -> memref<2x128xi32, #tpu.memory_space<hbm>>
    %dma_start3A_53 = arith.constant 0 : i32
    %dma_start3A_54 = arith.constant 0 : i32
    %dma_start3A_55 = tpu.memref_slice %arg6[%dma_start3A_44, %dma_start3A_53, %dma_start3A_54] : memref<5x2x128xi32, #tpu.memory_space<vmem>> -> memref<1x2x128xi32, #tpu.memory_space<vmem>>
    %dma_start3A_56 = tpu.memref_squeeze %dma_start3A_55 : memref<1x2x128xi32, #tpu.memory_space<vmem>> -> memref<2x128xi32, #tpu.memory_space<vmem>>
    %dma_start3A_57 = arith.constant 0 : i32
    %dma_start3A_58 = arith.constant 0 : i32
    %dma_start3A_59 = tpu.memref_slice %arg3[%add3A, %dma_start3A_43, %dma_start3A_57, %dma_start3A_58] : memref<32x79x2x128xi32, #tpu.memory_space<hbm>> -> memref<1x1x2x128xi32, #tpu.memory_space<hbm>>
    %dma_start3A_60 = tpu.memref_squeeze %dma_start3A_59 : memref<1x1x2x128xi32, #tpu.memory_space<hbm>> -> memref<2x128xi32, #tpu.memory_space<hbm>>
    tpu.enqueue_dma source(%dma_start3A_60 : memref<2x128xi32, #tpu.memory_space<hbm>>) target(%dma_start3A_56 : memref<2x128xi32, #tpu.memory_space<vmem>>) target_semaphore(%arg11 : memref<!tpu.dma_semaphore, #tpu.memory_space<semaphore_mem>>)
    %dma_start3A_61 = arith.constant 0 : i32
    %dma_start3A_62 = arith.constant 0 : i32
    %dma_start3A_63 = arith.constant 0 : i32
    %dma_start3A_64 = arith.constant 0 : i32
    %dma_start3A_65 = arith.constant 0 : i32
    %dma_start3A_66 = tpu.memref_slice %arg7[%dma_start3A_63, %dma_start3A_64, %dma_start3A_65] : memref<3x128x128xf32, #tpu.memory_space<vmem>> -> memref<1x64x128xf32, #tpu.memory_space<vmem>>
    %dma_start3A_67 = tpu.memref_squeeze %dma_start3A_66 : memref<1x64x128xf32, #tpu.memory_space<vmem>> -> memref<64x128xf32, #tpu.memory_space<vmem>>
    %dma_start3A_68 = arith.constant 0 : i32
    %dma_start3A_69 = tpu.memref_slice %arg6[%dma_start3A_61, %dma_start3A_62, %dma_start3A_68] : memref<5x2x128xi32, #tpu.memory_space<vmem>> -> memref<1x1x64xi32, #tpu.memory_space<vmem>>
    %dma_start3A_70 = tpu.memref_squeeze %dma_start3A_69 : memref<1x1x64xi32, #tpu.memory_space<vmem>> -> memref<64xi32, #tpu.memory_space<vmem>>
    %dma_start3A_71 = arith.constant 0 : i32
    %dma_start3A_72 = arith.constant 0 : i32
    %dma_start3A_73 = tpu.memref_slice %arg2[%dma_start3A_71, %dma_start3A_72] : memref<10016x128xf32, #tpu.memory_space<hbm>> -> memref<10016x128xf32, #tpu.memory_space<hbm>>
    tpu.enqueue_indirect_dma source(%dma_start3A_73 : memref<10016x128xf32, #tpu.memory_space<hbm>>) target(%dma_start3A_67 : memref<64x128xf32, #tpu.memory_space<vmem>>) offsets(%dma_start3A_70 : memref<64xi32, #tpu.memory_space<vmem>>) semaphore(%arg9 : memref<!tpu.dma_semaphore, #tpu.memory_space<semaphore_mem>>)
    %dma_start3A_74 = arith.constant 0 : i32
    %dma_start3A_75 = arith.constant 0 : i32
    %dma_start3A_76 = arith.constant 0 : i32
    %dma_start3A_77 = arith.constant 64 : i32
    %dma_start3A_78 = arith.constant 0 : i32
    %dma_start3A_79 = tpu.memref_slice %arg7[%dma_start3A_76, %dma_start3A_77, %dma_start3A_78] : memref<3x128x128xf32, #tpu.memory_space<vmem>> -> memref<1x64x128xf32, #tpu.memory_space<vmem>>
    %dma_start3A_80 = tpu.memref_squeeze %dma_start3A_79 : memref<1x64x128xf32, #tpu.memory_space<vmem>> -> memref<64x128xf32, #tpu.memory_space<vmem>>
    %dma_start3A_81 = arith.constant 64 : i32
    %dma_start3A_82 = tpu.memref_slice %arg6[%dma_start3A_74, %dma_start3A_75, %dma_start3A_81] : memref<5x2x128xi32, #tpu.memory_space<vmem>> -> memref<1x1x64xi32, #tpu.memory_space<vmem>>
    %dma_start3A_83 = tpu.memref_squeeze %dma_start3A_82 : memref<1x1x64xi32, #tpu.memory_space<vmem>> -> memref<64xi32, #tpu.memory_space<vmem>>
    %dma_start3A_84 = arith.constant 0 : i32
    %dma_start3A_85 = arith.constant 0 : i32
    %dma_start3A_86 = tpu.memref_slice %arg2[%dma_start3A_84, %dma_start3A_85] : memref<10016x128xf32, #tpu.memory_space<hbm>> -> memref<10016x128xf32, #tpu.memory_space<hbm>>
    tpu.enqueue_indirect_dma source(%dma_start3A_86 : memref<10016x128xf32, #tpu.memory_space<hbm>>) target(%dma_start3A_80 : memref<64x128xf32, #tpu.memory_space<vmem>>) offsets(%dma_start3A_83 : memref<64xi32, #tpu.memory_space<vmem>>) semaphore(%arg9 : memref<!tpu.dma_semaphore, #tpu.memory_space<semaphore_mem>>)
    %dma_wait3A = arith.constant 0 : i32
    %dma_wait3A_87 = arith.constant 1 : i32
    %dma_wait3A_88 = arith.constant 0 : i32
    %dma_wait3A_89 = arith.constant 0 : i32
    %dma_wait3A_90 = tpu.memref_slice %arg6[%dma_wait3A_87, %dma_wait3A_88, %dma_wait3A_89] : memref<5x2x128xi32, #tpu.memory_space<vmem>> -> memref<1x2x128xi32, #tpu.memory_space<vmem>>
    %dma_wait3A_91 = tpu.memref_squeeze %dma_wait3A_90 : memref<1x2x128xi32, #tpu.memory_space<vmem>> -> memref<2x128xi32, #tpu.memory_space<vmem>>
    %dma_wait3A_92 = arith.constant 0 : i32
    %dma_wait3A_93 = arith.constant 0 : i32
    %dma_wait3A_94 = tpu.memref_slice %arg3[%add3A, %dma_wait3A, %dma_wait3A_92, %dma_wait3A_93] : memref<32x79x2x128xi32, #tpu.memory_space<hbm>> -> memref<1x1x2x128xi32, #tpu.memory_space<hbm>>
    %dma_wait3A_95 = tpu.memref_squeeze %dma_wait3A_94 : memref<1x1x2x128xi32, #tpu.memory_space<hbm>> -> memref<2x128xi32, #tpu.memory_space<hbm>>
    %dma_wait3A_96 = arith.constant 0 : i32
    %dma_wait3A_97 = arith.constant 0 : i32
    %dma_wait3A_98 = tpu.memref_slice %arg6[%dma_wait3A_87, %dma_wait3A_96, %dma_wait3A_97] : memref<5x2x128xi32, #tpu.memory_space<vmem>> -> memref<1x2x128xi32, #tpu.memory_space<vmem>>
    %dma_wait3A_99 = tpu.memref_squeeze %dma_wait3A_98 : memref<1x2x128xi32, #tpu.memory_space<vmem>> -> memref<2x128xi32, #tpu.memory_space<vmem>>
    %dma_wait3A_100 = arith.constant 0 : i32
    %dma_wait3A_101 = arith.constant 0 : i32
    %dma_wait3A_102 = tpu.memref_slice %arg3[%add3A, %dma_wait3A, %dma_wait3A_100, %dma_wait3A_101] : memref<32x79x2x128xi32, #tpu.memory_space<hbm>> -> memref<1x1x2x128xi32, #tpu.memory_space<hbm>>
    %dma_wait3A_103 = tpu.memref_squeeze %dma_wait3A_102 : memref<1x1x2x128xi32, #tpu.memory_space<hbm>> -> memref<2x128xi32, #tpu.memory_space<hbm>>
    tpu.wait_dma2 semaphore(%arg11 : memref<!tpu.dma_semaphore, #tpu.memory_space<semaphore_mem>>) src(%dma_wait3A_103 : memref<2x128xi32, #tpu.memory_space<hbm>>) dst(%dma_wait3A_99 : memref<2x128xi32, #tpu.memory_space<vmem>>)
    %dma_start3A_104 = arith.constant 1 : i32
    %dma_start3A_105 = arith.constant 0 : i32
    %dma_start3A_106 = arith.constant 1 : i32
    %dma_start3A_107 = arith.constant 0 : i32
    %dma_start3A_108 = arith.constant 0 : i32
    %dma_start3A_109 = tpu.memref_slice %arg7[%dma_start3A_106, %dma_start3A_107, %dma_start3A_108] : memref<3x128x128xf32, #tpu.memory_space<vmem>> -> memref<1x64x128xf32, #tpu.memory_space<vmem>>
    %dma_start3A_110 = tpu.memref_squeeze %dma_start3A_109 : memref<1x64x128xf32, #tpu.memory_space<vmem>> -> memref<64x128xf32, #tpu.memory_space<vmem>>
    %dma_start3A_111 = arith.constant 0 : i32
    %dma_start3A_112 = tpu.memref_slice %arg6[%dma_start3A_104, %dma_start3A_105, %dma_start3A_111] : memref<5x2x128xi32, #tpu.memory_space<vmem>> -> memref<1x1x64xi32, #tpu.memory_space<vmem>>
    %dma_start3A_113 = tpu.memref_squeeze %dma_start3A_112 : memref<1x1x64xi32, #tpu.memory_space<vmem>> -> memref<64xi32, #tpu.memory_space<vmem>>
    %dma_start3A_114 = arith.constant 0 : i32
    %dma_start3A_115 = arith.constant 0 : i32
    %dma_start3A_116 = tpu.memref_slice %arg2[%dma_start3A_114, %dma_start3A_115] : memref<10016x128xf32, #tpu.memory_space<hbm>> -> memref<10016x128xf32, #tpu.memory_space<hbm>>
    tpu.enqueue_indirect_dma source(%dma_start3A_116 : memref<10016x128xf32, #tpu.memory_space<hbm>>) target(%dma_start3A_110 : memref<64x128xf32, #tpu.memory_space<vmem>>) offsets(%dma_start3A_113 : memref<64xi32, #tpu.memory_space<vmem>>) semaphore(%arg9 : memref<!tpu.dma_semaphore, #tpu.memory_space<semaphore_mem>>)
    %dma_start3A_117 = arith.constant 1 : i32
    %dma_start3A_118 = arith.constant 0 : i32
    %dma_start3A_119 = arith.constant 1 : i32
    %dma_start3A_120 = arith.constant 64 : i32
    %dma_start3A_121 = arith.constant 0 : i32
    %dma_start3A_122 = tpu.memref_slice %arg7[%dma_start3A_119, %dma_start3A_120, %dma_start3A_121] : memref<3x128x128xf32, #tpu.memory_space<vmem>> -> memref<1x64x128xf32, #tpu.memory_space<vmem>>
    %dma_start3A_123 = tpu.memref_squeeze %dma_start3A_122 : memref<1x64x128xf32, #tpu.memory_space<vmem>> -> memref<64x128xf32, #tpu.memory_space<vmem>>
    %dma_start3A_124 = arith.constant 64 : i32
    %dma_start3A_125 = tpu.memref_slice %arg6[%dma_start3A_117, %dma_start3A_118, %dma_start3A_124] : memref<5x2x128xi32, #tpu.memory_space<vmem>> -> memref<1x1x64xi32, #tpu.memory_space<vmem>>
    %dma_start3A_126 = tpu.memref_squeeze %dma_start3A_125 : memref<1x1x64xi32, #tpu.memory_space<vmem>> -> memref<64xi32, #tpu.memory_space<vmem>>
    %dma_start3A_127 = arith.constant 0 : i32
    %dma_start3A_128 = arith.constant 0 : i32
    %dma_start3A_129 = tpu.memref_slice %arg2[%dma_start3A_127, %dma_start3A_128] : memref<10016x128xf32, #tpu.memory_space<hbm>> -> memref<10016x128xf32, #tpu.memory_space<hbm>>
    tpu.enqueue_indirect_dma source(%dma_start3A_129 : memref<10016x128xf32, #tpu.memory_space<hbm>>) target(%dma_start3A_123 : memref<64x128xf32, #tpu.memory_space<vmem>>) offsets(%dma_start3A_126 : memref<64xi32, #tpu.memory_space<vmem>>) semaphore(%arg9 : memref<!tpu.dma_semaphore, #tpu.memory_space<semaphore_mem>>)
    %dma_wait3A_130 = arith.constant 0 : i32
    %dma_wait3A_131 = arith.constant 2 : i32
    %dma_wait3A_132 = arith.constant 0 : i32
    %dma_wait3A_133 = arith.constant 0 : i32
    %dma_wait3A_134 = tpu.memref_slice %arg6[%dma_wait3A_131, %dma_wait3A_132, %dma_wait3A_133] : memref<5x2x128xi32, #tpu.memory_space<vmem>> -> memref<1x2x128xi32, #tpu.memory_space<vmem>>
    %dma_wait3A_135 = tpu.memref_squeeze %dma_wait3A_134 : memref<1x2x128xi32, #tpu.memory_space<vmem>> -> memref<2x128xi32, #tpu.memory_space<vmem>>
    %dma_wait3A_136 = arith.constant 0 : i32
    %dma_wait3A_137 = arith.constant 0 : i32
    %dma_wait3A_138 = tpu.memref_slice %arg3[%add3A, %dma_wait3A_130, %dma_wait3A_136, %dma_wait3A_137] : memref<32x79x2x128xi32, #tpu.memory_space<hbm>> -> memref<1x1x2x128xi32, #tpu.memory_space<hbm>>
    %dma_wait3A_139 = tpu.memref_squeeze %dma_wait3A_138 : memref<1x1x2x128xi32, #tpu.memory_space<hbm>> -> memref<2x128xi32, #tpu.memory_space<hbm>>
    %dma_wait3A_140 = arith.constant 0 : i32
    %dma_wait3A_141 = arith.constant 0 : i32
    %dma_wait3A_142 = tpu.memref_slice %arg6[%dma_wait3A_131, %dma_wait3A_140, %dma_wait3A_141] : memref<5x2x128xi32, #tpu.memory_space<vmem>> -> memref<1x2x128xi32, #tpu.memory_space<vmem>>
    %dma_wait3A_143 = tpu.memref_squeeze %dma_wait3A_142 : memref<1x2x128xi32, #tpu.memory_space<vmem>> -> memref<2x128xi32, #tpu.memory_space<vmem>>
    %dma_wait3A_144 = arith.constant 0 : i32
    %dma_wait3A_145 = arith.constant 0 : i32
    %dma_wait3A_146 = tpu.memref_slice %arg3[%add3A, %dma_wait3A_130, %dma_wait3A_144, %dma_wait3A_145] : memref<32x79x2x128xi32, #tpu.memory_space<hbm>> -> memref<1x1x2x128xi32, #tpu.memory_space<hbm>>
    %dma_wait3A_147 = tpu.memref_squeeze %dma_wait3A_146 : memref<1x1x2x128xi32, #tpu.memory_space<hbm>> -> memref<2x128xi32, #tpu.memory_space<hbm>>
    tpu.wait_dma2 semaphore(%arg11 : memref<!tpu.dma_semaphore, #tpu.memory_space<semaphore_mem>>) src(%dma_wait3A_147 : memref<2x128xi32, #tpu.memory_space<hbm>>) dst(%dma_wait3A_143 : memref<2x128xi32, #tpu.memory_space<vmem>>)
    %dma_start3A_148 = arith.constant 2 : i32
    %dma_start3A_149 = arith.constant 0 : i32
    %dma_start3A_150 = arith.constant 2 : i32
    %dma_start3A_151 = arith.constant 0 : i32
    %dma_start3A_152 = arith.constant 0 : i32
    %dma_start3A_153 = tpu.memref_slice %arg7[%dma_start3A_150, %dma_start3A_151, %dma_start3A_152] : memref<3x128x128xf32, #tpu.memory_space<vmem>> -> memref<1x64x128xf32, #tpu.memory_space<vmem>>
    %dma_start3A_154 = tpu.memref_squeeze %dma_start3A_153 : memref<1x64x128xf32, #tpu.memory_space<vmem>> -> memref<64x128xf32, #tpu.memory_space<vmem>>
    %dma_start3A_155 = arith.constant 0 : i32
    %dma_start3A_156 = tpu.memref_slice %arg6[%dma_start3A_148, %dma_start3A_149, %dma_start3A_155] : memref<5x2x128xi32, #tpu.memory_space<vmem>> -> memref<1x1x64xi32, #tpu.memory_space<vmem>>
    %dma_start3A_157 = tpu.memref_squeeze %dma_start3A_156 : memref<1x1x64xi32, #tpu.memory_space<vmem>> -> memref<64xi32, #tpu.memory_space<vmem>>
    %dma_start3A_158 = arith.constant 0 : i32
    %dma_start3A_159 = arith.constant 0 : i32
    %dma_start3A_160 = tpu.memref_slice %arg2[%dma_start3A_158, %dma_start3A_159] : memref<10016x128xf32, #tpu.memory_space<hbm>> -> memref<10016x128xf32, #tpu.memory_space<hbm>>
    tpu.enqueue_indirect_dma source(%dma_start3A_160 : memref<10016x128xf32, #tpu.memory_space<hbm>>) target(%dma_start3A_154 : memref<64x128xf32, #tpu.memory_space<vmem>>) offsets(%dma_start3A_157 : memref<64xi32, #tpu.memory_space<vmem>>) semaphore(%arg9 : memref<!tpu.dma_semaphore, #tpu.memory_space<semaphore_mem>>)
    %dma_start3A_161 = arith.constant 2 : i32
    %dma_start3A_162 = arith.constant 0 : i32
    %dma_start3A_163 = arith.constant 2 : i32
    %dma_start3A_164 = arith.constant 64 : i32
    %dma_start3A_165 = arith.constant 0 : i32
    %dma_start3A_166 = tpu.memref_slice %arg7[%dma_start3A_163, %dma_start3A_164, %dma_start3A_165] : memref<3x128x128xf32, #tpu.memory_space<vmem>> -> memref<1x64x128xf32, #tpu.memory_space<vmem>>
    %dma_start3A_167 = tpu.memref_squeeze %dma_start3A_166 : memref<1x64x128xf32, #tpu.memory_space<vmem>> -> memref<64x128xf32, #tpu.memory_space<vmem>>
    %dma_start3A_168 = arith.constant 64 : i32
    %dma_start3A_169 = tpu.memref_slice %arg6[%dma_start3A_161, %dma_start3A_162, %dma_start3A_168] : memref<5x2x128xi32, #tpu.memory_space<vmem>> -> memref<1x1x64xi32, #tpu.memory_space<vmem>>
    %dma_start3A_170 = tpu.memref_squeeze %dma_start3A_169 : memref<1x1x64xi32, #tpu.memory_space<vmem>> -> memref<64xi32, #tpu.memory_space<vmem>>
    %dma_start3A_171 = arith.constant 0 : i32
    %dma_start3A_172 = arith.constant 0 : i32
    %dma_start3A_173 = tpu.memref_slice %arg2[%dma_start3A_171, %dma_start3A_172] : memref<10016x128xf32, #tpu.memory_space<hbm>> -> memref<10016x128xf32, #tpu.memory_space<hbm>>
    tpu.enqueue_indirect_dma source(%dma_start3A_173 : memref<10016x128xf32, #tpu.memory_space<hbm>>) target(%dma_start3A_167 : memref<64x128xf32, #tpu.memory_space<vmem>>) offsets(%dma_start3A_170 : memref<64xi32, #tpu.memory_space<vmem>>) semaphore(%arg9 : memref<!tpu.dma_semaphore, #tpu.memory_space<semaphore_mem>>)
    %scan3A = arith.constant 0 : i32
    %scan3A_174 = arith.constant 79 : i32
    %scan3A_175 = arith.addi %scan3A, %scan3A_174 : i32
    %scan3A_176 = arith.constant 1 : i32
    scf.for %scan3A_234 = %scan3A to %scan3A_175 step %scan3A_176  : i32 {
      %rem3A = arith.constant 3 : i32
      %rem3A_235 = arith.remsi %scan3A_234, %rem3A : i32
      %rem3A_236 = arith.constant 5 : i32
      %rem3A_237 = arith.remsi %scan3A_234, %rem3A_236 : i32
      %dma_wait3A_238 = arith.constant 0 : i32
      %dma_wait3A_239 = arith.constant 0 : i32
      %dma_wait3A_240 = tpu.memref_slice %arg7[%rem3A_235, %dma_wait3A_238, %dma_wait3A_239] : memref<3x128x128xf32, #tpu.memory_space<vmem>> -> memref<1x128x128xf32, #tpu.memory_space<vmem>>
      %dma_wait3A_241 = tpu.memref_squeeze %dma_wait3A_240 : memref<1x128x128xf32, #tpu.memory_space<vmem>> -> memref<128x128xf32, #tpu.memory_space<vmem>>
      %dma_wait3A_242 = arith.constant 0 : i32
      %dma_wait3A_243 = arith.constant 0 : i32
      %dma_wait3A_244 = tpu.memref_slice %arg2[%dma_wait3A_242, %dma_wait3A_243] : memref<10016x128xf32, #tpu.memory_space<hbm>> -> memref<128x128xf32, #tpu.memory_space<hbm>>
      %dma_wait3A_245 = arith.constant 0 : i32
      %dma_wait3A_246 = arith.constant 0 : i32
      %dma_wait3A_247 = tpu.memref_slice %arg7[%rem3A_235, %dma_wait3A_245, %dma_wait3A_246] : memref<3x128x128xf32, #tpu.memory_space<vmem>> -> memref<1x128x128xf32, #tpu.memory_space<vmem>>
      %dma_wait3A_248 = tpu.memref_squeeze %dma_wait3A_247 : memref<1x128x128xf32, #tpu.memory_space<vmem>> -> memref<128x128xf32, #tpu.memory_space<vmem>>
      %dma_wait3A_249 = arith.constant 0 : i32
      %dma_wait3A_250 = arith.constant 0 : i32
      %dma_wait3A_251 = tpu.memref_slice %arg2[%dma_wait3A_249, %dma_wait3A_250] : memref<10016x128xf32, #tpu.memory_space<hbm>> -> memref<128x128xf32, #tpu.memory_space<hbm>>
      tpu.wait_dma2 semaphore(%arg9 : memref<!tpu.dma_semaphore, #tpu.memory_space<semaphore_mem>>) src(%dma_wait3A_251 : memref<128x128xf32, #tpu.memory_space<hbm>>) dst(%dma_wait3A_248 : memref<128x128xf32, #tpu.memory_space<vmem>>)
      %dma_start3A_252 = arith.constant 1 : i32
      %dma_start3A_253 = arith.constant 0 : i32
      %dma_start3A_254 = arith.constant 0 : i32
      %dma_start3A_255 = tpu.memref_slice %arg7[%rem3A_235, %dma_start3A_253, %dma_start3A_254] : memref<3x128x128xf32, #tpu.memory_space<vmem>> -> memref<1x128x128xf32, #tpu.memory_space<vmem>>
      %dma_start3A_256 = tpu.memref_squeeze %dma_start3A_255 : memref<1x128x128xf32, #tpu.memory_space<vmem>> -> memref<128x128xf32, #tpu.memory_space<vmem>>
      %dma_start3A_257 = arith.constant 0 : i32
      %dma_start3A_258 = tpu.memref_slice %arg6[%rem3A_237, %dma_start3A_252, %dma_start3A_257] : memref<5x2x128xi32, #tpu.memory_space<vmem>> -> memref<1x1x128xi32, #tpu.memory_space<vmem>>
      %dma_start3A_259 = tpu.memref_squeeze %dma_start3A_258 : memref<1x1x128xi32, #tpu.memory_space<vmem>> -> memref<128xi32, #tpu.memory_space<vmem>>
      %dma_start3A_260 = arith.constant 0 : i32
      %dma_start3A_261 = arith.constant 0 : i32
      %dma_start3A_262 = tpu.memref_slice %arg8[%dma_start3A_260, %dma_start3A_261] : memref<10016x128xf32, #tpu.memory_space<vmem_shared>> -> memref<10016x128xf32, #tpu.memory_space<vmem_shared>>
      tpu.enqueue_indirect_dma source(%dma_start3A_256 : memref<128x128xf32, #tpu.memory_space<vmem>>) target(%dma_start3A_262 : memref<10016x128xf32, #tpu.memory_space<vmem_shared>>) offsets(%dma_start3A_259 : memref<128xi32, #tpu.memory_space<vmem>>) semaphore(%arg10 : memref<!tpu.dma_semaphore, #tpu.memory_space<semaphore_mem>>) {add = true}
      %add3A_263 = arith.constant 3 : i32
      %add3A_264 = arith.addi %scan3A_234, %add3A_263 : i32
      %lt3A_265 = arith.constant 79 : i32
      %lt3A_266 = arith.cmpi slt, %add3A_264, %lt3A_265 : i32
      %convert_element_type3A_267 = arith.extui %lt3A_266 : i1 to i32
      %cond3A_268 = arith.constant 0 : i32
      %cond3A_269 = arith.cmpi ne, %convert_element_type3A_267, %cond3A_268 : i32
      scf.if %cond3A_269 {
        %add3A_270 = arith.constant 3 : i32
        %add3A_271 = arith.addi %scan3A_234, %add3A_270 : i32
        %rem3A_272 = arith.constant 5 : i32
        %rem3A_273 = arith.remsi %add3A_271, %rem3A_272 : i32
        %dma_wait3A_274 = arith.constant 0 : i32
        %dma_wait3A_275 = arith.constant 0 : i32
        %dma_wait3A_276 = arith.constant 0 : i32
        %dma_wait3A_277 = tpu.memref_slice %arg6[%rem3A_273, %dma_wait3A_275, %dma_wait3A_276] : memref<5x2x128xi32, #tpu.memory_space<vmem>> -> memref<1x2x128xi32, #tpu.memory_space<vmem>>
        %dma_wait3A_278 = tpu.memref_squeeze %dma_wait3A_277 : memref<1x2x128xi32, #tpu.memory_space<vmem>> -> memref<2x128xi32, #tpu.memory_space<vmem>>
        %dma_wait3A_279 = arith.constant 0 : i32
        %dma_wait3A_280 = arith.constant 0 : i32
        %dma_wait3A_281 = tpu.memref_slice %arg3[%add3A, %dma_wait3A_274, %dma_wait3A_279, %dma_wait3A_280] : memref<32x79x2x128xi32, #tpu.memory_space<hbm>> -> memref<1x1x2x128xi32, #tpu.memory_space<hbm>>
        %dma_wait3A_282 = tpu.memref_squeeze %dma_wait3A_281 : memref<1x1x2x128xi32, #tpu.memory_space<hbm>> -> memref<2x128xi32, #tpu.memory_space<hbm>>
        %dma_wait3A_283 = arith.constant 0 : i32
        %dma_wait3A_284 = arith.constant 0 : i32
        %dma_wait3A_285 = tpu.memref_slice %arg6[%rem3A_273, %dma_wait3A_283, %dma_wait3A_284] : memref<5x2x128xi32, #tpu.memory_space<vmem>> -> memref<1x2x128xi32, #tpu.memory_space<vmem>>
        %dma_wait3A_286 = tpu.memref_squeeze %dma_wait3A_285 : memref<1x2x128xi32, #tpu.memory_space<vmem>> -> memref<2x128xi32, #tpu.memory_space<vmem>>
        %dma_wait3A_287 = arith.constant 0 : i32
        %dma_wait3A_288 = arith.constant 0 : i32
        %dma_wait3A_289 = tpu.memref_slice %arg3[%add3A, %dma_wait3A_274, %dma_wait3A_287, %dma_wait3A_288] : memref<32x79x2x128xi32, #tpu.memory_space<hbm>> -> memref<1x1x2x128xi32, #tpu.memory_space<hbm>>
        %dma_wait3A_290 = tpu.memref_squeeze %dma_wait3A_289 : memref<1x1x2x128xi32, #tpu.memory_space<hbm>> -> memref<2x128xi32, #tpu.memory_space<hbm>>
        tpu.wait_dma2 semaphore(%arg11 : memref<!tpu.dma_semaphore, #tpu.memory_space<semaphore_mem>>) src(%dma_wait3A_290 : memref<2x128xi32, #tpu.memory_space<hbm>>) dst(%dma_wait3A_286 : memref<2x128xi32, #tpu.memory_space<vmem>>)
        %dma_wait3A_291 = arith.constant 0 : i32
        %dma_wait3A_292 = arith.constant 0 : i32
        %dma_wait3A_293 = tpu.memref_slice %arg7[%rem3A_235, %dma_wait3A_291, %dma_wait3A_292] : memref<3x128x128xf32, #tpu.memory_space<vmem>> -> memref<1x128x128xf32, #tpu.memory_space<vmem>>
        %dma_wait3A_294 = tpu.memref_squeeze %dma_wait3A_293 : memref<1x128x128xf32, #tpu.memory_space<vmem>> -> memref<128x128xf32, #tpu.memory_space<vmem>>
        %dma_wait3A_295 = arith.constant 0 : i32
        %dma_wait3A_296 = arith.constant 0 : i32
        %dma_wait3A_297 = tpu.memref_slice %arg2[%dma_wait3A_295, %dma_wait3A_296] : memref<10016x128xf32, #tpu.memory_space<hbm>> -> memref<128x128xf32, #tpu.memory_space<hbm>>
        %dma_wait3A_298 = arith.constant 0 : i32
        %dma_wait3A_299 = arith.constant 0 : i32
        %dma_wait3A_300 = tpu.memref_slice %arg7[%rem3A_235, %dma_wait3A_298, %dma_wait3A_299] : memref<3x128x128xf32, #tpu.memory_space<vmem>> -> memref<1x128x128xf32, #tpu.memory_space<vmem>>
        %dma_wait3A_301 = tpu.memref_squeeze %dma_wait3A_300 : memref<1x128x128xf32, #tpu.memory_space<vmem>> -> memref<128x128xf32, #tpu.memory_space<vmem>>
        %dma_wait3A_302 = arith.constant 0 : i32
        %dma_wait3A_303 = arith.constant 0 : i32
        %dma_wait3A_304 = tpu.memref_slice %arg2[%dma_wait3A_302, %dma_wait3A_303] : memref<10016x128xf32, #tpu.memory_space<hbm>> -> memref<128x128xf32, #tpu.memory_space<hbm>>
        tpu.wait_dma2 semaphore(%arg10 : memref<!tpu.dma_semaphore, #tpu.memory_space<semaphore_mem>>) src(%dma_wait3A_304 : memref<128x128xf32, #tpu.memory_space<hbm>>) dst(%dma_wait3A_301 : memref<128x128xf32, #tpu.memory_space<vmem>>)
        %add3A_305 = arith.constant 3 : i32
        %add3A_306 = arith.addi %scan3A_234, %add3A_305 : i32
        %rem3A_307 = arith.constant 5 : i32
        %rem3A_308 = arith.remsi %add3A_306, %rem3A_307 : i32
        %dma_start3A_309 = arith.constant 0 : i32
        %dma_start3A_310 = arith.constant 0 : i32
        %dma_start3A_311 = arith.constant 0 : i32
        %dma_start3A_312 = tpu.memref_slice %arg7[%rem3A_235, %dma_start3A_310, %dma_start3A_311] : memref<3x128x128xf32, #tpu.memory_space<vmem>> -> memref<1x64x128xf32, #tpu.memory_space<vmem>>
        %dma_start3A_313 = tpu.memref_squeeze %dma_start3A_312 : memref<1x64x128xf32, #tpu.memory_space<vmem>> -> memref<64x128xf32, #tpu.memory_space<vmem>>
        %dma_start3A_314 = arith.constant 0 : i32
        %dma_start3A_315 = tpu.memref_slice %arg6[%rem3A_308, %dma_start3A_309, %dma_start3A_314] : memref<5x2x128xi32, #tpu.memory_space<vmem>> -> memref<1x1x64xi32, #tpu.memory_space<vmem>>
        %dma_start3A_316 = tpu.memref_squeeze %dma_start3A_315 : memref<1x1x64xi32, #tpu.memory_space<vmem>> -> memref<64xi32, #tpu.memory_space<vmem>>
        %dma_start3A_317 = arith.constant 0 : i32
        %dma_start3A_318 = arith.constant 0 : i32
        %dma_start3A_319 = tpu.memref_slice %arg2[%dma_start3A_317, %dma_start3A_318] : memref<10016x128xf32, #tpu.memory_space<hbm>> -> memref<10016x128xf32, #tpu.memory_space<hbm>>
        tpu.enqueue_indirect_dma source(%dma_start3A_319 : memref<10016x128xf32, #tpu.memory_space<hbm>>) target(%dma_start3A_313 : memref<64x128xf32, #tpu.memory_space<vmem>>) offsets(%dma_start3A_316 : memref<64xi32, #tpu.memory_space<vmem>>) semaphore(%arg9 : memref<!tpu.dma_semaphore, #tpu.memory_space<semaphore_mem>>)
        %dma_start3A_320 = arith.constant 0 : i32
        %dma_start3A_321 = arith.constant 64 : i32
        %dma_start3A_322 = arith.constant 0 : i32
        %dma_start3A_323 = tpu.memref_slice %arg7[%rem3A_235, %dma_start3A_321, %dma_start3A_322] : memref<3x128x128xf32, #tpu.memory_space<vmem>> -> memref<1x64x128xf32, #tpu.memory_space<vmem>>
        %dma_start3A_324 = tpu.memref_squeeze %dma_start3A_323 : memref<1x64x128xf32, #tpu.memory_space<vmem>> -> memref<64x128xf32, #tpu.memory_space<vmem>>
        %dma_start3A_325 = arith.constant 64 : i32
        %dma_start3A_326 = tpu.memref_slice %arg6[%rem3A_308, %dma_start3A_320, %dma_start3A_325] : memref<5x2x128xi32, #tpu.memory_space<vmem>> -> memref<1x1x64xi32, #tpu.memory_space<vmem>>
        %dma_start3A_327 = tpu.memref_squeeze %dma_start3A_326 : memref<1x1x64xi32, #tpu.memory_space<vmem>> -> memref<64xi32, #tpu.memory_space<vmem>>
        %dma_start3A_328 = arith.constant 0 : i32
        %dma_start3A_329 = arith.constant 0 : i32
        %dma_start3A_330 = tpu.memref_slice %arg2[%dma_start3A_328, %dma_start3A_329] : memref<10016x128xf32, #tpu.memory_space<hbm>> -> memref<10016x128xf32, #tpu.memory_space<hbm>>
        tpu.enqueue_indirect_dma source(%dma_start3A_330 : memref<10016x128xf32, #tpu.memory_space<hbm>>) target(%dma_start3A_324 : memref<64x128xf32, #tpu.memory_space<vmem>>) offsets(%dma_start3A_327 : memref<64xi32, #tpu.memory_space<vmem>>) semaphore(%arg9 : memref<!tpu.dma_semaphore, #tpu.memory_space<semaphore_mem>>)
        %add3A_331 = arith.constant 5 : i32
        %add3A_332 = arith.addi %scan3A_234, %add3A_331 : i32
        %sub3A = arith.constant 1 : i32
        %sub3A_333 = arith.subi %add3A_332, %sub3A : i32
        %lt3A_334 = arith.constant 79 : i32
        %lt3A_335 = arith.cmpi slt, %sub3A_333, %lt3A_334 : i32
        %convert_element_type3A_336 = arith.extui %lt3A_335 : i1 to i32
        %cond3A_337 = arith.constant 0 : i32
        %cond3A_338 = arith.cmpi ne, %convert_element_type3A_336, %cond3A_337 : i32
        scf.if %cond3A_338 {
          %add3A_339 = arith.constant 5 : i32
          %add3A_340 = arith.addi %scan3A_234, %add3A_339 : i32
          %sub3A_341 = arith.constant 1 : i32
          %sub3A_342 = arith.subi %add3A_340, %sub3A_341 : i32
          %add3A_343 = arith.constant 5 : i32
          %add3A_344 = arith.addi %scan3A_234, %add3A_343 : i32
          %sub3A_345 = arith.constant 1 : i32
          %sub3A_346 = arith.subi %add3A_344, %sub3A_345 : i32
          %rem3A_347 = arith.constant 5 : i32
          %rem3A_348 = arith.remsi %sub3A_346, %rem3A_347 : i32
          %dma_start3A_349 = arith.constant 0 : i32
          %dma_start3A_350 = arith.constant 0 : i32
          %dma_start3A_351 = tpu.memref_slice %arg6[%rem3A_348, %dma_start3A_349, %dma_start3A_350] : memref<5x2x128xi32, #tpu.memory_space<vmem>> -> memref<1x2x128xi32, #tpu.memory_space<vmem>>
          %dma_start3A_352 = tpu.memref_squeeze %dma_start3A_351 : memref<1x2x128xi32, #tpu.memory_space<vmem>> -> memref<2x128xi32, #tpu.memory_space<vmem>>
          %dma_start3A_353 = arith.constant 0 : i32
          %dma_start3A_354 = arith.constant 0 : i32
          %dma_start3A_355 = tpu.memref_slice %arg3[%add3A, %sub3A_342, %dma_start3A_353, %dma_start3A_354] : memref<32x79x2x128xi32, #tpu.memory_space<hbm>> -> memref<1x1x2x128xi32, #tpu.memory_space<hbm>>
          %dma_start3A_356 = tpu.memref_squeeze %dma_start3A_355 : memref<1x1x2x128xi32, #tpu.memory_space<hbm>> -> memref<2x128xi32, #tpu.memory_space<hbm>>
          %dma_start3A_357 = arith.constant 0 : i32
          %dma_start3A_358 = arith.constant 0 : i32
          %dma_start3A_359 = tpu.memref_slice %arg6[%rem3A_348, %dma_start3A_357, %dma_start3A_358] : memref<5x2x128xi32, #tpu.memory_space<vmem>> -> memref<1x2x128xi32, #tpu.memory_space<vmem>>
          %dma_start3A_360 = tpu.memref_squeeze %dma_start3A_359 : memref<1x2x128xi32, #tpu.memory_space<vmem>> -> memref<2x128xi32, #tpu.memory_space<vmem>>
          %dma_start3A_361 = arith.constant 0 : i32
          %dma_start3A_362 = arith.constant 0 : i32
          %dma_start3A_363 = tpu.memref_slice %arg3[%add3A, %sub3A_342, %dma_start3A_361, %dma_start3A_362] : memref<32x79x2x128xi32, #tpu.memory_space<hbm>> -> memref<1x1x2x128xi32, #tpu.memory_space<hbm>>
          %dma_start3A_364 = tpu.memref_squeeze %dma_start3A_363 : memref<1x1x2x128xi32, #tpu.memory_space<hbm>> -> memref<2x128xi32, #tpu.memory_space<hbm>>
          tpu.enqueue_dma source(%dma_start3A_364 : memref<2x128xi32, #tpu.memory_space<hbm>>) target(%dma_start3A_360 : memref<2x128xi32, #tpu.memory_space<vmem>>) target_semaphore(%arg11 : memref<!tpu.dma_semaphore, #tpu.memory_space<semaphore_mem>>)
        } else {
        }
      } else {
      }
    }
    %scan3A_177 = arith.constant 79 : i32
    %dma_wait3A_178 = arith.constant 0 : i32
    %dma_wait3A_179 = arith.constant 0 : i32
    %dma_wait3A_180 = arith.constant 0 : i32
    %dma_wait3A_181 = tpu.memref_slice %arg7[%dma_wait3A_178, %dma_wait3A_179, %dma_wait3A_180] : memref<3x128x128xf32, #tpu.memory_space<vmem>> -> memref<1x128x128xf32, #tpu.memory_space<vmem>>
    %dma_wait3A_182 = tpu.memref_squeeze %dma_wait3A_181 : memref<1x128x128xf32, #tpu.memory_space<vmem>> -> memref<128x128xf32, #tpu.memory_space<vmem>>
    %dma_wait3A_183 = arith.constant 0 : i32
    %dma_wait3A_184 = arith.constant 0 : i32
    %dma_wait3A_185 = tpu.memref_slice %arg2[%dma_wait3A_183, %dma_wait3A_184] : memref<10016x128xf32, #tpu.memory_space<hbm>> -> memref<128x128xf32, #tpu.memory_space<hbm>>
    %dma_wait3A_186 = arith.constant 0 : i32
    %dma_wait3A_187 = arith.constant 0 : i32
    %dma_wait3A_188 = tpu.memref_slice %arg7[%dma_wait3A_178, %dma_wait3A_186, %dma_wait3A_187] : memref<3x128x128xf32, #tpu.memory_space<vmem>> -> memref<1x128x128xf32, #tpu.memory_space<vmem>>
    %dma_wait3A_189 = tpu.memref_squeeze %dma_wait3A_188 : memref<1x128x128xf32, #tpu.memory_space<vmem>> -> memref<128x128xf32, #tpu.memory_space<vmem>>
    %dma_wait3A_190 = arith.constant 0 : i32
    %dma_wait3A_191 = arith.constant 0 : i32
    %dma_wait3A_192 = tpu.memref_slice %arg2[%dma_wait3A_190, %dma_wait3A_191] : memref<10016x128xf32, #tpu.memory_space<hbm>> -> memref<128x128xf32, #tpu.memory_space<hbm>>
    tpu.wait_dma2 semaphore(%arg10 : memref<!tpu.dma_semaphore, #tpu.memory_space<semaphore_mem>>) src(%dma_wait3A_192 : memref<128x128xf32, #tpu.memory_space<hbm>>) dst(%dma_wait3A_189 : memref<128x128xf32, #tpu.memory_space<vmem>>)
    %dma_wait3A_193 = arith.constant 0 : i32
    %dma_wait3A_194 = arith.constant 0 : i32
    %dma_wait3A_195 = arith.constant 0 : i32
    %dma_wait3A_196 = tpu.memref_slice %arg7[%dma_wait3A_193, %dma_wait3A_194, %dma_wait3A_195] : memref<3x128x128xf32, #tpu.memory_space<vmem>> -> memref<1x128x128xf32, #tpu.memory_space<vmem>>
    %dma_wait3A_197 = tpu.memref_squeeze %dma_wait3A_196 : memref<1x128x128xf32, #tpu.memory_space<vmem>> -> memref<128x128xf32, #tpu.memory_space<vmem>>
    %dma_wait3A_198 = arith.constant 0 : i32
    %dma_wait3A_199 = arith.constant 0 : i32
    %dma_wait3A_200 = tpu.memref_slice %arg2[%dma_wait3A_198, %dma_wait3A_199] : memref<10016x128xf32, #tpu.memory_space<hbm>> -> memref<128x128xf32, #tpu.memory_space<hbm>>
    %dma_wait3A_201 = arith.constant 0 : i32
    %dma_wait3A_202 = arith.constant 0 : i32
    %dma_wait3A_203 = tpu.memref_slice %arg7[%dma_wait3A_193, %dma_wait3A_201, %dma_wait3A_202] : memref<3x128x128xf32, #tpu.memory_space<vmem>> -> memref<1x128x128xf32, #tpu.memory_space<vmem>>
    %dma_wait3A_204 = tpu.memref_squeeze %dma_wait3A_203 : memref<1x128x128xf32, #tpu.memory_space<vmem>> -> memref<128x128xf32, #tpu.memory_space<vmem>>
    %dma_wait3A_205 = arith.constant 0 : i32
    %dma_wait3A_206 = arith.constant 0 : i32
    %dma_wait3A_207 = tpu.memref_slice %arg2[%dma_wait3A_205, %dma_wait3A_206] : memref<10016x128xf32, #tpu.memory_space<hbm>> -> memref<128x128xf32, #tpu.memory_space<hbm>>
    tpu.wait_dma2 semaphore(%arg10 : memref<!tpu.dma_semaphore, #tpu.memory_space<semaphore_mem>>) src(%dma_wait3A_207 : memref<128x128xf32, #tpu.memory_space<hbm>>) dst(%dma_wait3A_204 : memref<128x128xf32, #tpu.memory_space<vmem>>)
    %dma_wait3A_208 = arith.constant 0 : i32
    %dma_wait3A_209 = arith.constant 0 : i32
    %dma_wait3A_210 = arith.constant 0 : i32
    %dma_wait3A_211 = tpu.memref_slice %arg7[%dma_wait3A_208, %dma_wait3A_209, %dma_wait3A_210] : memref<3x128x128xf32, #tpu.memory_space<vmem>> -> memref<1x128x128xf32, #tpu.memory_space<vmem>>
    %dma_wait3A_212 = tpu.memref_squeeze %dma_wait3A_211 : memref<1x128x128xf32, #tpu.memory_space<vmem>> -> memref<128x128xf32, #tpu.memory_space<vmem>>
    %dma_wait3A_213 = arith.constant 0 : i32
    %dma_wait3A_214 = arith.constant 0 : i32
    %dma_wait3A_215 = tpu.memref_slice %arg2[%dma_wait3A_213, %dma_wait3A_214] : memref<10016x128xf32, #tpu.memory_space<hbm>> -> memref<128x128xf32, #tpu.memory_space<hbm>>
    %dma_wait3A_216 = arith.constant 0 : i32
    %dma_wait3A_217 = arith.constant 0 : i32
    %dma_wait3A_218 = tpu.memref_slice %arg7[%dma_wait3A_208, %dma_wait3A_216, %dma_wait3A_217] : memref<3x128x128xf32, #tpu.memory_space<vmem>> -> memref<1x128x128xf32, #tpu.memory_space<vmem>>
    %dma_wait3A_219 = tpu.memref_squeeze %dma_wait3A_218 : memref<1x128x128xf32, #tpu.memory_space<vmem>> -> memref<128x128xf32, #tpu.memory_space<vmem>>
    %dma_wait3A_220 = arith.constant 0 : i32
    %dma_wait3A_221 = arith.constant 0 : i32
    %dma_wait3A_222 = tpu.memref_slice %arg2[%dma_wait3A_220, %dma_wait3A_221] : memref<10016x128xf32, #tpu.memory_space<hbm>> -> memref<128x128xf32, #tpu.memory_space<hbm>>
    tpu.wait_dma2 semaphore(%arg10 : memref<!tpu.dma_semaphore, #tpu.memory_space<semaphore_mem>>) src(%dma_wait3A_222 : memref<128x128xf32, #tpu.memory_space<hbm>>) dst(%dma_wait3A_219 : memref<128x128xf32, #tpu.memory_space<vmem>>)
    %barrier3A_223 = arith.constant 0 : index
    tpu.barrier barrier_id(%barrier3A_223)
    %lt3A_224 = arith.constant 15 : i32
    %lt3A_225 = arith.cmpi slt, %arg1, %lt3A_224 : i32
    %convert_element_type3A_226 = arith.extui %lt3A_225 : i1 to i32
    %cond3A_227 = arith.constant 0 : i32
    %cond3A_228 = arith.cmpi ne, %convert_element_type3A_226, %cond3A_227 : i32
    scf.if %cond3A_228 {
      %mul3A_234 = arith.constant 632 : i32
      %mul3A_235 = arith.muli %arg1, %mul3A_234 : i32
      %mul3A_236 = arith.constant 10016 : i32
      %mul3A_237 = arith.muli %arg0, %mul3A_236 : i32
      %mul3A_238 = arith.constant 632 : i32
      %mul3A_239 = arith.muli %arg1, %mul3A_238 : i32
      %add3A_240 = arith.addi %mul3A_237, %mul3A_239 : i32
      "tpu.region"() ({
        %run_scoped3A_241 = tpu.sem_alloc : memref<!tpu.dma_semaphore, #tpu.memory_space<semaphore_mem>>
        %dma_start3A_242 = arith.constant 0 : i32
        %dma_start3A_243 = tpu.memref_slice %arg5[%add3A_240, %dma_start3A_242] : memref<20032x128xf32, #tpu.memory_space<hbm>> -> memref<632x128xf32, #tpu.memory_space<hbm>>
        %dma_start3A_244 = arith.constant 0 : i32
        %dma_start3A_245 = tpu.memref_slice %arg8[%mul3A_235, %dma_start3A_244] : memref<10016x128xf32, #tpu.memory_space<vmem_shared>> -> memref<632x128xf32, #tpu.memory_space<vmem_shared>>
        tpu.enqueue_dma source(%dma_start3A_245 : memref<632x128xf32, #tpu.memory_space<vmem_shared>>) target(%dma_start3A_243 : memref<632x128xf32, #tpu.memory_space<hbm>>) target_semaphore(%run_scoped3A_241 : memref<!tpu.dma_semaphore, #tpu.memory_space<semaphore_mem>>)
        %dma_wait3A_246 = arith.constant 0 : i32
        %dma_wait3A_247 = tpu.memref_slice %arg5[%add3A_240, %dma_wait3A_246] : memref<20032x128xf32, #tpu.memory_space<hbm>> -> memref<632x128xf32, #tpu.memory_space<hbm>>
        %dma_wait3A_248 = arith.constant 0 : i32
        %dma_wait3A_249 = tpu.memref_slice %arg8[%mul3A_235, %dma_wait3A_248] : memref<10016x128xf32, #tpu.memory_space<vmem_shared>> -> memref<632x128xf32, #tpu.memory_space<vmem_shared>>
        tpu.wait_dma2 semaphore(%run_scoped3A_241 : memref<!tpu.dma_semaphore, #tpu.memory_space<semaphore_mem>>) src(%dma_wait3A_249 : memref<632x128xf32, #tpu.memory_space<vmem_shared>>) dst(%dma_wait3A_247 : memref<632x128xf32, #tpu.memory_space<hbm>>)
        tpu.yield
      }) : () -> ()
    } else {
    }
    %eq3A_229 = arith.constant 15 : i32
    %eq3A_230 = arith.cmpi eq, %arg1, %eq3A_229 : i32
    %convert_element_type3A_231 = arith.extui %eq3A_230 : i1 to i32
    %cond3A_232 = arith.constant 0 : i32
    %cond3A_233 = arith.cmpi ne, %convert_element_type3A_231, %cond3A_232 : i32
    scf.if %cond3A_233 {
      %mul3A_234 = arith.constant 10016 : i32
      %mul3A_235 = arith.muli %arg0, %mul3A_234 : i32
      %add3A_236 = arith.constant 9480 : i32
      %add3A_237 = arith.addi %mul3A_235, %add3A_236 : i32
      "tpu.region"() ({
        %run_scoped3A_238 = tpu.sem_alloc : memref<!tpu.dma_semaphore, #tpu.memory_space<semaphore_mem>>
        %dma_start3A_239 = arith.constant 0 : i32
        %dma_start3A_240 = tpu.memref_slice %arg5[%add3A_237, %dma_start3A_239] : memref<20032x128xf32, #tpu.memory_space<hbm>> -> memref<536x128xf32, #tpu.memory_space<hbm>>
        %dma_start3A_241 = arith.constant 9480 : i32
        %dma_start3A_242 = arith.constant 0 : i32
        %dma_start3A_243 = tpu.memref_slice %arg8[%dma_start3A_241, %dma_start3A_242] : memref<10016x128xf32, #tpu.memory_space<vmem_shared>> -> memref<536x128xf32, #tpu.memory_space<vmem_shared>>
        tpu.enqueue_dma source(%dma_start3A_243 : memref<536x128xf32, #tpu.memory_space<vmem_shared>>) target(%dma_start3A_240 : memref<536x128xf32, #tpu.memory_space<hbm>>) target_semaphore(%run_scoped3A_238 : memref<!tpu.dma_semaphore, #tpu.memory_space<semaphore_mem>>)
        %dma_wait3A_244 = arith.constant 0 : i32
        %dma_wait3A_245 = tpu.memref_slice %arg5[%add3A_237, %dma_wait3A_244] : memref<20032x128xf32, #tpu.memory_space<hbm>> -> memref<536x128xf32, #tpu.memory_space<hbm>>
        %dma_wait3A_246 = arith.constant 9480 : i32
        %dma_wait3A_247 = arith.constant 0 : i32
        %dma_wait3A_248 = tpu.memref_slice %arg8[%dma_wait3A_246, %dma_wait3A_247] : memref<10016x128xf32, #tpu.memory_space<vmem_shared>> -> memref<536x128xf32, #tpu.memory_space<vmem_shared>>
        tpu.wait_dma2 semaphore(%run_scoped3A_238 : memref<!tpu.dma_semaphore, #tpu.memory_space<semaphore_mem>>) src(%dma_wait3A_248 : memref<536x128xf32, #tpu.memory_space<vmem_shared>>) dst(%dma_wait3A_245 : memref<536x128xf32, #tpu.memory_space<hbm>>)
        tpu.yield
      }) : () -> ()
    } else {
    }
    return
  }
}

#map = affine_map<(d0, d1) -> (0, 0, 0, 0)>
#map1 = affine_map<(d0, d1) -> (0)>
module attributes {stable_mosaic.version = 14 : i64} {
  func.func @_deg_kernel(%arg0: i32, %arg1: i32, %arg2: memref<32x79x2x128xi32, #tpu.memory_space<hbm>>, %arg3: memref<10240xf32, #tpu.memory_space<hbm>>, %arg4: memref<20480xf32, #tpu.memory_space<hbm>>, %arg5: memref<79x2x128xi32, #tpu.memory_space<vmem>>, %arg6: memref<128xf32, #tpu.memory_space<vmem>>, %arg7: memref<10240xf32, #tpu.memory_space<vmem_shared>>) attributes {dimension_semantics = [#tpu.dimension_semantics<core_parallel>, #tpu.dimension_semantics<subcore_parallel>], iteration_bounds = array<i64: 2, 16>, scalar_prefetch = 0 : i64, scratch_operands = 3 : i64, tpu.core_type = #tpu.core_type<sc_vector_subcore>, window_params = [{transform_indices = #map}, {transform_indices = #map1}, {transform_indices = #map1}]} {
    %mul3A = arith.constant 2 : i32
    %mul3A_0 = arith.muli %arg1, %mul3A : i32
    %add3A = arith.addi %mul3A_0, %arg0 : i32
    %broadcast_in_dim3A = arith.constant 1.000000e+00 : f32
    %broadcast_in_dim3A_1 = vector.broadcast %broadcast_in_dim3A : f32 to vector<16xf32>
    %swap3A = arith.constant 0 : index
    %swap3A_2 = tpu.vector_load %arg6[%swap3A] {strides = array<i32>} : memref<128xf32, #tpu.memory_space<vmem>>, vector<16xf32>,
    %swap3A_3 = vector.shape_cast %swap3A_2 : vector<16xf32> to vector<16xf32>
    %swap3A_4 = vector.shape_cast %broadcast_in_dim3A_1 : vector<16xf32> to vector<16xf32>
    tpu.vector_store %arg6[%swap3A], %swap3A_4 {strides = array<i32>} : memref<128xf32, #tpu.memory_space<vmem>>, vector<16xf32>,
    %broadcast_in_dim3A_5 = arith.constant 1.000000e+00 : f32
    %broadcast_in_dim3A_6 = vector.broadcast %broadcast_in_dim3A_5 : f32 to vector<16xf32>
    %swap3A_7 = arith.constant 16 : index
    %swap3A_8 = tpu.vector_load %arg6[%swap3A_7] {strides = array<i32>} : memref<128xf32, #tpu.memory_space<vmem>>, vector<16xf32>,
    %swap3A_9 = vector.shape_cast %swap3A_8 : vector<16xf32> to vector<16xf32>
    %swap3A_10 = vector.shape_cast %broadcast_in_dim3A_6 : vector<16xf32> to vector<16xf32>
    tpu.vector_store %arg6[%swap3A_7], %swap3A_10 {strides = array<i32>} : memref<128xf32, #tpu.memory_space<vmem>>, vector<16xf32>,
    %broadcast_in_dim3A_11 = arith.constant 1.000000e+00 : f32
    %broadcast_in_dim3A_12 = vector.broadcast %broadcast_in_dim3A_11 : f32 to vector<16xf32>
    %swap3A_13 = arith.constant 32 : index
    %swap3A_14 = tpu.vector_load %arg6[%swap3A_13] {strides = array<i32>} : memref<128xf32, #tpu.memory_space<vmem>>, vector<16xf32>,
    %swap3A_15 = vector.shape_cast %swap3A_14 : vector<16xf32> to vector<16xf32>
    %swap3A_16 = vector.shape_cast %broadcast_in_dim3A_12 : vector<16xf32> to vector<16xf32>
    tpu.vector_store %arg6[%swap3A_13], %swap3A_16 {strides = array<i32>} : memref<128xf32, #tpu.memory_space<vmem>>, vector<16xf32>,
    %broadcast_in_dim3A_17 = arith.constant 1.000000e+00 : f32
    %broadcast_in_dim3A_18 = vector.broadcast %broadcast_in_dim3A_17 : f32 to vector<16xf32>
    %swap3A_19 = arith.constant 48 : index
    %swap3A_20 = tpu.vector_load %arg6[%swap3A_19] {strides = array<i32>} : memref<128xf32, #tpu.memory_space<vmem>>, vector<16xf32>,
    %swap3A_21 = vector.shape_cast %swap3A_20 : vector<16xf32> to vector<16xf32>
    %swap3A_22 = vector.shape_cast %broadcast_in_dim3A_18 : vector<16xf32> to vector<16xf32>
    tpu.vector_store %arg6[%swap3A_19], %swap3A_22 {strides = array<i32>} : memref<128xf32, #tpu.memory_space<vmem>>, vector<16xf32>,
    %broadcast_in_dim3A_23 = arith.constant 1.000000e+00 : f32
    %broadcast_in_dim3A_24 = vector.broadcast %broadcast_in_dim3A_23 : f32 to vector<16xf32>
    %swap3A_25 = arith.constant 64 : index
    %swap3A_26 = tpu.vector_load %arg6[%swap3A_25] {strides = array<i32>} : memref<128xf32, #tpu.memory_space<vmem>>, vector<16xf32>,
    %swap3A_27 = vector.shape_cast %swap3A_26 : vector<16xf32> to vector<16xf32>
    %swap3A_28 = vector.shape_cast %broadcast_in_dim3A_24 : vector<16xf32> to vector<16xf32>
    tpu.vector_store %arg6[%swap3A_25], %swap3A_28 {strides = array<i32>} : memref<128xf32, #tpu.memory_space<vmem>>, vector<16xf32>,
    %broadcast_in_dim3A_29 = arith.constant 1.000000e+00 : f32
    %broadcast_in_dim3A_30 = vector.broadcast %broadcast_in_dim3A_29 : f32 to vector<16xf32>
    %swap3A_31 = arith.constant 80 : index
    %swap3A_32 = tpu.vector_load %arg6[%swap3A_31] {strides = array<i32>} : memref<128xf32, #tpu.memory_space<vmem>>, vector<16xf32>,
    %swap3A_33 = vector.shape_cast %swap3A_32 : vector<16xf32> to vector<16xf32>
    %swap3A_34 = vector.shape_cast %broadcast_in_dim3A_30 : vector<16xf32> to vector<16xf32>
    tpu.vector_store %arg6[%swap3A_31], %swap3A_34 {strides = array<i32>} : memref<128xf32, #tpu.memory_space<vmem>>, vector<16xf32>,
    %broadcast_in_dim3A_35 = arith.constant 1.000000e+00 : f32
    %broadcast_in_dim3A_36 = vector.broadcast %broadcast_in_dim3A_35 : f32 to vector<16xf32>
    %swap3A_37 = arith.constant 96 : index
    %swap3A_38 = tpu.vector_load %arg6[%swap3A_37] {strides = array<i32>} : memref<128xf32, #tpu.memory_space<vmem>>, vector<16xf32>,
    %swap3A_39 = vector.shape_cast %swap3A_38 : vector<16xf32> to vector<16xf32>
    %swap3A_40 = vector.shape_cast %broadcast_in_dim3A_36 : vector<16xf32> to vector<16xf32>
    tpu.vector_store %arg6[%swap3A_37], %swap3A_40 {strides = array<i32>} : memref<128xf32, #tpu.memory_space<vmem>>, vector<16xf32>,
    %broadcast_in_dim3A_41 = arith.constant 1.000000e+00 : f32
    %broadcast_in_dim3A_42 = vector.broadcast %broadcast_in_dim3A_41 : f32 to vector<16xf32>
    %swap3A_43 = arith.constant 112 : index
    %swap3A_44 = tpu.vector_load %arg6[%swap3A_43] {strides = array<i32>} : memref<128xf32, #tpu.memory_space<vmem>>, vector<16xf32>,
    %swap3A_45 = vector.shape_cast %swap3A_44 : vector<16xf32> to vector<16xf32>
    %swap3A_46 = vector.shape_cast %broadcast_in_dim3A_42 : vector<16xf32> to vector<16xf32>
    tpu.vector_store %arg6[%swap3A_43], %swap3A_46 {strides = array<i32>} : memref<128xf32, #tpu.memory_space<vmem>>, vector<16xf32>,
    %mul3A_47 = arith.constant 640 : i32
    %mul3A_48 = arith.muli %arg1, %mul3A_47 : i32
    %mul3A_49 = arith.constant 640 : i32
    %mul3A_50 = arith.muli %arg1, %mul3A_49 : i32
    "tpu.region"() ({
      %run_scoped3A = tpu.sem_alloc : memref<!tpu.dma_semaphore, #tpu.memory_space<semaphore_mem>>
      %dma_start3A = tpu.memref_slice %arg7[%mul3A_50] : memref<10240xf32, #tpu.memory_space<vmem_shared>> -> memref<640xf32, #tpu.memory_space<vmem_shared>>
      %dma_start3A_63 = tpu.memref_slice %arg3[%mul3A_48] : memref<10240xf32, #tpu.memory_space<hbm>> -> memref<640xf32, #tpu.memory_space<hbm>>
      tpu.enqueue_dma source(%dma_start3A_63 : memref<640xf32, #tpu.memory_space<hbm>>) target(%dma_start3A : memref<640xf32, #tpu.memory_space<vmem_shared>>) target_semaphore(%run_scoped3A : memref<!tpu.dma_semaphore, #tpu.memory_space<semaphore_mem>>)
      %dma_wait3A = tpu.memref_slice %arg7[%mul3A_50] : memref<10240xf32, #tpu.memory_space<vmem_shared>> -> memref<640xf32, #tpu.memory_space<vmem_shared>>
      %dma_wait3A_64 = tpu.memref_slice %arg3[%mul3A_48] : memref<10240xf32, #tpu.memory_space<hbm>> -> memref<640xf32, #tpu.memory_space<hbm>>
      tpu.wait_dma2 semaphore(%run_scoped3A : memref<!tpu.dma_semaphore, #tpu.memory_space<semaphore_mem>>) src(%dma_wait3A_64 : memref<640xf32, #tpu.memory_space<hbm>>) dst(%dma_wait3A : memref<640xf32, #tpu.memory_space<vmem_shared>>)
      tpu.yield
    }) : () -> ()
    "tpu.region"() ({
      %run_scoped3A = tpu.sem_alloc : memref<!tpu.dma_semaphore, #tpu.memory_space<semaphore_mem>>
      %dma_start3A = arith.constant 0 : i32
      %dma_start3A_63 = arith.constant 0 : i32
      %dma_start3A_64 = arith.constant 0 : i32
      %dma_start3A_65 = tpu.memref_slice %arg2[%add3A, %dma_start3A, %dma_start3A_63, %dma_start3A_64] : memref<32x79x2x128xi32, #tpu.memory_space<hbm>> -> memref<1x79x2x128xi32, #tpu.memory_space<hbm>>
      %dma_start3A_66 = tpu.memref_squeeze %dma_start3A_65 : memref<1x79x2x128xi32, #tpu.memory_space<hbm>> -> memref<79x2x128xi32, #tpu.memory_space<hbm>>
      %dma_start3A_67 = arith.constant 0 : i32
      %dma_start3A_68 = arith.constant 0 : i32
      %dma_start3A_69 = arith.constant 0 : i32
      %dma_start3A_70 = tpu.memref_slice %arg2[%add3A, %dma_start3A_67, %dma_start3A_68, %dma_start3A_69] : memref<32x79x2x128xi32, #tpu.memory_space<hbm>> -> memref<1x79x2x128xi32, #tpu.memory_space<hbm>>
      %dma_start3A_71 = tpu.memref_squeeze %dma_start3A_70 : memref<1x79x2x128xi32, #tpu.memory_space<hbm>> -> memref<79x2x128xi32, #tpu.memory_space<hbm>>
      tpu.enqueue_dma source(%dma_start3A_71 : memref<79x2x128xi32, #tpu.memory_space<hbm>>) target(%arg5 : memref<79x2x128xi32, #tpu.memory_space<vmem>>) target_semaphore(%run_scoped3A : memref<!tpu.dma_semaphore, #tpu.memory_space<semaphore_mem>>)
      %dma_wait3A = arith.constant 0 : i32
      %dma_wait3A_72 = arith.constant 0 : i32
      %dma_wait3A_73 = arith.constant 0 : i32
      %dma_wait3A_74 = tpu.memref_slice %arg2[%add3A, %dma_wait3A, %dma_wait3A_72, %dma_wait3A_73] : memref<32x79x2x128xi32, #tpu.memory_space<hbm>> -> memref<1x79x2x128xi32, #tpu.memory_space<hbm>>
      %dma_wait3A_75 = tpu.memref_squeeze %dma_wait3A_74 : memref<1x79x2x128xi32, #tpu.memory_space<hbm>> -> memref<79x2x128xi32, #tpu.memory_space<hbm>>
      %dma_wait3A_76 = arith.constant 0 : i32
      %dma_wait3A_77 = arith.constant 0 : i32
      %dma_wait3A_78 = arith.constant 0 : i32
      %dma_wait3A_79 = tpu.memref_slice %arg2[%add3A, %dma_wait3A_76, %dma_wait3A_77, %dma_wait3A_78] : memref<32x79x2x128xi32, #tpu.memory_space<hbm>> -> memref<1x79x2x128xi32, #tpu.memory_space<hbm>>
      %dma_wait3A_80 = tpu.memref_squeeze %dma_wait3A_79 : memref<1x79x2x128xi32, #tpu.memory_space<hbm>> -> memref<79x2x128xi32, #tpu.memory_space<hbm>>
      tpu.wait_dma2 semaphore(%run_scoped3A : memref<!tpu.dma_semaphore, #tpu.memory_space<semaphore_mem>>) src(%dma_wait3A_80 : memref<79x2x128xi32, #tpu.memory_space<hbm>>) dst(%arg5 : memref<79x2x128xi32, #tpu.memory_space<vmem>>)
      tpu.yield
    }) : () -> ()
    %barrier3A = arith.constant 0 : index
    tpu.barrier barrier_id(%barrier3A)
    %scan3A = arith.constant 0 : i32
    %scan3A_51 = arith.constant 79 : i32
    %scan3A_52 = arith.addi %scan3A, %scan3A_51 : i32
    %scan3A_53 = arith.constant 1 : i32
    scf.for %scan3A_63 = %scan3A to %scan3A_52 step %scan3A_53  : i32 {
      %run_scoped3A = arith.constant 1 : i32
      "tpu.region"() ({
        %run_scoped3A_64 = tpu.sem_alloc : memref<!tpu.dma_semaphore, #tpu.memory_space<semaphore_mem>>
        %dma_start3A = arith.constant 0 : i32
        %dma_start3A_65 = tpu.memref_slice %arg5[%scan3A_63, %run_scoped3A, %dma_start3A] : memref<79x2x128xi32, #tpu.memory_space<vmem>> -> memref<1x1x128xi32, #tpu.memory_space<vmem>>
        %dma_start3A_66 = tpu.memref_squeeze %dma_start3A_65 : memref<1x1x128xi32, #tpu.memory_space<vmem>> -> memref<128xi32, #tpu.memory_space<vmem>>
        %dma_start3A_67 = arith.constant 0 : i32
        %dma_start3A_68 = tpu.memref_slice %arg7[%dma_start3A_67] : memref<10240xf32, #tpu.memory_space<vmem_shared>> -> memref<10240xf32, #tpu.memory_space<vmem_shared>>
        tpu.enqueue_indirect_dma source(%arg6 : memref<128xf32, #tpu.memory_space<vmem>>) target(%dma_start3A_68 : memref<10240xf32, #tpu.memory_space<vmem_shared>>) offsets(%dma_start3A_66 : memref<128xi32, #tpu.memory_space<vmem>>) semaphore(%run_scoped3A_64 : memref<!tpu.dma_semaphore, #tpu.memory_space<semaphore_mem>>) {add = true}
        %dma_wait3A = arith.constant 0 : i32
        %dma_wait3A_69 = tpu.memref_slice %arg5[%scan3A_63, %run_scoped3A, %dma_wait3A] : memref<79x2x128xi32, #tpu.memory_space<vmem>> -> memref<1x1x128xi32, #tpu.memory_space<vmem>>
        %dma_wait3A_70 = tpu.memref_squeeze %dma_wait3A_69 : memref<1x1x128xi32, #tpu.memory_space<vmem>> -> memref<128xi32, #tpu.memory_space<vmem>>
        %dma_wait3A_71 = arith.constant 0 : i32
        %dma_wait3A_72 = tpu.memref_slice %arg7[%dma_wait3A_71] : memref<10240xf32, #tpu.memory_space<vmem_shared>> -> memref<10240xf32, #tpu.memory_space<vmem_shared>>
        tpu.wait_indirect_dma semaphore(%run_scoped3A_64 : memref<!tpu.dma_semaphore, #tpu.memory_space<semaphore_mem>>) src(%arg6 : memref<128xf32, #tpu.memory_space<vmem>>) dst(%dma_wait3A_72 : memref<10240xf32, #tpu.memory_space<vmem_shared>>)
        tpu.yield
      }) : () -> ()
    }
    %scan3A_54 = arith.constant 79 : i32
    %barrier3A_55 = arith.constant 0 : index
    tpu.barrier barrier_id(%barrier3A_55)
    %mul3A_56 = arith.constant 640 : i32
    %mul3A_57 = arith.muli %arg1, %mul3A_56 : i32
    %mul3A_58 = arith.constant 10240 : i32
    %mul3A_59 = arith.muli %arg0, %mul3A_58 : i32
    %mul3A_60 = arith.constant 640 : i32
    %mul3A_61 = arith.muli %arg1, %mul3A_60 : i32
    %add3A_62 = arith.addi %mul3A_59, %mul3A_61 : i32
    "tpu.region"() ({
      %run_scoped3A = tpu.sem_alloc : memref<!tpu.dma_semaphore, #tpu.memory_space<semaphore_mem>>
      %dma_start3A = tpu.memref_slice %arg4[%add3A_62] : memref<20480xf32, #tpu.memory_space<hbm>> -> memref<640xf32, #tpu.memory_space<hbm>>
      %dma_start3A_63 = tpu.memref_slice %arg7[%mul3A_57] : memref<10240xf32, #tpu.memory_space<vmem_shared>> -> memref<640xf32, #tpu.memory_space<vmem_shared>>
      tpu.enqueue_dma source(%dma_start3A_63 : memref<640xf32, #tpu.memory_space<vmem_shared>>) target(%dma_start3A : memref<640xf32, #tpu.memory_space<hbm>>) target_semaphore(%run_scoped3A : memref<!tpu.dma_semaphore, #tpu.memory_space<semaphore_mem>>)
      %dma_wait3A = tpu.memref_slice %arg4[%add3A_62] : memref<20480xf32, #tpu.memory_space<hbm>> -> memref<640xf32, #tpu.memory_space<hbm>>
      %dma_wait3A_64 = tpu.memref_slice %arg7[%mul3A_57] : memref<10240xf32, #tpu.memory_space<vmem_shared>> -> memref<640xf32, #tpu.memory_space<vmem_shared>>
      tpu.wait_dma2 semaphore(%run_scoped3A : memref<!tpu.dma_semaphore, #tpu.memory_space<semaphore_mem>>) src(%dma_wait3A_64 : memref<640xf32, #tpu.memory_space<vmem_shared>>) dst(%dma_wait3A : memref<640xf32, #tpu.memory_space<hbm>>)
      tpu.yield
    }) : () -> ()
    return
  }
}

#map = affine_map<(d0, d1) -> (0, 0)>
#map1 = affine_map<(d0, d1) -> (0, 0, 0, 0)>
module attributes {stable_mosaic.version = 14 : i64} {
  func.func @_scatter_kernel(%arg0: i32, %arg1: i32, %arg2: memref<10016x128xf32, #tpu.memory_space<hbm>>, %arg3: memref<32x79x2x128xi32, #tpu.memory_space<hbm>>, %arg4: memref<10016x128xf32, #tpu.memory_space<hbm>>, %arg5: memref<20032x128xf32, #tpu.memory_space<hbm>>, %arg6: memref<5x2x128xi32, #tpu.memory_space<vmem>>, %arg7: memref<3x128x128xf32, #tpu.memory_space<vmem>>, %arg8: memref<10016x128xf32, #tpu.memory_space<vmem_shared>>, %arg9: memref<!tpu.dma_semaphore, #tpu.memory_space<semaphore_mem>>, %arg10: memref<!tpu.dma_semaphore, #tpu.memory_space<semaphore_mem>>, %arg11: memref<!tpu.dma_semaphore, #tpu.memory_space<semaphore_mem>>) attributes {dimension_semantics = [#tpu.dimension_semantics<core_parallel>, #tpu.dimension_semantics<subcore_parallel>], iteration_bounds = array<i64: 2, 16>, scalar_prefetch = 0 : i64, scratch_operands = 6 : i64, tpu.core_type = #tpu.core_type<sc_vector_subcore>, window_params = [{transform_indices = #map}, {transform_indices = #map1}, {transform_indices = #map}, {transform_indices = #map}]} {
    %mul3A = arith.constant 2 : i32
    %mul3A_0 = arith.muli %arg1, %mul3A : i32
    %add3A = arith.addi %mul3A_0, %arg0 : i32
    %lt3A = arith.constant 15 : i32
    %lt3A_1 = arith.cmpi slt, %arg1, %lt3A : i32
    %convert_element_type3A = arith.extui %lt3A_1 : i1 to i32
    %cond3A = arith.constant 0 : i32
    %cond3A_2 = arith.cmpi ne, %convert_element_type3A, %cond3A : i32
    scf.if %cond3A_2 {
      %mul3A_234 = arith.constant 632 : i32
      %mul3A_235 = arith.muli %arg1, %mul3A_234 : i32
      %mul3A_236 = arith.constant 632 : i32
      %mul3A_237 = arith.muli %arg1, %mul3A_236 : i32
      "tpu.region"() ({
        %run_scoped3A_238 = tpu.sem_alloc : memref<!tpu.dma_semaphore, #tpu.memory_space<semaphore_mem>>
        %dma_start3A_239 = arith.constant 0 : i32
        %dma_start3A_240 = tpu.memref_slice %arg8[%mul3A_237, %dma_start3A_239] : memref<10016x128xf32, #tpu.memory_space<vmem_shared>> -> memref<632x128xf32, #tpu.memory_space<vmem_shared>>
        %dma_start3A_241 = arith.constant 0 : i32
        %dma_start3A_242 = tpu.memref_slice %arg4[%mul3A_235, %dma_start3A_241] : memref<10016x128xf32, #tpu.memory_space<hbm>> -> memref<632x128xf32, #tpu.memory_space<hbm>>
        tpu.enqueue_dma source(%dma_start3A_242 : memref<632x128xf32, #tpu.memory_space<hbm>>) target(%dma_start3A_240 : memref<632x128xf32, #tpu.memory_space<vmem_shared>>) target_semaphore(%run_scoped3A_238 : memref<!tpu.dma_semaphore, #tpu.memory_space<semaphore_mem>>)
        %dma_wait3A_243 = arith.constant 0 : i32
        %dma_wait3A_244 = tpu.memref_slice %arg8[%mul3A_237, %dma_wait3A_243] : memref<10016x128xf32, #tpu.memory_space<vmem_shared>> -> memref<632x128xf32, #tpu.memory_space<vmem_shared>>
        %dma_wait3A_245 = arith.constant 0 : i32
        %dma_wait3A_246 = tpu.memref_slice %arg4[%mul3A_235, %dma_wait3A_245] : memref<10016x128xf32, #tpu.memory_space<hbm>> -> memref<632x128xf32, #tpu.memory_space<hbm>>
        tpu.wait_dma2 semaphore(%run_scoped3A_238 : memref<!tpu.dma_semaphore, #tpu.memory_space<semaphore_mem>>) src(%dma_wait3A_246 : memref<632x128xf32, #tpu.memory_space<hbm>>) dst(%dma_wait3A_244 : memref<632x128xf32, #tpu.memory_space<vmem_shared>>)
        tpu.yield
      }) : () -> ()
    } else {
    }
    %eq3A = arith.constant 15 : i32
    %eq3A_3 = arith.cmpi eq, %arg1, %eq3A : i32
    %convert_element_type3A_4 = arith.extui %eq3A_3 : i1 to i32
    %cond3A_5 = arith.constant 0 : i32
    %cond3A_6 = arith.cmpi ne, %convert_element_type3A_4, %cond3A_5 : i32
    scf.if %cond3A_6 {
      "tpu.region"() ({
        %run_scoped3A_234 = tpu.sem_alloc : memref<!tpu.dma_semaphore, #tpu.memory_space<semaphore_mem>>
        %dma_start3A_235 = arith.constant 9480 : i32
        %dma_start3A_236 = arith.constant 0 : i32
        %dma_start3A_237 = tpu.memref_slice %arg8[%dma_start3A_235, %dma_start3A_236] : memref<10016x128xf32, #tpu.memory_space<vmem_shared>> -> memref<536x128xf32, #tpu.memory_space<vmem_shared>>
        %dma_start3A_238 = arith.constant 9480 : i32
        %dma_start3A_239 = arith.constant 0 : i32
        %dma_start3A_240 = tpu.memref_slice %arg4[%dma_start3A_238, %dma_start3A_239] : memref<10016x128xf32, #tpu.memory_space<hbm>> -> memref<536x128xf32, #tpu.memory_space<hbm>>
        tpu.enqueue_dma source(%dma_start3A_240 : memref<536x128xf32, #tpu.memory_space<hbm>>) target(%dma_start3A_237 : memref<536x128xf32, #tpu.memory_space<vmem_shared>>) target_semaphore(%run_scoped3A_234 : memref<!tpu.dma_semaphore, #tpu.memory_space<semaphore_mem>>)
        %dma_wait3A_241 = arith.constant 9480 : i32
        %dma_wait3A_242 = arith.constant 0 : i32
        %dma_wait3A_243 = tpu.memref_slice %arg8[%dma_wait3A_241, %dma_wait3A_242] : memref<10016x128xf32, #tpu.memory_space<vmem_shared>> -> memref<536x128xf32, #tpu.memory_space<vmem_shared>>
        %dma_wait3A_244 = arith.constant 9480 : i32
        %dma_wait3A_245 = arith.constant 0 : i32
        %dma_wait3A_246 = tpu.memref_slice %arg4[%dma_wait3A_244, %dma_wait3A_245] : memref<10016x128xf32, #tpu.memory_space<hbm>> -> memref<536x128xf32, #tpu.memory_space<hbm>>
        tpu.wait_dma2 semaphore(%run_scoped3A_234 : memref<!tpu.dma_semaphore, #tpu.memory_space<semaphore_mem>>) src(%dma_wait3A_246 : memref<536x128xf32, #tpu.memory_space<hbm>>) dst(%dma_wait3A_243 : memref<536x128xf32, #tpu.memory_space<vmem_shared>>)
        tpu.yield
      }) : () -> ()
    } else {
    }
    %barrier3A = arith.constant 0 : index
    tpu.barrier barrier_id(%barrier3A)
    %run_scoped3A = arith.constant 0 : i32
    %run_scoped3A_7 = arith.constant 0 : i32
    "tpu.region"() ({
      %run_scoped3A_234 = tpu.sem_alloc : memref<!tpu.dma_semaphore, #tpu.memory_space<semaphore_mem>>
      %dma_start3A_235 = arith.constant 0 : i32
      %dma_start3A_236 = arith.constant 0 : i32
      %dma_start3A_237 = tpu.memref_slice %arg6[%run_scoped3A_7, %dma_start3A_235, %dma_start3A_236] : memref<5x2x128xi32, #tpu.memory_space<vmem>> -> memref<1x2x128xi32, #tpu.memory_space<vmem>>
      %dma_start3A_238 = tpu.memref_squeeze %dma_start3A_237 : memref<1x2x128xi32, #tpu.memory_space<vmem>> -> memref<2x128xi32, #tpu.memory_space<vmem>>
      %dma_start3A_239 = arith.constant 0 : i32
      %dma_start3A_240 = arith.constant 0 : i32
      %dma_start3A_241 = tpu.memref_slice %arg3[%add3A, %run_scoped3A, %dma_start3A_239, %dma_start3A_240] : memref<32x79x2x128xi32, #tpu.memory_space<hbm>> -> memref<1x1x2x128xi32, #tpu.memory_space<hbm>>
      %dma_start3A_242 = tpu.memref_squeeze %dma_start3A_241 : memref<1x1x2x128xi32, #tpu.memory_space<hbm>> -> memref<2x128xi32, #tpu.memory_space<hbm>>
      %dma_start3A_243 = arith.constant 0 : i32
      %dma_start3A_244 = arith.constant 0 : i32
      %dma_start3A_245 = tpu.memref_slice %arg6[%run_scoped3A_7, %dma_start3A_243, %dma_start3A_244] : memref<5x2x128xi32, #tpu.memory_space<vmem>> -> memref<1x2x128xi32, #tpu.memory_space<vmem>>
      %dma_start3A_246 = tpu.memref_squeeze %dma_start3A_245 : memref<1x2x128xi32, #tpu.memory_space<vmem>> -> memref<2x128xi32, #tpu.memory_space<vmem>>
      %dma_start3A_247 = arith.constant 0 : i32
      %dma_start3A_248 = arith.constant 0 : i32
      %dma_start3A_249 = tpu.memref_slice %arg3[%add3A, %run_scoped3A, %dma_start3A_247, %dma_start3A_248] : memref<32x79x2x128xi32, #tpu.memory_space<hbm>> -> memref<1x1x2x128xi32, #tpu.memory_space<hbm>>
      %dma_start3A_250 = tpu.memref_squeeze %dma_start3A_249 : memref<1x1x2x128xi32, #tpu.memory_space<hbm>> -> memref<2x128xi32, #tpu.memory_space<hbm>>
      tpu.enqueue_dma source(%dma_start3A_250 : memref<2x128xi32, #tpu.memory_space<hbm>>) target(%dma_start3A_246 : memref<2x128xi32, #tpu.memory_space<vmem>>) target_semaphore(%run_scoped3A_234 : memref<!tpu.dma_semaphore, #tpu.memory_space<semaphore_mem>>)
      %dma_wait3A_251 = arith.constant 0 : i32
      %dma_wait3A_252 = arith.constant 0 : i32
      %dma_wait3A_253 = tpu.memref_slice %arg6[%run_scoped3A_7, %dma_wait3A_251, %dma_wait3A_252] : memref<5x2x128xi32, #tpu.memory_space<vmem>> -> memref<1x2x128xi32, #tpu.memory_space<vmem>>
      %dma_wait3A_254 = tpu.memref_squeeze %dma_wait3A_253 : memref<1x2x128xi32, #tpu.memory_space<vmem>> -> memref<2x128xi32, #tpu.memory_space<vmem>>
      %dma_wait3A_255 = arith.constant 0 : i32
      %dma_wait3A_256 = arith.constant 0 : i32
      %dma_wait3A_257 = tpu.memref_slice %arg3[%add3A, %run_scoped3A, %dma_wait3A_255, %dma_wait3A_256] : memref<32x79x2x128xi32, #tpu.memory_space<hbm>> -> memref<1x1x2x128xi32, #tpu.memory_space<hbm>>
      %dma_wait3A_258 = tpu.memref_squeeze %dma_wait3A_257 : memref<1x1x2x128xi32, #tpu.memory_space<hbm>> -> memref<2x128xi32, #tpu.memory_space<hbm>>
      %dma_wait3A_259 = arith.constant 0 : i32
      %dma_wait3A_260 = arith.constant 0 : i32
      %dma_wait3A_261 = tpu.memref_slice %arg6[%run_scoped3A_7, %dma_wait3A_259, %dma_wait3A_260] : memref<5x2x128xi32, #tpu.memory_space<vmem>> -> memref<1x2x128xi32, #tpu.memory_space<vmem>>
      %dma_wait3A_262 = tpu.memref_squeeze %dma_wait3A_261 : memref<1x2x128xi32, #tpu.memory_space<vmem>> -> memref<2x128xi32, #tpu.memory_space<vmem>>
      %dma_wait3A_263 = arith.constant 0 : i32
      %dma_wait3A_264 = arith.constant 0 : i32
      %dma_wait3A_265 = tpu.memref_slice %arg3[%add3A, %run_scoped3A, %dma_wait3A_263, %dma_wait3A_264] : memref<32x79x2x128xi32, #tpu.memory_space<hbm>> -> memref<1x1x2x128xi32, #tpu.memory_space<hbm>>
      %dma_wait3A_266 = tpu.memref_squeeze %dma_wait3A_265 : memref<1x1x2x128xi32, #tpu.memory_space<hbm>> -> memref<2x128xi32, #tpu.memory_space<hbm>>
      tpu.wait_dma2 semaphore(%run_scoped3A_234 : memref<!tpu.dma_semaphore, #tpu.memory_space<semaphore_mem>>) src(%dma_wait3A_266 : memref<2x128xi32, #tpu.memory_space<hbm>>) dst(%dma_wait3A_262 : memref<2x128xi32, #tpu.memory_space<vmem>>)
      tpu.yield
    }) : () -> ()
    %dma_start3A = arith.constant 1 : i32
    %dma_start3A_8 = arith.constant 1 : i32
    %dma_start3A_9 = arith.constant 0 : i32
    %dma_start3A_10 = arith.constant 0 : i32
    %dma_start3A_11 = tpu.memref_slice %arg6[%dma_start3A_8, %dma_start3A_9, %dma_start3A_10] : memref<5x2x128xi32, #tpu.memory_space<vmem>> -> memref<1x2x128xi32, #tpu.memory_space<vmem>>
    %dma_start3A_12 = tpu.memref_squeeze %dma_start3A_11 : memref<1x2x128xi32, #tpu.memory_space<vmem>> -> memref<2x128xi32, #tpu.memory_space<vmem>>
    %dma_start3A_13 = arith.constant 0 : i32
    %dma_start3A_14 = arith.constant 0 : i32
    %dma_start3A_15 = tpu.memref_slice %arg3[%add3A, %dma_start3A, %dma_start3A_13, %dma_start3A_14] : memref<32x79x2x128xi32, #tpu.memory_space<hbm>> -> memref<1x1x2x128xi32, #tpu.memory_space<hbm>>
    %dma_start3A_16 = tpu.memref_squeeze %dma_start3A_15 : memref<1x1x2x128xi32, #tpu.memory_space<hbm>> -> memref<2x128xi32, #tpu.memory_space<hbm>>
    %dma_start3A_17 = arith.constant 0 : i32
    %dma_start3A_18 = arith.constant 0 : i32
    %dma_start3A_19 = tpu.memref_slice %arg6[%dma_start3A_8, %dma_start3A_17, %dma_start3A_18] : memref<5x2x128xi32, #tpu.memory_space<vmem>> -> memref<1x2x128xi32, #tpu.memory_space<vmem>>
    %dma_start3A_20 = tpu.memref_squeeze %dma_start3A_19 : memref<1x2x128xi32, #tpu.memory_space<vmem>> -> memref<2x128xi32, #tpu.memory_space<vmem>>
    %dma_start3A_21 = arith.constant 0 : i32
    %dma_start3A_22 = arith.constant 0 : i32
    %dma_start3A_23 = tpu.memref_slice %arg3[%add3A, %dma_start3A, %dma_start3A_21, %dma_start3A_22] : memref<32x79x2x128xi32, #tpu.memory_space<hbm>> -> memref<1x1x2x128xi32, #tpu.memory_space<hbm>>
    %dma_start3A_24 = tpu.memref_squeeze %dma_start3A_23 : memref<1x1x2x128xi32, #tpu.memory_space<hbm>> -> memref<2x128xi32, #tpu.memory_space<hbm>>
    tpu.enqueue_dma source(%dma_start3A_24 : memref<2x128xi32, #tpu.memory_space<hbm>>) target(%dma_start3A_20 : memref<2x128xi32, #tpu.memory_space<vmem>>) target_semaphore(%arg11 : memref<!tpu.dma_semaphore, #tpu.memory_space<semaphore_mem>>)
    %dma_start3A_25 = arith.constant 2 : i32
    %dma_start3A_26 = arith.constant 2 : i32
    %dma_start3A_27 = arith.constant 0 : i32
    %dma_start3A_28 = arith.constant 0 : i32
    %dma_start3A_29 = tpu.memref_slice %arg6[%dma_start3A_26, %dma_start3A_27, %dma_start3A_28] : memref<5x2x128xi32, #tpu.memory_space<vmem>> -> memref<1x2x128xi32, #tpu.memory_space<vmem>>
    %dma_start3A_30 = tpu.memref_squeeze %dma_start3A_29 : memref<1x2x128xi32, #tpu.memory_space<vmem>> -> memref<2x128xi32, #tpu.memory_space<vmem>>
    %dma_start3A_31 = arith.constant 0 : i32
    %dma_start3A_32 = arith.constant 0 : i32
    %dma_start3A_33 = tpu.memref_slice %arg3[%add3A, %dma_start3A_25, %dma_start3A_31, %dma_start3A_32] : memref<32x79x2x128xi32, #tpu.memory_space<hbm>> -> memref<1x1x2x128xi32, #tpu.memory_space<hbm>>
    %dma_start3A_34 = tpu.memref_squeeze %dma_start3A_33 : memref<1x1x2x128xi32, #tpu.memory_space<hbm>> -> memref<2x128xi32, #tpu.memory_space<hbm>>
    %dma_start3A_35 = arith.constant 0 : i32
    %dma_start3A_36 = arith.constant 0 : i32
    %dma_start3A_37 = tpu.memref_slice %arg6[%dma_start3A_26, %dma_start3A_35, %dma_start3A_36] : memref<5x2x128xi32, #tpu.memory_space<vmem>> -> memref<1x2x128xi32, #tpu.memory_space<vmem>>
    %dma_start3A_38 = tpu.memref_squeeze %dma_start3A_37 : memref<1x2x128xi32, #tpu.memory_space<vmem>> -> memref<2x128xi32, #tpu.memory_space<vmem>>
    %dma_start3A_39 = arith.constant 0 : i32
    %dma_start3A_40 = arith.constant 0 : i32
    %dma_start3A_41 = tpu.memref_slice %arg3[%add3A, %dma_start3A_25, %dma_start3A_39, %dma_start3A_40] : memref<32x79x2x128xi32, #tpu.memory_space<hbm>> -> memref<1x1x2x128xi32, #tpu.memory_space<hbm>>
    %dma_start3A_42 = tpu.memref_squeeze %dma_start3A_41 : memref<1x1x2x128xi32, #tpu.memory_space<hbm>> -> memref<2x128xi32, #tpu.memory_space<hbm>>
    tpu.enqueue_dma source(%dma_start3A_42 : memref<2x128xi32, #tpu.memory_space<hbm>>) target(%dma_start3A_38 : memref<2x128xi32, #tpu.memory_space<vmem>>) target_semaphore(%arg11 : memref<!tpu.dma_semaphore, #tpu.memory_space<semaphore_mem>>)
    %dma_start3A_43 = arith.constant 3 : i32
    %dma_start3A_44 = arith.constant 3 : i32
    %dma_start3A_45 = arith.constant 0 : i32
    %dma_start3A_46 = arith.constant 0 : i32
    %dma_start3A_47 = tpu.memref_slice %arg6[%dma_start3A_44, %dma_start3A_45, %dma_start3A_46] : memref<5x2x128xi32, #tpu.memory_space<vmem>> -> memref<1x2x128xi32, #tpu.memory_space<vmem>>
    %dma_start3A_48 = tpu.memref_squeeze %dma_start3A_47 : memref<1x2x128xi32, #tpu.memory_space<vmem>> -> memref<2x128xi32, #tpu.memory_space<vmem>>
    %dma_start3A_49 = arith.constant 0 : i32
    %dma_start3A_50 = arith.constant 0 : i32
    %dma_start3A_51 = tpu.memref_slice %arg3[%add3A, %dma_start3A_43, %dma_start3A_49, %dma_start3A_50] : memref<32x79x2x128xi32, #tpu.memory_space<hbm>> -> memref<1x1x2x128xi32, #tpu.memory_space<hbm>>
    %dma_start3A_52 = tpu.memref_squeeze %dma_start3A_51 : memref<1x1x2x128xi32, #tpu.memory_space<hbm>> -> memref<2x128xi32, #tpu.memory_space<hbm>>
    %dma_start3A_53 = arith.constant 0 : i32
    %dma_start3A_54 = arith.constant 0 : i32
    %dma_start3A_55 = tpu.memref_slice %arg6[%dma_start3A_44, %dma_start3A_53, %dma_start3A_54] : memref<5x2x128xi32, #tpu.memory_space<vmem>> -> memref<1x2x128xi32, #tpu.memory_space<vmem>>
    %dma_start3A_56 = tpu.memref_squeeze %dma_start3A_55 : memref<1x2x128xi32, #tpu.memory_space<vmem>> -> memref<2x128xi32, #tpu.memory_space<vmem>>
    %dma_start3A_57 = arith.constant 0 : i32
    %dma_start3A_58 = arith.constant 0 : i32
    %dma_start3A_59 = tpu.memref_slice %arg3[%add3A, %dma_start3A_43, %dma_start3A_57, %dma_start3A_58] : memref<32x79x2x128xi32, #tpu.memory_space<hbm>> -> memref<1x1x2x128xi32, #tpu.memory_space<hbm>>
    %dma_start3A_60 = tpu.memref_squeeze %dma_start3A_59 : memref<1x1x2x128xi32, #tpu.memory_space<hbm>> -> memref<2x128xi32, #tpu.memory_space<hbm>>
    tpu.enqueue_dma source(%dma_start3A_60 : memref<2x128xi32, #tpu.memory_space<hbm>>) target(%dma_start3A_56 : memref<2x128xi32, #tpu.memory_space<vmem>>) target_semaphore(%arg11 : memref<!tpu.dma_semaphore, #tpu.memory_space<semaphore_mem>>)
    %dma_start3A_61 = arith.constant 0 : i32
    %dma_start3A_62 = arith.constant 0 : i32
    %dma_start3A_63 = arith.constant 0 : i32
    %dma_start3A_64 = arith.constant 0 : i32
    %dma_start3A_65 = arith.constant 0 : i32
    %dma_start3A_66 = tpu.memref_slice %arg7[%dma_start3A_63, %dma_start3A_64, %dma_start3A_65] : memref<3x128x128xf32, #tpu.memory_space<vmem>> -> memref<1x64x128xf32, #tpu.memory_space<vmem>>
    %dma_start3A_67 = tpu.memref_squeeze %dma_start3A_66 : memref<1x64x128xf32, #tpu.memory_space<vmem>> -> memref<64x128xf32, #tpu.memory_space<vmem>>
    %dma_start3A_68 = arith.constant 0 : i32
    %dma_start3A_69 = tpu.memref_slice %arg6[%dma_start3A_61, %dma_start3A_62, %dma_start3A_68] : memref<5x2x128xi32, #tpu.memory_space<vmem>> -> memref<1x1x64xi32, #tpu.memory_space<vmem>>
    %dma_start3A_70 = tpu.memref_squeeze %dma_start3A_69 : memref<1x1x64xi32, #tpu.memory_space<vmem>> -> memref<64xi32, #tpu.memory_space<vmem>>
    %dma_start3A_71 = arith.constant 0 : i32
    %dma_start3A_72 = arith.constant 0 : i32
    %dma_start3A_73 = tpu.memref_slice %arg2[%dma_start3A_71, %dma_start3A_72] : memref<10016x128xf32, #tpu.memory_space<hbm>> -> memref<10016x128xf32, #tpu.memory_space<hbm>>
    tpu.enqueue_indirect_dma source(%dma_start3A_73 : memref<10016x128xf32, #tpu.memory_space<hbm>>) target(%dma_start3A_67 : memref<64x128xf32, #tpu.memory_space<vmem>>) offsets(%dma_start3A_70 : memref<64xi32, #tpu.memory_space<vmem>>) semaphore(%arg9 : memref<!tpu.dma_semaphore, #tpu.memory_space<semaphore_mem>>)
    %dma_start3A_74 = arith.constant 0 : i32
    %dma_start3A_75 = arith.constant 0 : i32
    %dma_start3A_76 = arith.constant 0 : i32
    %dma_start3A_77 = arith.constant 64 : i32
    %dma_start3A_78 = arith.constant 0 : i32
    %dma_start3A_79 = tpu.memref_slice %arg7[%dma_start3A_76, %dma_start3A_77, %dma_start3A_78] : memref<3x128x128xf32, #tpu.memory_space<vmem>> -> memref<1x64x128xf32, #tpu.memory_space<vmem>>
    %dma_start3A_80 = tpu.memref_squeeze %dma_start3A_79 : memref<1x64x128xf32, #tpu.memory_space<vmem>> -> memref<64x128xf32, #tpu.memory_space<vmem>>
    %dma_start3A_81 = arith.constant 64 : i32
    %dma_start3A_82 = tpu.memref_slice %arg6[%dma_start3A_74, %dma_start3A_75, %dma_start3A_81] : memref<5x2x128xi32, #tpu.memory_space<vmem>> -> memref<1x1x64xi32, #tpu.memory_space<vmem>>
    %dma_start3A_83 = tpu.memref_squeeze %dma_start3A_82 : memref<1x1x64xi32, #tpu.memory_space<vmem>> -> memref<64xi32, #tpu.memory_space<vmem>>
    %dma_start3A_84 = arith.constant 0 : i32
    %dma_start3A_85 = arith.constant 0 : i32
    %dma_start3A_86 = tpu.memref_slice %arg2[%dma_start3A_84, %dma_start3A_85] : memref<10016x128xf32, #tpu.memory_space<hbm>> -> memref<10016x128xf32, #tpu.memory_space<hbm>>
    tpu.enqueue_indirect_dma source(%dma_start3A_86 : memref<10016x128xf32, #tpu.memory_space<hbm>>) target(%dma_start3A_80 : memref<64x128xf32, #tpu.memory_space<vmem>>) offsets(%dma_start3A_83 : memref<64xi32, #tpu.memory_space<vmem>>) semaphore(%arg9 : memref<!tpu.dma_semaphore, #tpu.memory_space<semaphore_mem>>)
    %dma_wait3A = arith.constant 0 : i32
    %dma_wait3A_87 = arith.constant 1 : i32
    %dma_wait3A_88 = arith.constant 0 : i32
    %dma_wait3A_89 = arith.constant 0 : i32
    %dma_wait3A_90 = tpu.memref_slice %arg6[%dma_wait3A_87, %dma_wait3A_88, %dma_wait3A_89] : memref<5x2x128xi32, #tpu.memory_space<vmem>> -> memref<1x2x128xi32, #tpu.memory_space<vmem>>
    %dma_wait3A_91 = tpu.memref_squeeze %dma_wait3A_90 : memref<1x2x128xi32, #tpu.memory_space<vmem>> -> memref<2x128xi32, #tpu.memory_space<vmem>>
    %dma_wait3A_92 = arith.constant 0 : i32
    %dma_wait3A_93 = arith.constant 0 : i32
    %dma_wait3A_94 = tpu.memref_slice %arg3[%add3A, %dma_wait3A, %dma_wait3A_92, %dma_wait3A_93] : memref<32x79x2x128xi32, #tpu.memory_space<hbm>> -> memref<1x1x2x128xi32, #tpu.memory_space<hbm>>
    %dma_wait3A_95 = tpu.memref_squeeze %dma_wait3A_94 : memref<1x1x2x128xi32, #tpu.memory_space<hbm>> -> memref<2x128xi32, #tpu.memory_space<hbm>>
    %dma_wait3A_96 = arith.constant 0 : i32
    %dma_wait3A_97 = arith.constant 0 : i32
    %dma_wait3A_98 = tpu.memref_slice %arg6[%dma_wait3A_87, %dma_wait3A_96, %dma_wait3A_97] : memref<5x2x128xi32, #tpu.memory_space<vmem>> -> memref<1x2x128xi32, #tpu.memory_space<vmem>>
    %dma_wait3A_99 = tpu.memref_squeeze %dma_wait3A_98 : memref<1x2x128xi32, #tpu.memory_space<vmem>> -> memref<2x128xi32, #tpu.memory_space<vmem>>
    %dma_wait3A_100 = arith.constant 0 : i32
    %dma_wait3A_101 = arith.constant 0 : i32
    %dma_wait3A_102 = tpu.memref_slice %arg3[%add3A, %dma_wait3A, %dma_wait3A_100, %dma_wait3A_101] : memref<32x79x2x128xi32, #tpu.memory_space<hbm>> -> memref<1x1x2x128xi32, #tpu.memory_space<hbm>>
    %dma_wait3A_103 = tpu.memref_squeeze %dma_wait3A_102 : memref<1x1x2x128xi32, #tpu.memory_space<hbm>> -> memref<2x128xi32, #tpu.memory_space<hbm>>
    tpu.wait_dma2 semaphore(%arg11 : memref<!tpu.dma_semaphore, #tpu.memory_space<semaphore_mem>>) src(%dma_wait3A_103 : memref<2x128xi32, #tpu.memory_space<hbm>>) dst(%dma_wait3A_99 : memref<2x128xi32, #tpu.memory_space<vmem>>)
    %dma_start3A_104 = arith.constant 1 : i32
    %dma_start3A_105 = arith.constant 0 : i32
    %dma_start3A_106 = arith.constant 1 : i32
    %dma_start3A_107 = arith.constant 0 : i32
    %dma_start3A_108 = arith.constant 0 : i32
    %dma_start3A_109 = tpu.memref_slice %arg7[%dma_start3A_106, %dma_start3A_107, %dma_start3A_108] : memref<3x128x128xf32, #tpu.memory_space<vmem>> -> memref<1x64x128xf32, #tpu.memory_space<vmem>>
    %dma_start3A_110 = tpu.memref_squeeze %dma_start3A_109 : memref<1x64x128xf32, #tpu.memory_space<vmem>> -> memref<64x128xf32, #tpu.memory_space<vmem>>
    %dma_start3A_111 = arith.constant 0 : i32
    %dma_start3A_112 = tpu.memref_slice %arg6[%dma_start3A_104, %dma_start3A_105, %dma_start3A_111] : memref<5x2x128xi32, #tpu.memory_space<vmem>> -> memref<1x1x64xi32, #tpu.memory_space<vmem>>
    %dma_start3A_113 = tpu.memref_squeeze %dma_start3A_112 : memref<1x1x64xi32, #tpu.memory_space<vmem>> -> memref<64xi32, #tpu.memory_space<vmem>>
    %dma_start3A_114 = arith.constant 0 : i32
    %dma_start3A_115 = arith.constant 0 : i32
    %dma_start3A_116 = tpu.memref_slice %arg2[%dma_start3A_114, %dma_start3A_115] : memref<10016x128xf32, #tpu.memory_space<hbm>> -> memref<10016x128xf32, #tpu.memory_space<hbm>>
    tpu.enqueue_indirect_dma source(%dma_start3A_116 : memref<10016x128xf32, #tpu.memory_space<hbm>>) target(%dma_start3A_110 : memref<64x128xf32, #tpu.memory_space<vmem>>) offsets(%dma_start3A_113 : memref<64xi32, #tpu.memory_space<vmem>>) semaphore(%arg9 : memref<!tpu.dma_semaphore, #tpu.memory_space<semaphore_mem>>)
    %dma_start3A_117 = arith.constant 1 : i32
    %dma_start3A_118 = arith.constant 0 : i32
    %dma_start3A_119 = arith.constant 1 : i32
    %dma_start3A_120 = arith.constant 64 : i32
    %dma_start3A_121 = arith.constant 0 : i32
    %dma_start3A_122 = tpu.memref_slice %arg7[%dma_start3A_119, %dma_start3A_120, %dma_start3A_121] : memref<3x128x128xf32, #tpu.memory_space<vmem>> -> memref<1x64x128xf32, #tpu.memory_space<vmem>>
    %dma_start3A_123 = tpu.memref_squeeze %dma_start3A_122 : memref<1x64x128xf32, #tpu.memory_space<vmem>> -> memref<64x128xf32, #tpu.memory_space<vmem>>
    %dma_start3A_124 = arith.constant 64 : i32
    %dma_start3A_125 = tpu.memref_slice %arg6[%dma_start3A_117, %dma_start3A_118, %dma_start3A_124] : memref<5x2x128xi32, #tpu.memory_space<vmem>> -> memref<1x1x64xi32, #tpu.memory_space<vmem>>
    %dma_start3A_126 = tpu.memref_squeeze %dma_start3A_125 : memref<1x1x64xi32, #tpu.memory_space<vmem>> -> memref<64xi32, #tpu.memory_space<vmem>>
    %dma_start3A_127 = arith.constant 0 : i32
    %dma_start3A_128 = arith.constant 0 : i32
    %dma_start3A_129 = tpu.memref_slice %arg2[%dma_start3A_127, %dma_start3A_128] : memref<10016x128xf32, #tpu.memory_space<hbm>> -> memref<10016x128xf32, #tpu.memory_space<hbm>>
    tpu.enqueue_indirect_dma source(%dma_start3A_129 : memref<10016x128xf32, #tpu.memory_space<hbm>>) target(%dma_start3A_123 : memref<64x128xf32, #tpu.memory_space<vmem>>) offsets(%dma_start3A_126 : memref<64xi32, #tpu.memory_space<vmem>>) semaphore(%arg9 : memref<!tpu.dma_semaphore, #tpu.memory_space<semaphore_mem>>)
    %dma_wait3A_130 = arith.constant 0 : i32
    %dma_wait3A_131 = arith.constant 2 : i32
    %dma_wait3A_132 = arith.constant 0 : i32
    %dma_wait3A_133 = arith.constant 0 : i32
    %dma_wait3A_134 = tpu.memref_slice %arg6[%dma_wait3A_131, %dma_wait3A_132, %dma_wait3A_133] : memref<5x2x128xi32, #tpu.memory_space<vmem>> -> memref<1x2x128xi32, #tpu.memory_space<vmem>>
    %dma_wait3A_135 = tpu.memref_squeeze %dma_wait3A_134 : memref<1x2x128xi32, #tpu.memory_space<vmem>> -> memref<2x128xi32, #tpu.memory_space<vmem>>
    %dma_wait3A_136 = arith.constant 0 : i32
    %dma_wait3A_137 = arith.constant 0 : i32
    %dma_wait3A_138 = tpu.memref_slice %arg3[%add3A, %dma_wait3A_130, %dma_wait3A_136, %dma_wait3A_137] : memref<32x79x2x128xi32, #tpu.memory_space<hbm>> -> memref<1x1x2x128xi32, #tpu.memory_space<hbm>>
    %dma_wait3A_139 = tpu.memref_squeeze %dma_wait3A_138 : memref<1x1x2x128xi32, #tpu.memory_space<hbm>> -> memref<2x128xi32, #tpu.memory_space<hbm>>
    %dma_wait3A_140 = arith.constant 0 : i32
    %dma_wait3A_141 = arith.constant 0 : i32
    %dma_wait3A_142 = tpu.memref_slice %arg6[%dma_wait3A_131, %dma_wait3A_140, %dma_wait3A_141] : memref<5x2x128xi32, #tpu.memory_space<vmem>> -> memref<1x2x128xi32, #tpu.memory_space<vmem>>
    %dma_wait3A_143 = tpu.memref_squeeze %dma_wait3A_142 : memref<1x2x128xi32, #tpu.memory_space<vmem>> -> memref<2x128xi32, #tpu.memory_space<vmem>>
    %dma_wait3A_144 = arith.constant 0 : i32
    %dma_wait3A_145 = arith.constant 0 : i32
    %dma_wait3A_146 = tpu.memref_slice %arg3[%add3A, %dma_wait3A_130, %dma_wait3A_144, %dma_wait3A_145] : memref<32x79x2x128xi32, #tpu.memory_space<hbm>> -> memref<1x1x2x128xi32, #tpu.memory_space<hbm>>
    %dma_wait3A_147 = tpu.memref_squeeze %dma_wait3A_146 : memref<1x1x2x128xi32, #tpu.memory_space<hbm>> -> memref<2x128xi32, #tpu.memory_space<hbm>>
    tpu.wait_dma2 semaphore(%arg11 : memref<!tpu.dma_semaphore, #tpu.memory_space<semaphore_mem>>) src(%dma_wait3A_147 : memref<2x128xi32, #tpu.memory_space<hbm>>) dst(%dma_wait3A_143 : memref<2x128xi32, #tpu.memory_space<vmem>>)
    %dma_start3A_148 = arith.constant 2 : i32
    %dma_start3A_149 = arith.constant 0 : i32
    %dma_start3A_150 = arith.constant 2 : i32
    %dma_start3A_151 = arith.constant 0 : i32
    %dma_start3A_152 = arith.constant 0 : i32
    %dma_start3A_153 = tpu.memref_slice %arg7[%dma_start3A_150, %dma_start3A_151, %dma_start3A_152] : memref<3x128x128xf32, #tpu.memory_space<vmem>> -> memref<1x64x128xf32, #tpu.memory_space<vmem>>
    %dma_start3A_154 = tpu.memref_squeeze %dma_start3A_153 : memref<1x64x128xf32, #tpu.memory_space<vmem>> -> memref<64x128xf32, #tpu.memory_space<vmem>>
    %dma_start3A_155 = arith.constant 0 : i32
    %dma_start3A_156 = tpu.memref_slice %arg6[%dma_start3A_148, %dma_start3A_149, %dma_start3A_155] : memref<5x2x128xi32, #tpu.memory_space<vmem>> -> memref<1x1x64xi32, #tpu.memory_space<vmem>>
    %dma_start3A_157 = tpu.memref_squeeze %dma_start3A_156 : memref<1x1x64xi32, #tpu.memory_space<vmem>> -> memref<64xi32, #tpu.memory_space<vmem>>
    %dma_start3A_158 = arith.constant 0 : i32
    %dma_start3A_159 = arith.constant 0 : i32
    %dma_start3A_160 = tpu.memref_slice %arg2[%dma_start3A_158, %dma_start3A_159] : memref<10016x128xf32, #tpu.memory_space<hbm>> -> memref<10016x128xf32, #tpu.memory_space<hbm>>
    tpu.enqueue_indirect_dma source(%dma_start3A_160 : memref<10016x128xf32, #tpu.memory_space<hbm>>) target(%dma_start3A_154 : memref<64x128xf32, #tpu.memory_space<vmem>>) offsets(%dma_start3A_157 : memref<64xi32, #tpu.memory_space<vmem>>) semaphore(%arg9 : memref<!tpu.dma_semaphore, #tpu.memory_space<semaphore_mem>>)
    %dma_start3A_161 = arith.constant 2 : i32
    %dma_start3A_162 = arith.constant 0 : i32
    %dma_start3A_163 = arith.constant 2 : i32
    %dma_start3A_164 = arith.constant 64 : i32
    %dma_start3A_165 = arith.constant 0 : i32
    %dma_start3A_166 = tpu.memref_slice %arg7[%dma_start3A_163, %dma_start3A_164, %dma_start3A_165] : memref<3x128x128xf32, #tpu.memory_space<vmem>> -> memref<1x64x128xf32, #tpu.memory_space<vmem>>
    %dma_start3A_167 = tpu.memref_squeeze %dma_start3A_166 : memref<1x64x128xf32, #tpu.memory_space<vmem>> -> memref<64x128xf32, #tpu.memory_space<vmem>>
    %dma_start3A_168 = arith.constant 64 : i32
    %dma_start3A_169 = tpu.memref_slice %arg6[%dma_start3A_161, %dma_start3A_162, %dma_start3A_168] : memref<5x2x128xi32, #tpu.memory_space<vmem>> -> memref<1x1x64xi32, #tpu.memory_space<vmem>>
    %dma_start3A_170 = tpu.memref_squeeze %dma_start3A_169 : memref<1x1x64xi32, #tpu.memory_space<vmem>> -> memref<64xi32, #tpu.memory_space<vmem>>
    %dma_start3A_171 = arith.constant 0 : i32
    %dma_start3A_172 = arith.constant 0 : i32
    %dma_start3A_173 = tpu.memref_slice %arg2[%dma_start3A_171, %dma_start3A_172] : memref<10016x128xf32, #tpu.memory_space<hbm>> -> memref<10016x128xf32, #tpu.memory_space<hbm>>
    tpu.enqueue_indirect_dma source(%dma_start3A_173 : memref<10016x128xf32, #tpu.memory_space<hbm>>) target(%dma_start3A_167 : memref<64x128xf32, #tpu.memory_space<vmem>>) offsets(%dma_start3A_170 : memref<64xi32, #tpu.memory_space<vmem>>) semaphore(%arg9 : memref<!tpu.dma_semaphore, #tpu.memory_space<semaphore_mem>>)
    %scan3A = arith.constant 0 : i32
    %scan3A_174 = arith.constant 79 : i32
    %scan3A_175 = arith.addi %scan3A, %scan3A_174 : i32
    %scan3A_176 = arith.constant 1 : i32
    scf.for %scan3A_234 = %scan3A to %scan3A_175 step %scan3A_176  : i32 {
      %rem3A = arith.constant 3 : i32
      %rem3A_235 = arith.remsi %scan3A_234, %rem3A : i32
      %rem3A_236 = arith.constant 5 : i32
      %rem3A_237 = arith.remsi %scan3A_234, %rem3A_236 : i32
      %dma_wait3A_238 = arith.constant 0 : i32
      %dma_wait3A_239 = arith.constant 0 : i32
      %dma_wait3A_240 = tpu.memref_slice %arg7[%rem3A_235, %dma_wait3A_238, %dma_wait3A_239] : memref<3x128x128xf32, #tpu.memory_space<vmem>> -> memref<1x128x128xf32, #tpu.memory_space<vmem>>
      %dma_wait3A_241 = tpu.memref_squeeze %dma_wait3A_240 : memref<1x128x128xf32, #tpu.memory_space<vmem>> -> memref<128x128xf32, #tpu.memory_space<vmem>>
      %dma_wait3A_242 = arith.constant 0 : i32
      %dma_wait3A_243 = arith.constant 0 : i32
      %dma_wait3A_244 = tpu.memref_slice %arg2[%dma_wait3A_242, %dma_wait3A_243] : memref<10016x128xf32, #tpu.memory_space<hbm>> -> memref<128x128xf32, #tpu.memory_space<hbm>>
      %dma_wait3A_245 = arith.constant 0 : i32
      %dma_wait3A_246 = arith.constant 0 : i32
      %dma_wait3A_247 = tpu.memref_slice %arg7[%rem3A_235, %dma_wait3A_245, %dma_wait3A_246] : memref<3x128x128xf32, #tpu.memory_space<vmem>> -> memref<1x128x128xf32, #tpu.memory_space<vmem>>
      %dma_wait3A_248 = tpu.memref_squeeze %dma_wait3A_247 : memref<1x128x128xf32, #tpu.memory_space<vmem>> -> memref<128x128xf32, #tpu.memory_space<vmem>>
      %dma_wait3A_249 = arith.constant 0 : i32
      %dma_wait3A_250 = arith.constant 0 : i32
      %dma_wait3A_251 = tpu.memref_slice %arg2[%dma_wait3A_249, %dma_wait3A_250] : memref<10016x128xf32, #tpu.memory_space<hbm>> -> memref<128x128xf32, #tpu.memory_space<hbm>>
      tpu.wait_dma2 semaphore(%arg9 : memref<!tpu.dma_semaphore, #tpu.memory_space<semaphore_mem>>) src(%dma_wait3A_251 : memref<128x128xf32, #tpu.memory_space<hbm>>) dst(%dma_wait3A_248 : memref<128x128xf32, #tpu.memory_space<vmem>>)
      %dma_start3A_252 = arith.constant 1 : i32
      %dma_start3A_253 = arith.constant 0 : i32
      %dma_start3A_254 = arith.constant 0 : i32
      %dma_start3A_255 = tpu.memref_slice %arg7[%rem3A_235, %dma_start3A_253, %dma_start3A_254] : memref<3x128x128xf32, #tpu.memory_space<vmem>> -> memref<1x128x128xf32, #tpu.memory_space<vmem>>
      %dma_start3A_256 = tpu.memref_squeeze %dma_start3A_255 : memref<1x128x128xf32, #tpu.memory_space<vmem>> -> memref<128x128xf32, #tpu.memory_space<vmem>>
      %dma_start3A_257 = arith.constant 0 : i32
      %dma_start3A_258 = tpu.memref_slice %arg6[%rem3A_237, %dma_start3A_252, %dma_start3A_257] : memref<5x2x128xi32, #tpu.memory_space<vmem>> -> memref<1x1x128xi32, #tpu.memory_space<vmem>>
      %dma_start3A_259 = tpu.memref_squeeze %dma_start3A_258 : memref<1x1x128xi32, #tpu.memory_space<vmem>> -> memref<128xi32, #tpu.memory_space<vmem>>
      %dma_start3A_260 = arith.constant 0 : i32
      %dma_start3A_261 = arith.constant 0 : i32
      %dma_start3A_262 = tpu.memref_slice %arg8[%dma_start3A_260, %dma_start3A_261] : memref<10016x128xf32, #tpu.memory_space<vmem_shared>> -> memref<10016x128xf32, #tpu.memory_space<vmem_shared>>
      tpu.enqueue_indirect_dma source(%dma_start3A_256 : memref<128x128xf32, #tpu.memory_space<vmem>>) target(%dma_start3A_262 : memref<10016x128xf32, #tpu.memory_space<vmem_shared>>) offsets(%dma_start3A_259 : memref<128xi32, #tpu.memory_space<vmem>>) semaphore(%arg10 : memref<!tpu.dma_semaphore, #tpu.memory_space<semaphore_mem>>) {add = true}
      %add3A_263 = arith.constant 3 : i32
      %add3A_264 = arith.addi %scan3A_234, %add3A_263 : i32
      %lt3A_265 = arith.constant 79 : i32
      %lt3A_266 = arith.cmpi slt, %add3A_264, %lt3A_265 : i32
      %convert_element_type3A_267 = arith.extui %lt3A_266 : i1 to i32
      %cond3A_268 = arith.constant 0 : i32
      %cond3A_269 = arith.cmpi ne, %convert_element_type3A_267, %cond3A_268 : i32
      scf.if %cond3A_269 {
        %add3A_270 = arith.constant 3 : i32
        %add3A_271 = arith.addi %scan3A_234, %add3A_270 : i32
        %rem3A_272 = arith.constant 5 : i32
        %rem3A_273 = arith.remsi %add3A_271, %rem3A_272 : i32
        %dma_wait3A_274 = arith.constant 0 : i32
        %dma_wait3A_275 = arith.constant 0 : i32
        %dma_wait3A_276 = arith.constant 0 : i32
        %dma_wait3A_277 = tpu.memref_slice %arg6[%rem3A_273, %dma_wait3A_275, %dma_wait3A_276] : memref<5x2x128xi32, #tpu.memory_space<vmem>> -> memref<1x2x128xi32, #tpu.memory_space<vmem>>
        %dma_wait3A_278 = tpu.memref_squeeze %dma_wait3A_277 : memref<1x2x128xi32, #tpu.memory_space<vmem>> -> memref<2x128xi32, #tpu.memory_space<vmem>>
        %dma_wait3A_279 = arith.constant 0 : i32
        %dma_wait3A_280 = arith.constant 0 : i32
        %dma_wait3A_281 = tpu.memref_slice %arg3[%add3A, %dma_wait3A_274, %dma_wait3A_279, %dma_wait3A_280] : memref<32x79x2x128xi32, #tpu.memory_space<hbm>> -> memref<1x1x2x128xi32, #tpu.memory_space<hbm>>
        %dma_wait3A_282 = tpu.memref_squeeze %dma_wait3A_281 : memref<1x1x2x128xi32, #tpu.memory_space<hbm>> -> memref<2x128xi32, #tpu.memory_space<hbm>>
        %dma_wait3A_283 = arith.constant 0 : i32
        %dma_wait3A_284 = arith.constant 0 : i32
        %dma_wait3A_285 = tpu.memref_slice %arg6[%rem3A_273, %dma_wait3A_283, %dma_wait3A_284] : memref<5x2x128xi32, #tpu.memory_space<vmem>> -> memref<1x2x128xi32, #tpu.memory_space<vmem>>
        %dma_wait3A_286 = tpu.memref_squeeze %dma_wait3A_285 : memref<1x2x128xi32, #tpu.memory_space<vmem>> -> memref<2x128xi32, #tpu.memory_space<vmem>>
        %dma_wait3A_287 = arith.constant 0 : i32
        %dma_wait3A_288 = arith.constant 0 : i32
        %dma_wait3A_289 = tpu.memref_slice %arg3[%add3A, %dma_wait3A_274, %dma_wait3A_287, %dma_wait3A_288] : memref<32x79x2x128xi32, #tpu.memory_space<hbm>> -> memref<1x1x2x128xi32, #tpu.memory_space<hbm>>
        %dma_wait3A_290 = tpu.memref_squeeze %dma_wait3A_289 : memref<1x1x2x128xi32, #tpu.memory_space<hbm>> -> memref<2x128xi32, #tpu.memory_space<hbm>>
        tpu.wait_dma2 semaphore(%arg11 : memref<!tpu.dma_semaphore, #tpu.memory_space<semaphore_mem>>) src(%dma_wait3A_290 : memref<2x128xi32, #tpu.memory_space<hbm>>) dst(%dma_wait3A_286 : memref<2x128xi32, #tpu.memory_space<vmem>>)
        %dma_wait3A_291 = arith.constant 0 : i32
        %dma_wait3A_292 = arith.constant 0 : i32
        %dma_wait3A_293 = tpu.memref_slice %arg7[%rem3A_235, %dma_wait3A_291, %dma_wait3A_292] : memref<3x128x128xf32, #tpu.memory_space<vmem>> -> memref<1x128x128xf32, #tpu.memory_space<vmem>>
        %dma_wait3A_294 = tpu.memref_squeeze %dma_wait3A_293 : memref<1x128x128xf32, #tpu.memory_space<vmem>> -> memref<128x128xf32, #tpu.memory_space<vmem>>
        %dma_wait3A_295 = arith.constant 0 : i32
        %dma_wait3A_296 = arith.constant 0 : i32
        %dma_wait3A_297 = tpu.memref_slice %arg2[%dma_wait3A_295, %dma_wait3A_296] : memref<10016x128xf32, #tpu.memory_space<hbm>> -> memref<128x128xf32, #tpu.memory_space<hbm>>
        %dma_wait3A_298 = arith.constant 0 : i32
        %dma_wait3A_299 = arith.constant 0 : i32
        %dma_wait3A_300 = tpu.memref_slice %arg7[%rem3A_235, %dma_wait3A_298, %dma_wait3A_299] : memref<3x128x128xf32, #tpu.memory_space<vmem>> -> memref<1x128x128xf32, #tpu.memory_space<vmem>>
        %dma_wait3A_301 = tpu.memref_squeeze %dma_wait3A_300 : memref<1x128x128xf32, #tpu.memory_space<vmem>> -> memref<128x128xf32, #tpu.memory_space<vmem>>
        %dma_wait3A_302 = arith.constant 0 : i32
        %dma_wait3A_303 = arith.constant 0 : i32
        %dma_wait3A_304 = tpu.memref_slice %arg2[%dma_wait3A_302, %dma_wait3A_303] : memref<10016x128xf32, #tpu.memory_space<hbm>> -> memref<128x128xf32, #tpu.memory_space<hbm>>
        tpu.wait_dma2 semaphore(%arg10 : memref<!tpu.dma_semaphore, #tpu.memory_space<semaphore_mem>>) src(%dma_wait3A_304 : memref<128x128xf32, #tpu.memory_space<hbm>>) dst(%dma_wait3A_301 : memref<128x128xf32, #tpu.memory_space<vmem>>)
        %add3A_305 = arith.constant 3 : i32
        %add3A_306 = arith.addi %scan3A_234, %add3A_305 : i32
        %rem3A_307 = arith.constant 5 : i32
        %rem3A_308 = arith.remsi %add3A_306, %rem3A_307 : i32
        %dma_start3A_309 = arith.constant 0 : i32
        %dma_start3A_310 = arith.constant 0 : i32
        %dma_start3A_311 = arith.constant 0 : i32
        %dma_start3A_312 = tpu.memref_slice %arg7[%rem3A_235, %dma_start3A_310, %dma_start3A_311] : memref<3x128x128xf32, #tpu.memory_space<vmem>> -> memref<1x64x128xf32, #tpu.memory_space<vmem>>
        %dma_start3A_313 = tpu.memref_squeeze %dma_start3A_312 : memref<1x64x128xf32, #tpu.memory_space<vmem>> -> memref<64x128xf32, #tpu.memory_space<vmem>>
        %dma_start3A_314 = arith.constant 0 : i32
        %dma_start3A_315 = tpu.memref_slice %arg6[%rem3A_308, %dma_start3A_309, %dma_start3A_314] : memref<5x2x128xi32, #tpu.memory_space<vmem>> -> memref<1x1x64xi32, #tpu.memory_space<vmem>>
        %dma_start3A_316 = tpu.memref_squeeze %dma_start3A_315 : memref<1x1x64xi32, #tpu.memory_space<vmem>> -> memref<64xi32, #tpu.memory_space<vmem>>
        %dma_start3A_317 = arith.constant 0 : i32
        %dma_start3A_318 = arith.constant 0 : i32
        %dma_start3A_319 = tpu.memref_slice %arg2[%dma_start3A_317, %dma_start3A_318] : memref<10016x128xf32, #tpu.memory_space<hbm>> -> memref<10016x128xf32, #tpu.memory_space<hbm>>
        tpu.enqueue_indirect_dma source(%dma_start3A_319 : memref<10016x128xf32, #tpu.memory_space<hbm>>) target(%dma_start3A_313 : memref<64x128xf32, #tpu.memory_space<vmem>>) offsets(%dma_start3A_316 : memref<64xi32, #tpu.memory_space<vmem>>) semaphore(%arg9 : memref<!tpu.dma_semaphore, #tpu.memory_space<semaphore_mem>>)
        %dma_start3A_320 = arith.constant 0 : i32
        %dma_start3A_321 = arith.constant 64 : i32
        %dma_start3A_322 = arith.constant 0 : i32
        %dma_start3A_323 = tpu.memref_slice %arg7[%rem3A_235, %dma_start3A_321, %dma_start3A_322] : memref<3x128x128xf32, #tpu.memory_space<vmem>> -> memref<1x64x128xf32, #tpu.memory_space<vmem>>
        %dma_start3A_324 = tpu.memref_squeeze %dma_start3A_323 : memref<1x64x128xf32, #tpu.memory_space<vmem>> -> memref<64x128xf32, #tpu.memory_space<vmem>>
        %dma_start3A_325 = arith.constant 64 : i32
        %dma_start3A_326 = tpu.memref_slice %arg6[%rem3A_308, %dma_start3A_320, %dma_start3A_325] : memref<5x2x128xi32, #tpu.memory_space<vmem>> -> memref<1x1x64xi32, #tpu.memory_space<vmem>>
        %dma_start3A_327 = tpu.memref_squeeze %dma_start3A_326 : memref<1x1x64xi32, #tpu.memory_space<vmem>> -> memref<64xi32, #tpu.memory_space<vmem>>
        %dma_start3A_328 = arith.constant 0 : i32
        %dma_start3A_329 = arith.constant 0 : i32
        %dma_start3A_330 = tpu.memref_slice %arg2[%dma_start3A_328, %dma_start3A_329] : memref<10016x128xf32, #tpu.memory_space<hbm>> -> memref<10016x128xf32, #tpu.memory_space<hbm>>
        tpu.enqueue_indirect_dma source(%dma_start3A_330 : memref<10016x128xf32, #tpu.memory_space<hbm>>) target(%dma_start3A_324 : memref<64x128xf32, #tpu.memory_space<vmem>>) offsets(%dma_start3A_327 : memref<64xi32, #tpu.memory_space<vmem>>) semaphore(%arg9 : memref<!tpu.dma_semaphore, #tpu.memory_space<semaphore_mem>>)
        %add3A_331 = arith.constant 5 : i32
        %add3A_332 = arith.addi %scan3A_234, %add3A_331 : i32
        %sub3A = arith.constant 1 : i32
        %sub3A_333 = arith.subi %add3A_332, %sub3A : i32
        %lt3A_334 = arith.constant 79 : i32
        %lt3A_335 = arith.cmpi slt, %sub3A_333, %lt3A_334 : i32
        %convert_element_type3A_336 = arith.extui %lt3A_335 : i1 to i32
        %cond3A_337 = arith.constant 0 : i32
        %cond3A_338 = arith.cmpi ne, %convert_element_type3A_336, %cond3A_337 : i32
        scf.if %cond3A_338 {
          %add3A_339 = arith.constant 5 : i32
          %add3A_340 = arith.addi %scan3A_234, %add3A_339 : i32
          %sub3A_341 = arith.constant 1 : i32
          %sub3A_342 = arith.subi %add3A_340, %sub3A_341 : i32
          %add3A_343 = arith.constant 5 : i32
          %add3A_344 = arith.addi %scan3A_234, %add3A_343 : i32
          %sub3A_345 = arith.constant 1 : i32
          %sub3A_346 = arith.subi %add3A_344, %sub3A_345 : i32
          %rem3A_347 = arith.constant 5 : i32
          %rem3A_348 = arith.remsi %sub3A_346, %rem3A_347 : i32
          %dma_start3A_349 = arith.constant 0 : i32
          %dma_start3A_350 = arith.constant 0 : i32
          %dma_start3A_351 = tpu.memref_slice %arg6[%rem3A_348, %dma_start3A_349, %dma_start3A_350] : memref<5x2x128xi32, #tpu.memory_space<vmem>> -> memref<1x2x128xi32, #tpu.memory_space<vmem>>
          %dma_start3A_352 = tpu.memref_squeeze %dma_start3A_351 : memref<1x2x128xi32, #tpu.memory_space<vmem>> -> memref<2x128xi32, #tpu.memory_space<vmem>>
          %dma_start3A_353 = arith.constant 0 : i32
          %dma_start3A_354 = arith.constant 0 : i32
          %dma_start3A_355 = tpu.memref_slice %arg3[%add3A, %sub3A_342, %dma_start3A_353, %dma_start3A_354] : memref<32x79x2x128xi32, #tpu.memory_space<hbm>> -> memref<1x1x2x128xi32, #tpu.memory_space<hbm>>
          %dma_start3A_356 = tpu.memref_squeeze %dma_start3A_355 : memref<1x1x2x128xi32, #tpu.memory_space<hbm>> -> memref<2x128xi32, #tpu.memory_space<hbm>>
          %dma_start3A_357 = arith.constant 0 : i32
          %dma_start3A_358 = arith.constant 0 : i32
          %dma_start3A_359 = tpu.memref_slice %arg6[%rem3A_348, %dma_start3A_357, %dma_start3A_358] : memref<5x2x128xi32, #tpu.memory_space<vmem>> -> memref<1x2x128xi32, #tpu.memory_space<vmem>>
          %dma_start3A_360 = tpu.memref_squeeze %dma_start3A_359 : memref<1x2x128xi32, #tpu.memory_space<vmem>> -> memref<2x128xi32, #tpu.memory_space<vmem>>
          %dma_start3A_361 = arith.constant 0 : i32
          %dma_start3A_362 = arith.constant 0 : i32
          %dma_start3A_363 = tpu.memref_slice %arg3[%add3A, %sub3A_342, %dma_start3A_361, %dma_start3A_362] : memref<32x79x2x128xi32, #tpu.memory_space<hbm>> -> memref<1x1x2x128xi32, #tpu.memory_space<hbm>>
          %dma_start3A_364 = tpu.memref_squeeze %dma_start3A_363 : memref<1x1x2x128xi32, #tpu.memory_space<hbm>> -> memref<2x128xi32, #tpu.memory_space<hbm>>
          tpu.enqueue_dma source(%dma_start3A_364 : memref<2x128xi32, #tpu.memory_space<hbm>>) target(%dma_start3A_360 : memref<2x128xi32, #tpu.memory_space<vmem>>) target_semaphore(%arg11 : memref<!tpu.dma_semaphore, #tpu.memory_space<semaphore_mem>>)
        } else {
        }
      } else {
      }
    }
    %scan3A_177 = arith.constant 79 : i32
    %dma_wait3A_178 = arith.constant 0 : i32
    %dma_wait3A_179 = arith.constant 0 : i32
    %dma_wait3A_180 = arith.constant 0 : i32
    %dma_wait3A_181 = tpu.memref_slice %arg7[%dma_wait3A_178, %dma_wait3A_179, %dma_wait3A_180] : memref<3x128x128xf32, #tpu.memory_space<vmem>> -> memref<1x128x128xf32, #tpu.memory_space<vmem>>
    %dma_wait3A_182 = tpu.memref_squeeze %dma_wait3A_181 : memref<1x128x128xf32, #tpu.memory_space<vmem>> -> memref<128x128xf32, #tpu.memory_space<vmem>>
    %dma_wait3A_183 = arith.constant 0 : i32
    %dma_wait3A_184 = arith.constant 0 : i32
    %dma_wait3A_185 = tpu.memref_slice %arg2[%dma_wait3A_183, %dma_wait3A_184] : memref<10016x128xf32, #tpu.memory_space<hbm>> -> memref<128x128xf32, #tpu.memory_space<hbm>>
    %dma_wait3A_186 = arith.constant 0 : i32
    %dma_wait3A_187 = arith.constant 0 : i32
    %dma_wait3A_188 = tpu.memref_slice %arg7[%dma_wait3A_178, %dma_wait3A_186, %dma_wait3A_187] : memref<3x128x128xf32, #tpu.memory_space<vmem>> -> memref<1x128x128xf32, #tpu.memory_space<vmem>>
    %dma_wait3A_189 = tpu.memref_squeeze %dma_wait3A_188 : memref<1x128x128xf32, #tpu.memory_space<vmem>> -> memref<128x128xf32, #tpu.memory_space<vmem>>
    %dma_wait3A_190 = arith.constant 0 : i32
    %dma_wait3A_191 = arith.constant 0 : i32
    %dma_wait3A_192 = tpu.memref_slice %arg2[%dma_wait3A_190, %dma_wait3A_191] : memref<10016x128xf32, #tpu.memory_space<hbm>> -> memref<128x128xf32, #tpu.memory_space<hbm>>
    tpu.wait_dma2 semaphore(%arg10 : memref<!tpu.dma_semaphore, #tpu.memory_space<semaphore_mem>>) src(%dma_wait3A_192 : memref<128x128xf32, #tpu.memory_space<hbm>>) dst(%dma_wait3A_189 : memref<128x128xf32, #tpu.memory_space<vmem>>)
    %dma_wait3A_193 = arith.constant 0 : i32
    %dma_wait3A_194 = arith.constant 0 : i32
    %dma_wait3A_195 = arith.constant 0 : i32
    %dma_wait3A_196 = tpu.memref_slice %arg7[%dma_wait3A_193, %dma_wait3A_194, %dma_wait3A_195] : memref<3x128x128xf32, #tpu.memory_space<vmem>> -> memref<1x128x128xf32, #tpu.memory_space<vmem>>
    %dma_wait3A_197 = tpu.memref_squeeze %dma_wait3A_196 : memref<1x128x128xf32, #tpu.memory_space<vmem>> -> memref<128x128xf32, #tpu.memory_space<vmem>>
    %dma_wait3A_198 = arith.constant 0 : i32
    %dma_wait3A_199 = arith.constant 0 : i32
    %dma_wait3A_200 = tpu.memref_slice %arg2[%dma_wait3A_198, %dma_wait3A_199] : memref<10016x128xf32, #tpu.memory_space<hbm>> -> memref<128x128xf32, #tpu.memory_space<hbm>>
    %dma_wait3A_201 = arith.constant 0 : i32
    %dma_wait3A_202 = arith.constant 0 : i32
    %dma_wait3A_203 = tpu.memref_slice %arg7[%dma_wait3A_193, %dma_wait3A_201, %dma_wait3A_202] : memref<3x128x128xf32, #tpu.memory_space<vmem>> -> memref<1x128x128xf32, #tpu.memory_space<vmem>>
    %dma_wait3A_204 = tpu.memref_squeeze %dma_wait3A_203 : memref<1x128x128xf32, #tpu.memory_space<vmem>> -> memref<128x128xf32, #tpu.memory_space<vmem>>
    %dma_wait3A_205 = arith.constant 0 : i32
    %dma_wait3A_206 = arith.constant 0 : i32
    %dma_wait3A_207 = tpu.memref_slice %arg2[%dma_wait3A_205, %dma_wait3A_206] : memref<10016x128xf32, #tpu.memory_space<hbm>> -> memref<128x128xf32, #tpu.memory_space<hbm>>
    tpu.wait_dma2 semaphore(%arg10 : memref<!tpu.dma_semaphore, #tpu.memory_space<semaphore_mem>>) src(%dma_wait3A_207 : memref<128x128xf32, #tpu.memory_space<hbm>>) dst(%dma_wait3A_204 : memref<128x128xf32, #tpu.memory_space<vmem>>)
    %dma_wait3A_208 = arith.constant 0 : i32
    %dma_wait3A_209 = arith.constant 0 : i32
    %dma_wait3A_210 = arith.constant 0 : i32
    %dma_wait3A_211 = tpu.memref_slice %arg7[%dma_wait3A_208, %dma_wait3A_209, %dma_wait3A_210] : memref<3x128x128xf32, #tpu.memory_space<vmem>> -> memref<1x128x128xf32, #tpu.memory_space<vmem>>
    %dma_wait3A_212 = tpu.memref_squeeze %dma_wait3A_211 : memref<1x128x128xf32, #tpu.memory_space<vmem>> -> memref<128x128xf32, #tpu.memory_space<vmem>>
    %dma_wait3A_213 = arith.constant 0 : i32
    %dma_wait3A_214 = arith.constant 0 : i32
    %dma_wait3A_215 = tpu.memref_slice %arg2[%dma_wait3A_213, %dma_wait3A_214] : memref<10016x128xf32, #tpu.memory_space<hbm>> -> memref<128x128xf32, #tpu.memory_space<hbm>>
    %dma_wait3A_216 = arith.constant 0 : i32
    %dma_wait3A_217 = arith.constant 0 : i32
    %dma_wait3A_218 = tpu.memref_slice %arg7[%dma_wait3A_208, %dma_wait3A_216, %dma_wait3A_217] : memref<3x128x128xf32, #tpu.memory_space<vmem>> -> memref<1x128x128xf32, #tpu.memory_space<vmem>>
    %dma_wait3A_219 = tpu.memref_squeeze %dma_wait3A_218 : memref<1x128x128xf32, #tpu.memory_space<vmem>> -> memref<128x128xf32, #tpu.memory_space<vmem>>
    %dma_wait3A_220 = arith.constant 0 : i32
    %dma_wait3A_221 = arith.constant 0 : i32
    %dma_wait3A_222 = tpu.memref_slice %arg2[%dma_wait3A_220, %dma_wait3A_221] : memref<10016x128xf32, #tpu.memory_space<hbm>> -> memref<128x128xf32, #tpu.memory_space<hbm>>
    tpu.wait_dma2 semaphore(%arg10 : memref<!tpu.dma_semaphore, #tpu.memory_space<semaphore_mem>>) src(%dma_wait3A_222 : memref<128x128xf32, #tpu.memory_space<hbm>>) dst(%dma_wait3A_219 : memref<128x128xf32, #tpu.memory_space<vmem>>)
    %barrier3A_223 = arith.constant 0 : index
    tpu.barrier barrier_id(%barrier3A_223)
    %lt3A_224 = arith.constant 15 : i32
    %lt3A_225 = arith.cmpi slt, %arg1, %lt3A_224 : i32
    %convert_element_type3A_226 = arith.extui %lt3A_225 : i1 to i32
    %cond3A_227 = arith.constant 0 : i32
    %cond3A_228 = arith.cmpi ne, %convert_element_type3A_226, %cond3A_227 : i32
    scf.if %cond3A_228 {
      %mul3A_234 = arith.constant 632 : i32
      %mul3A_235 = arith.muli %arg1, %mul3A_234 : i32
      %mul3A_236 = arith.constant 10016 : i32
      %mul3A_237 = arith.muli %arg0, %mul3A_236 : i32
      %mul3A_238 = arith.constant 632 : i32
      %mul3A_239 = arith.muli %arg1, %mul3A_238 : i32
      %add3A_240 = arith.addi %mul3A_237, %mul3A_239 : i32
      "tpu.region"() ({
        %run_scoped3A_241 = tpu.sem_alloc : memref<!tpu.dma_semaphore, #tpu.memory_space<semaphore_mem>>
        %dma_start3A_242 = arith.constant 0 : i32
        %dma_start3A_243 = tpu.memref_slice %arg5[%add3A_240, %dma_start3A_242] : memref<20032x128xf32, #tpu.memory_space<hbm>> -> memref<632x128xf32, #tpu.memory_space<hbm>>
        %dma_start3A_244 = arith.constant 0 : i32
        %dma_start3A_245 = tpu.memref_slice %arg8[%mul3A_235, %dma_start3A_244] : memref<10016x128xf32, #tpu.memory_space<vmem_shared>> -> memref<632x128xf32, #tpu.memory_space<vmem_shared>>
        tpu.enqueue_dma source(%dma_start3A_245 : memref<632x128xf32, #tpu.memory_space<vmem_shared>>) target(%dma_start3A_243 : memref<632x128xf32, #tpu.memory_space<hbm>>) target_semaphore(%run_scoped3A_241 : memref<!tpu.dma_semaphore, #tpu.memory_space<semaphore_mem>>)
        %dma_wait3A_246 = arith.constant 0 : i32
        %dma_wait3A_247 = tpu.memref_slice %arg5[%add3A_240, %dma_wait3A_246] : memref<20032x128xf32, #tpu.memory_space<hbm>> -> memref<632x128xf32, #tpu.memory_space<hbm>>
        %dma_wait3A_248 = arith.constant 0 : i32
        %dma_wait3A_249 = tpu.memref_slice %arg8[%mul3A_235, %dma_wait3A_248] : memref<10016x128xf32, #tpu.memory_space<vmem_shared>> -> memref<632x128xf32, #tpu.memory_space<vmem_shared>>
        tpu.wait_dma2 semaphore(%run_scoped3A_241 : memref<!tpu.dma_semaphore, #tpu.memory_space<semaphore_mem>>) src(%dma_wait3A_249 : memref<632x128xf32, #tpu.memory_space<vmem_shared>>) dst(%dma_wait3A_247 : memref<632x128xf32, #tpu.memory_space<hbm>>)
        tpu.yield
      }) : () -> ()
    } else {
    }
    %eq3A_229 = arith.constant 15 : i32
    %eq3A_230 = arith.cmpi eq, %arg1, %eq3A_229 : i32
    %convert_element_type3A_231 = arith.extui %eq3A_230 : i1 to i32
    %cond3A_232 = arith.constant 0 : i32
    %cond3A_233 = arith.cmpi ne, %convert_element_type3A_231, %cond3A_232 : i32
    scf.if %cond3A_233 {
      %mul3A_234 = arith.constant 10016 : i32
      %mul3A_235 = arith.muli %arg0, %mul3A_234 : i32
      %add3A_236 = arith.constant 9480 : i32
      %add3A_237 = arith.addi %mul3A_235, %add3A_236 : i32
      "tpu.region"() ({
        %run_scoped3A_238 = tpu.sem_alloc : memref<!tpu.dma_semaphore, #tpu.memory_space<semaphore_mem>>
        %dma_start3A_239 = arith.constant 0 : i32
        %dma_start3A_240 = tpu.memref_slice %arg5[%add3A_237, %dma_start3A_239] : memref<20032x128xf32, #tpu.memory_space<hbm>> -> memref<536x128xf32, #tpu.memory_space<hbm>>
        %dma_start3A_241 = arith.constant 9480 : i32
        %dma_start3A_242 = arith.constant 0 : i32
        %dma_start3A_243 = tpu.memref_slice %arg8[%dma_start3A_241, %dma_start3A_242] : memref<10016x128xf32, #tpu.memory_space<vmem_shared>> -> memref<536x128xf32, #tpu.memory_space<vmem_shared>>
        tpu.enqueue_dma source(%dma_start3A_243 : memref<536x128xf32, #tpu.memory_space<vmem_shared>>) target(%dma_start3A_240 : memref<536x128xf32, #tpu.memory_space<hbm>>) target_semaphore(%run_scoped3A_238 : memref<!tpu.dma_semaphore, #tpu.memory_space<semaphore_mem>>)
        %dma_wait3A_244 = arith.constant 0 : i32
        %dma_wait3A_245 = tpu.memref_slice %arg5[%add3A_237, %dma_wait3A_244] : memref<20032x128xf32, #tpu.memory_space<hbm>> -> memref<536x128xf32, #tpu.memory_space<hbm>>
        %dma_wait3A_246 = arith.constant 9480 : i32
        %dma_wait3A_247 = arith.constant 0 : i32
        %dma_wait3A_248 = tpu.memref_slice %arg8[%dma_wait3A_246, %dma_wait3A_247] : memref<10016x128xf32, #tpu.memory_space<vmem_shared>> -> memref<536x128xf32, #tpu.memory_space<vmem_shared>>
        tpu.wait_dma2 semaphore(%run_scoped3A_238 : memref<!tpu.dma_semaphore, #tpu.memory_space<semaphore_mem>>) src(%dma_wait3A_248 : memref<536x128xf32, #tpu.memory_space<vmem_shared>>) dst(%dma_wait3A_245 : memref<536x128xf32, #tpu.memory_space<hbm>>)
        tpu.yield
      }) : () -> ()
    } else {
    }
    return
  }
}

module attributes {stable_mosaic.version = 14 : i64} {
  func.func @_mm_first(%arg0: i32, %arg1: memref<1000x128xf32, #tpu.memory_space<vmem>>, %arg2: memref<128x128xf32, #tpu.memory_space<vmem>>, %arg3: memref<2x1000x1xf32, #tpu.memory_space<vmem>>, %arg4: memref<1000x128xf32, #tpu.memory_space<vmem>>) attributes {dimension_semantics = [#tpu.dimension_semantics<arbitrary>], iteration_bounds = array<i64: 10>, scalar_prefetch = 0 : i64, scratch_operands = 0 : i64, tpu.core_type = #tpu.core_type<tc>, window_params = [{transform_indices = @transform_0, window_bounds = array<i64: 1000, 128>}, {pipeline_mode = #tpu.pipeline_mode<synchronous>, transform_indices = @transform_1, window_bounds = array<i64: 128, 128>}, {transform_indices = @transform_2, window_bounds = array<i64: 2, 1000, 1>}, {transform_indices = @transform_3, window_bounds = array<i64: 1000, 128>}]} {
    %get3A = arith.constant 0 : index
    %get3A_0 = arith.constant 0 : index
    %get3A_1 = arith.constant 0 : index
    %get3A_2 = vector.load %arg3[%get3A, %get3A_0, %get3A_1] : memref<2x1000x1xf32, #tpu.memory_space<vmem>>, vector<1x1000x1xf32>
    %get3A_3 = vector.shape_cast %get3A_2 : vector<1x1000x1xf32> to vector<1000x1xf32>
    %get3A_4 = arith.constant 1 : index
    %get3A_5 = arith.constant 0 : index
    %get3A_6 = arith.constant 0 : index
    %get3A_7 = vector.load %arg3[%get3A_4, %get3A_5, %get3A_6] : memref<2x1000x1xf32, #tpu.memory_space<vmem>>, vector<1x1000x1xf32>
    %get3A_8 = vector.shape_cast %get3A_7 : vector<1x1000x1xf32> to vector<1000x1xf32>
    %add3A = arith.addf %get3A_3, %get3A_8 : vector<1000x1xf32>
    %add3A_9 = arith.constant 1.000000e+00 : f32
    %add3A_10 = vector.broadcast %add3A_9 : f32 to vector<1000x1xf32>
    %add3A_11 = arith.addf %add3A, %add3A_10 : vector<1000x1xf32>
    %rsqrt3A = math.rsqrt %add3A_11 : vector<1000x1xf32>
    %get3A_12 = arith.constant 0 : index
    %get3A_13 = arith.constant 0 : index
    %get3A_14 = vector.load %arg1[%get3A_12, %get3A_13] : memref<1000x128xf32, #tpu.memory_space<vmem>>, vector<1000x128xf32>
    %get3A_15 = arith.constant 0 : index
    %get3A_16 = arith.constant 0 : index
    %get3A_17 = vector.load %arg2[%get3A_15, %get3A_16] : memref<128x128xf32, #tpu.memory_space<vmem>>, vector<128x128xf32>
    %dot_general3A = arith.constant dense<0.000000e+00> : vector<1000x128xf32>
    %dot_general3A_18 = tpu.matmul %get3A_14, %get3A_17, %dot_general3A {dimension_numbers = #tpu.dot_dimension_numbers<[1], [0], [0], [1], [0, 0, 1, 1], [], []>, transpose_lhs_hint = false} : vector<1000x128xf32>, vector<128x128xf32>, vector<1000x128xf32> -> vector<1000x128xf32>
    %mul3A = vector.broadcast %rsqrt3A : vector<1000x1xf32> to vector<1000x128xf32>
    %mul3A_19 = arith.mulf %dot_general3A_18, %mul3A : vector<1000x128xf32>
    %swap3A = arith.constant 0 : index
    %swap3A_20 = arith.constant 0 : index
    %swap3A_21 = vector.load %arg4[%swap3A, %swap3A_20] : memref<1000x128xf32, #tpu.memory_space<vmem>>, vector<1000x128xf32>
    tpu.vector_store %arg4[%swap3A, %swap3A_20], %mul3A_19 {strides = array<i32>} : memref<1000x128xf32, #tpu.memory_space<vmem>>, vector<1000x128xf32>,
    return
  }
  func.func @transform_0(%arg0: i32) -> (i32, i32) {
    %c0_i32 = arith.constant 0 : i32
    %c0_i32_0 = arith.constant 0 : i32
    return %arg0, %c0_i32 : i32, i32
  }
  func.func @transform_1(%arg0: i32) -> (i32, i32) {
    %c0_i32 = arith.constant 0 : i32
    %c0_i32_0 = arith.constant 0 : i32
    %c0_i32_1 = arith.constant 0 : i32
    return %c0_i32, %c0_i32_0 : i32, i32
  }
  func.func @transform_2(%arg0: i32) -> (i32, i32, i32) {
    %c0_i32 = arith.constant 0 : i32
    %c0_i32_0 = arith.constant 0 : i32
    %c0_i32_1 = arith.constant 0 : i32
    return %c0_i32, %arg0, %c0_i32_0 : i32, i32, i32
  }
  func.func @transform_3(%arg0: i32) -> (i32, i32) {
    %c0_i32 = arith.constant 0 : i32
    %c0_i32_0 = arith.constant 0 : i32
    return %arg0, %c0_i32 : i32, i32
  }
}

module attributes {stable_mosaic.version = 14 : i64} {
  func.func @_mm_mid(%arg0: i32, %arg1: memref<2x1000x128xf32, #tpu.memory_space<vmem>>, %arg2: memref<1000x128xf32, #tpu.memory_space<vmem>>, %arg3: memref<2x1000x1xf32, #tpu.memory_space<vmem>>, %arg4: memref<128x128xf32, #tpu.memory_space<vmem>>, %arg5: memref<1x128xf32, #tpu.memory_space<vmem>>, %arg6: memref<1000x128xf32, #tpu.memory_space<vmem>>) attributes {dimension_semantics = [#tpu.dimension_semantics<arbitrary>], iteration_bounds = array<i64: 10>, scalar_prefetch = 0 : i64, scratch_operands = 0 : i64, tpu.core_type = #tpu.core_type<tc>, window_params = [{transform_indices = @transform_0, window_bounds = array<i64: 2, 1000, 128>}, {transform_indices = @transform_1, window_bounds = array<i64: 1000, 128>}, {transform_indices = @transform_2, window_bounds = array<i64: 2, 1000, 1>}, {pipeline_mode = #tpu.pipeline_mode<synchronous>, transform_indices = @transform_3, window_bounds = array<i64: 128, 128>}, {pipeline_mode = #tpu.pipeline_mode<synchronous>, transform_indices = @transform_4, window_bounds = array<i64: 1, 128>}, {transform_indices = @transform_5, window_bounds = array<i64: 1000, 128>}]} {
    %get3A = arith.constant 0 : index
    %get3A_0 = arith.constant 0 : index
    %get3A_1 = arith.constant 0 : index
    %get3A_2 = vector.load %arg3[%get3A, %get3A_0, %get3A_1] : memref<2x1000x1xf32, #tpu.memory_space<vmem>>, vector<1x1000x1xf32>
    %get3A_3 = vector.shape_cast %get3A_2 : vector<1x1000x1xf32> to vector<1000x1xf32>
    %get3A_4 = arith.constant 1 : index
    %get3A_5 = arith.constant 0 : index
    %get3A_6 = arith.constant 0 : index
    %get3A_7 = vector.load %arg3[%get3A_4, %get3A_5, %get3A_6] : memref<2x1000x1xf32, #tpu.memory_space<vmem>>, vector<1x1000x1xf32>
    %get3A_8 = vector.shape_cast %get3A_7 : vector<1x1000x1xf32> to vector<1000x1xf32>
    %add3A = arith.addf %get3A_3, %get3A_8 : vector<1000x1xf32>
    %add3A_9 = arith.constant 1.000000e+00 : f32
    %add3A_10 = vector.broadcast %add3A_9 : f32 to vector<1000x1xf32>
    %add3A_11 = arith.addf %add3A, %add3A_10 : vector<1000x1xf32>
    %rsqrt3A = math.rsqrt %add3A_11 : vector<1000x1xf32>
    %get3A_12 = arith.constant 0 : index
    %get3A_13 = arith.constant 0 : index
    %get3A_14 = arith.constant 0 : index
    %get3A_15 = vector.load %arg1[%get3A_12, %get3A_13, %get3A_14] : memref<2x1000x128xf32, #tpu.memory_space<vmem>>, vector<1x1000x128xf32>
    %get3A_16 = vector.shape_cast %get3A_15 : vector<1x1000x128xf32> to vector<1000x128xf32>
    %get3A_17 = arith.constant 1 : index
    %get3A_18 = arith.constant 0 : index
    %get3A_19 = arith.constant 0 : index
    %get3A_20 = vector.load %arg1[%get3A_17, %get3A_18, %get3A_19] : memref<2x1000x128xf32, #tpu.memory_space<vmem>>, vector<1x1000x128xf32>
    %get3A_21 = vector.shape_cast %get3A_20 : vector<1x1000x128xf32> to vector<1000x128xf32>
    %add3A_22 = arith.addf %get3A_16, %get3A_21 : vector<1000x128xf32>
    %get3A_23 = arith.constant 0 : index
    %get3A_24 = arith.constant 0 : index
    %get3A_25 = vector.load %arg2[%get3A_23, %get3A_24] : memref<1000x128xf32, #tpu.memory_space<vmem>>, vector<1000x128xf32>
    %add3A_26 = arith.addf %add3A_22, %get3A_25 : vector<1000x128xf32>
    %mul3A = vector.broadcast %rsqrt3A : vector<1000x1xf32> to vector<1000x128xf32>
    %mul3A_27 = arith.mulf %add3A_26, %mul3A : vector<1000x128xf32>
    %get3A_28 = arith.constant 0 : index
    %get3A_29 = arith.constant 0 : index
    %get3A_30 = vector.load %arg5[%get3A_28, %get3A_29] : memref<1x128xf32, #tpu.memory_space<vmem>>, vector<1x128xf32>
    %add3A_31 = vector.broadcast %get3A_30 : vector<1x128xf32> to vector<1000x128xf32>
    %add3A_32 = arith.addf %mul3A_27, %add3A_31 : vector<1000x128xf32>
    %max3A = arith.constant 0.000000e+00 : f32
    %max3A_33 = vector.broadcast %max3A : f32 to vector<1000x128xf32>
    %max3A_34 = arith.maximumf %add3A_32, %max3A_33 : vector<1000x128xf32>
    %get3A_35 = arith.constant 0 : index
    %get3A_36 = arith.constant 0 : index
    %get3A_37 = vector.load %arg4[%get3A_35, %get3A_36] : memref<128x128xf32, #tpu.memory_space<vmem>>, vector<128x128xf32>
    %dot_general3A = arith.constant dense<0.000000e+00> : vector<1000x128xf32>
    %dot_general3A_38 = tpu.matmul %max3A_34, %get3A_37, %dot_general3A {dimension_numbers = #tpu.dot_dimension_numbers<[1], [0], [0], [1], [0, 0, 1, 1], [], []>, transpose_lhs_hint = false} : vector<1000x128xf32>, vector<128x128xf32>, vector<1000x128xf32> -> vector<1000x128xf32>
    %mul3A_39 = vector.broadcast %rsqrt3A : vector<1000x1xf32> to vector<1000x128xf32>
    %mul3A_40 = arith.mulf %dot_general3A_38, %mul3A_39 : vector<1000x128xf32>
    %swap3A = arith.constant 0 : index
    %swap3A_41 = arith.constant 0 : index
    %swap3A_42 = vector.load %arg6[%swap3A, %swap3A_41] : memref<1000x128xf32, #tpu.memory_space<vmem>>, vector<1000x128xf32>
    tpu.vector_store %arg6[%swap3A, %swap3A_41], %mul3A_40 {strides = array<i32>} : memref<1000x128xf32, #tpu.memory_space<vmem>>, vector<1000x128xf32>,
    return
  }
  func.func @transform_0(%arg0: i32) -> (i32, i32, i32) {
    %c0_i32 = arith.constant 0 : i32
    %c0_i32_0 = arith.constant 0 : i32
    %c0_i32_1 = arith.constant 0 : i32
    return %c0_i32, %arg0, %c0_i32_0 : i32, i32, i32
  }
  func.func @transform_1(%arg0: i32) -> (i32, i32) {
    %c0_i32 = arith.constant 0 : i32
    %c0_i32_0 = arith.constant 0 : i32
    return %arg0, %c0_i32 : i32, i32
  }
  func.func @transform_2(%arg0: i32) -> (i32, i32, i32) {
    %c0_i32 = arith.constant 0 : i32
    %c0_i32_0 = arith.constant 0 : i32
    %c0_i32_1 = arith.constant 0 : i32
    return %c0_i32, %arg0, %c0_i32_0 : i32, i32, i32
  }
  func.func @transform_3(%arg0: i32) -> (i32, i32) {
    %c0_i32 = arith.constant 0 : i32
    %c0_i32_0 = arith.constant 0 : i32
    %c0_i32_1 = arith.constant 0 : i32
    return %c0_i32, %c0_i32_0 : i32, i32
  }
  func.func @transform_4(%arg0: i32) -> (i32, i32) {
    %c0_i32 = arith.constant 0 : i32
    %c0_i32_0 = arith.constant 0 : i32
    %c0_i32_1 = arith.constant 0 : i32
    return %c0_i32, %c0_i32_0 : i32, i32
  }
  func.func @transform_5(%arg0: i32) -> (i32, i32) {
    %c0_i32 = arith.constant 0 : i32
    %c0_i32_0 = arith.constant 0 : i32
    return %arg0, %c0_i32 : i32, i32
  }
}

module attributes {stable_mosaic.version = 14 : i64} {
  func.func @_mm_last(%arg0: i32, %arg1: memref<2x1000x128xf32, #tpu.memory_space<vmem>>, %arg2: memref<1000x128xf32, #tpu.memory_space<vmem>>, %arg3: memref<2x1000x1xf32, #tpu.memory_space<vmem>>, %arg4: memref<1x128xf32, #tpu.memory_space<vmem>>, %arg5: memref<1000x128xf32, #tpu.memory_space<vmem>>) attributes {dimension_semantics = [#tpu.dimension_semantics<arbitrary>], iteration_bounds = array<i64: 10>, scalar_prefetch = 0 : i64, scratch_operands = 0 : i64, tpu.core_type = #tpu.core_type<tc>, window_params = [{transform_indices = @transform_0, window_bounds = array<i64: 2, 1000, 128>}, {transform_indices = @transform_1, window_bounds = array<i64: 1000, 128>}, {transform_indices = @transform_2, window_bounds = array<i64: 2, 1000, 1>}, {pipeline_mode = #tpu.pipeline_mode<synchronous>, transform_indices = @transform_3, window_bounds = array<i64: 1, 128>}, {transform_indices = @transform_4, window_bounds = array<i64: 1000, 128>}]} {
    %get3A = arith.constant 0 : index
    %get3A_0 = arith.constant 0 : index
    %get3A_1 = arith.constant 0 : index
    %get3A_2 = vector.load %arg3[%get3A, %get3A_0, %get3A_1] : memref<2x1000x1xf32, #tpu.memory_space<vmem>>, vector<1x1000x1xf32>
    %get3A_3 = vector.shape_cast %get3A_2 : vector<1x1000x1xf32> to vector<1000x1xf32>
    %get3A_4 = arith.constant 1 : index
    %get3A_5 = arith.constant 0 : index
    %get3A_6 = arith.constant 0 : index
    %get3A_7 = vector.load %arg3[%get3A_4, %get3A_5, %get3A_6] : memref<2x1000x1xf32, #tpu.memory_space<vmem>>, vector<1x1000x1xf32>
    %get3A_8 = vector.shape_cast %get3A_7 : vector<1x1000x1xf32> to vector<1000x1xf32>
    %add3A = arith.addf %get3A_3, %get3A_8 : vector<1000x1xf32>
    %add3A_9 = arith.constant 1.000000e+00 : f32
    %add3A_10 = vector.broadcast %add3A_9 : f32 to vector<1000x1xf32>
    %add3A_11 = arith.addf %add3A, %add3A_10 : vector<1000x1xf32>
    %rsqrt3A = math.rsqrt %add3A_11 : vector<1000x1xf32>
    %get3A_12 = arith.constant 0 : index
    %get3A_13 = arith.constant 0 : index
    %get3A_14 = arith.constant 0 : index
    %get3A_15 = vector.load %arg1[%get3A_12, %get3A_13, %get3A_14] : memref<2x1000x128xf32, #tpu.memory_space<vmem>>, vector<1x1000x128xf32>
    %get3A_16 = vector.shape_cast %get3A_15 : vector<1x1000x128xf32> to vector<1000x128xf32>
    %get3A_17 = arith.constant 1 : index
    %get3A_18 = arith.constant 0 : index
    %get3A_19 = arith.constant 0 : index
    %get3A_20 = vector.load %arg1[%get3A_17, %get3A_18, %get3A_19] : memref<2x1000x128xf32, #tpu.memory_space<vmem>>, vector<1x1000x128xf32>
    %get3A_21 = vector.shape_cast %get3A_20 : vector<1x1000x128xf32> to vector<1000x128xf32>
    %add3A_22 = arith.addf %get3A_16, %get3A_21 : vector<1000x128xf32>
    %get3A_23 = arith.constant 0 : index
    %get3A_24 = arith.constant 0 : index
    %get3A_25 = vector.load %arg2[%get3A_23, %get3A_24] : memref<1000x128xf32, #tpu.memory_space<vmem>>, vector<1000x128xf32>
    %add3A_26 = arith.addf %add3A_22, %get3A_25 : vector<1000x128xf32>
    %mul3A = vector.broadcast %rsqrt3A : vector<1000x1xf32> to vector<1000x128xf32>
    %mul3A_27 = arith.mulf %add3A_26, %mul3A : vector<1000x128xf32>
    %get3A_28 = arith.constant 0 : index
    %get3A_29 = arith.constant 0 : index
    %get3A_30 = vector.load %arg4[%get3A_28, %get3A_29] : memref<1x128xf32, #tpu.memory_space<vmem>>, vector<1x128xf32>
    %add3A_31 = vector.broadcast %get3A_30 : vector<1x128xf32> to vector<1000x128xf32>
    %add3A_32 = arith.addf %mul3A_27, %add3A_31 : vector<1000x128xf32>
    %max3A = arith.constant 0.000000e+00 : f32
    %max3A_33 = vector.broadcast %max3A : f32 to vector<1000x128xf32>
    %max3A_34 = arith.maximumf %add3A_32, %max3A_33 : vector<1000x128xf32>
    %swap3A = arith.constant 0 : index
    %swap3A_35 = arith.constant 0 : index
    %swap3A_36 = vector.load %arg5[%swap3A, %swap3A_35] : memref<1000x128xf32, #tpu.memory_space<vmem>>, vector<1000x128xf32>
    tpu.vector_store %arg5[%swap3A, %swap3A_35], %max3A_34 {strides = array<i32>} : memref<1000x128xf32, #tpu.memory_space<vmem>>, vector<1000x128xf32>,
    return
  }
  func.func @transform_0(%arg0: i32) -> (i32, i32, i32) {
    %c0_i32 = arith.constant 0 : i32
    %c0_i32_0 = arith.constant 0 : i32
    %c0_i32_1 = arith.constant 0 : i32
    return %c0_i32, %arg0, %c0_i32_0 : i32, i32, i32
  }
  func.func @transform_1(%arg0: i32) -> (i32, i32) {
    %c0_i32 = arith.constant 0 : i32
    %c0_i32_0 = arith.constant 0 : i32
    return %arg0, %c0_i32 : i32, i32
  }
  func.func @transform_2(%arg0: i32) -> (i32, i32, i32) {
    %c0_i32 = arith.constant 0 : i32
    %c0_i32_0 = arith.constant 0 : i32
    %c0_i32_1 = arith.constant 0 : i32
    return %c0_i32, %arg0, %c0_i32_0 : i32, i32, i32
  }
  func.func @transform_3(%arg0: i32) -> (i32, i32) {
    %c0_i32 = arith.constant 0 : i32
    %c0_i32_0 = arith.constant 0 : i32
    %c0_i32_1 = arith.constant 0 : i32
    return %c0_i32, %c0_i32_0 : i32, i32
  }
  func.func @transform_4(%arg0: i32) -> (i32, i32) {
    %c0_i32 = arith.constant 0 : i32
    %c0_i32_0 = arith.constant 0 : i32
    return %arg0, %c0_i32 : i32, i32
  }
}

</mosaic_0001>

<sc_bundles>
// kernel: kernel.11.cloned.1.call-start
scs
__scs_entry_jumppad:
0x0: {  	(pc) =	sbr.rel $0x88, $3  }
0x1: {  	(tag) =	ssettag $0x0;
	lr =	simm.s32 $0x1  }
0x2: {  	[smem:$0x3F9B] =	sst lr;
	_ =	strace $0xD0000000  }
0x3: {  	_ = 	snop  }
0x4: {  	_ = 	snop  }
0x5: {  	_ = 	snop  }
0x6: {  	_ = 	snop  }
0x7: {  	_ = 	snop  }
__scs_overlays_trampoline_lowered:
0x8: {  	[smem:$0x3FAA] =	sst s0  }
0x9: {  	[smem:$0x3FAB] =	sst s1  }
0xa: {  	[smem:$0x3FAC] =	sst s2  }
0xb: {  	[smem:$0x3FAD] =	sst s3  }
0xc: {  	[smem:$0x3FAE] =	sst s4  }
0xd: {  	[smem:$0x3FAF] =	sst s5  }
0xe: {  	[smem:$0x3FB0] =	sst s6  }
0xf: {  	[smem:$0x3FB1] =	sst s7  }
0x10: {  	[smem:$0x3FB2] =	sst s8  }
0x11: {  	[smem:$0x3FB3] =	sst s9;
	s0 =	simm.s32 @!p0 $0x0  }
0x12: {  	s1 =	sld [smem:$0x3F99];
	s0 =	simm.s32 @p0 $0x1  }
0x13: {  	[smem:$0x3FB4] =	sst s0;
	s0 =	simm.s32 @!p1 $0x0  }
0x14: {  	s2 =	sld [smem:$0x3F98];
	s0 =	simm.s32 @p1 $0x1  }
0x15: {  	[smem:$0x3FB5] =	sst s0;
	s0 =	simm.s32 @!p2 $0x0  }
0x16: {  	s3 =	sld [smem:$0x3FDB];
	s0 =	simm.s32 @p2 $0x1  }
0x17: {  	s4 =	simm.s32 $0x1BF5;
	[smem:$0x3FB7] =	sst s0  }
0x18: {  	s0 =	sld [smem:$0x3F9A];
	_ =	swait.ge [sflag:s4], $0x0  }
0x19: {  	s7 =	sld [smem:$0x3F9B]  }
0x1a: {  	s8 =	sadd.s32 $0xFFFFE003, lr  }
0x1b: {  	s9 =	sadd.s32 $0xFFFFFEF7, lr;
	s5 =	simm.s32 $0xFFFFFFFF;
	p2 =	slt.u32 s8, $0xFFFFF086  }
0x1c: {  	p1 =	slt.u32 s9, $0xF7A;
	s5 =	simm.s32 @!p2 $0x0  }
0x1d: {  	s5 =	simm.s32 @p1 $0x1;
	p0 =	seq.s32 s7, s2  }
0x1e: {  	s7 =	smul.u32 @!p0 $0xF7A, s2;
	p2 =	seq.s32 @!p0 s5, $0x0  }
0x1f: {  	s9 =	smul.u32 $0xF7A, s1;
	s8 =	simm.s32 @!p0 $0x1BF5;
	p2 =	por !p2, p0  }
0x20: {  	[sflag:s8] =	ssyncset.s32 @!p0 $0xFFFFF086;
	s6 =	sadd.s32 @!p0 s3, s7;
	s7 =	simm.s32 @!p0 $0x108  }
0x21: {  	s3 =	sadd.s32 s3, s9;
	s6 =	sadd.s32 @!p0 $0x88, s6;
	s7 =	simm.s32 @p2 $0x1082  }
0x22: {  	[simem:s7], [sflag:s8] =	dma.local @!p0 [hbm:s6], $0xF7A  }
0x23: {  	s9 =	sor.u32 $0xD0000000, s2;
	s6 =	simm.s32 $0x108;
	_ =	swait.ge @!p0 [sflag:s8], $0x0  }
0x24: {  	s3 =	sadd.s32 $0x88, s3;
	s6 =	simm.s32 @!p1 $0x1082;
	[sflag:s4] =	ssyncset.s32 $0xFFFFF086  }
0x25: {  	[simem:s6], [sflag:s4] =	dma.local [hbm:s3], $0xF7A  }
0x26: {  	[smem:$0x3F9B] =	sst s1;
	(tag) =	ssettag s2;
	_ =	strace s9  }
0x27: {  	s1 =	sld [smem:$0x3FAB]  }
0x28: {  	s2 =	sld [smem:$0x3FAC]  }
0x29: {  	s4 =	sld [smem:$0x3FAE]  }
0x2a: {  	p0 =	seq.s32 s5, $0x0;
	s5 =	sld [smem:$0x3FAF]  }
0x2b: {  	s6 =	sld [smem:$0x3FB0]  }
0x2c: {  	s7 =	sld [smem:$0x3FB1]  }
0x2d: {  	s3 =	simm.s32 $0x108;
	s8 =	sld [smem:$0x3FB2]  }
0x2e: {  	s3 =	simm.s32 @!p0 $0x1082;
	s9 =	sld [smem:$0x3FB3]  }
0x2f: {  	lr =	sadd.s32 s0, s3;
	s0 =	sld [smem:$0x3FAA]  }
0x30: {  	s3 =	sld [smem:$0x3FAD]  }
0x31: {  	[smem:$0x3FB6] =	sst s10  }
0x32: {  	s10 =	sld [smem:$0x3FB4];
	_ =	sdelay $0x3  }
0x33: {  	p0 =	seq.s32 s10, $0x1;
	s10 =	sld [smem:$0x3FB6];
	_ =	sdelay $0x3  }
0x34: {  	[smem:$0x3FB6] =	sst s10  }
0x35: {  	s10 =	sld [smem:$0x3FB5];
	_ =	sdelay $0x3  }
0x36: {  	p1 =	seq.s32 s10, $0x1;
	s10 =	sld [smem:$0x3FB6];
	_ =	sdelay $0x3  }
0x37: {  	[smem:$0x3FB6] =	sst s10  }
0x38: {  	s10 =	sld [smem:$0x3FB7]  }
0x39: {  	_ = 	snop;
	(pc) =	sbr.ind lr, $3  }
0x3a: {  	_ = 	snop  }
0x3b: {  	_ = 	snop  }
0x3c: {  	p2 =	seq.s32 s10, $0x1;
	s10 =	sld [smem:$0x3FB6]  }
0x3d: {  	_ =	shalt  }
0x3e: {  	_ =	shalt  }
0x3f: {  	_ =	shalt  }
0x40: {  	_ =	shalt  }
0x41: {  	_ =	shalt  }
0x42: {  	_ =	shalt  }
0x43: {  	_ =	shalt  }
0x44: {  	_ =	shalt  }
0x45: {  	_ =	shalt  }
0x46: {  	_ =	shalt  }
0x47: {  	_ =	shalt  }
0x48: {  	_ =	shalt  }
0x49: {  	_ =	shalt  }
0x4a: {  	_ =	shalt  }
0x4b: {  	_ =	shalt  }
0x4c: {  	_ =	shalt  }
0x4d: {  	_ =	shalt  }
0x4e: {  	_ =	shalt  }
0x4f: {  	_ =	shalt  }
0x50: {  	_ =	shalt  }
0x51: {  	_ =	shalt  }
0x52: {  	_ =	shalt  }
0x53: {  	_ =	shalt  }
0x54: {  	_ =	shalt  }
0x55: {  	_ =	shalt  }
0x56: {  	_ =	shalt  }
0x57: {  	_ =	shalt  }
0x58: {  	_ =	shalt  }
0x59: {  	_ =	shalt  }
0x5a: {  	_ =	shalt  }
0x5b: {  	_ =	shalt  }
0x5c: {  	_ =	shalt  }
0x5d: {  	_ =	shalt  }
0x5e: {  	_ =	shalt  }
0x5f: {  	_ =	shalt  }
0x60: {  	_ =	shalt  }
0x61: {  	_ =	shalt  }
0x62: {  	_ =	shalt  }
0x63: {  	_ =	shalt  }
0x64: {  	_ =	shalt  }
0x65: {  	_ =	shalt  }
0x66: {  	_ =	shalt  }
0x67: {  	_ =	shalt  }
0x68: {  	_ =	shalt  }
0x69: {  	_ =	shalt  }
0x6a: {  	_ =	shalt  }
0x6b: {  	_ =	shalt  }
0x6c: {  	_ =	shalt  }
0x6d: {  	_ =	shalt  }
0x6e: {  	_ =	shalt  }
0x6f: {  	_ =	shalt  }
0x70: {  	_ =	shalt  }
0x71: {  	_ =	shalt  }
0x72: {  	_ =	shalt  }
0x73: {  	_ =	shalt  }
0x74: {  	_ =	shalt  }
0x75: {  	_ =	shalt  }
0x76: {  	_ =	shalt  }
0x77: {  	_ =	shalt  }
0x78: {  	_ =	shalt  }
0x79: {  	_ =	shalt  }
0x7a: {  	_ =	shalt  }
0x7b: {  	_ =	shalt  }
0x7c: {  	_ =	shalt  }
0x7d: {  	_ =	shalt  }
0x7e: {  	_ =	shalt  }
0x7f: {  	_ =	shalt  }
0x80: {  	_ =	shalt  }
0x81: {  	_ =	shalt  }
0x82: {  	_ =	shalt  }
0x83: {  	_ =	shalt  }
0x84: {  	_ =	shalt  }
0x85: {  	_ =	shalt  }
0x86: {  	_ =	shalt  }
0x87: {  	_ =	shalt  }
.Lfunc_end0:
.L_simem_size_0:
called_computation.1_lowered:
.L_overlay_start_0:
0x88: {  	s2 =	sld [smem:$0x3FD9]  }
0x89: {  	s3 =	sld [smem:$0x3FFE];
	_ =	sdelay $0x1  }
0x8a: {  	s1 =	srdreg.scid  }
0x8b: {  	s0 =	sand.u32 $0x1, s1  }
0x8c: {  	s17 =	sshll.u32 s0, $0xA;
	s2 =	sadd.s32 s3, s2  }
0x8d: {  	s2 =	sadd.s32 s2, s17  }
0x8e: {  	[smem:$0x3FC2] =	sst s2  }
0x8f: {  	_ = 	snop  }
0x90: {  	s2 =	sld [smem:$0x3FD0];
	(tm) =	ssettm $0x1  }
0x91: {  	s18 =	sld [smem:$0x3FFB];
	_ =	sdelay $0x3  }
0x92: {  	_ =	strace s18  }
0x93: {  	s3 =	sld [smem:$0x3FFC];
	_ =	sdelay $0x3  }
0x94: {  	_ =	strace s3  }
0x95: {  	s3 =	sld [smem:$0x3FFD];
	_ =	sdelay $0x3  }
0x96: {  	_ =	strace s3  }
0x97: {  	_ =	strace $0x8FFFFFFF  }
0x98: {  	s19 =	sld [smem:$0x3FDB];
	_ =	sdelay $0x1  }
0x99: {  	s4 =	simm.s32 $_scs_section_size  }
0x9a: {  	s5 =	simm.s32 $_size__tile_overlayer_lowered;
	s6 =	simm.s32 $_tile_overlayer_lowered  }
0x9b: {  	s22 =	simm.s32 $0x1BFF;
	s21 =	sshll.u32 s6, $0x1;
	s3 =	sadd.s32 s4, s19  }
0x9c: {  	s7 =	simm.s32 $0x0;
	s20 =	sshll.u32 s5, $0x1;
	s5 =	sadd.s32 s21, s3  }
0x9d: {  	[timem:s7], [sflag:s22] =	dma.local [hbm:s5], s20  }
0x9e: {  	_ =	swait.ge [sflag:s22], s20  }
0x9f: {  	s4 =	ssub.s32 $0x0, s20;
	[sflag:s22] =	ssyncset.done $0x0  }
0xa0: {  	[sflag:s22] =	ssyncadd.s32 s4;
	_ =	sdelay $0x1  }
0xa1: {  	s23 =	simm.s32 $0x1B8B  }
0xa2: {  	_ =	swait.ge [sflag:s23], $0x1  }
0xa3: {  	[sflag:s23] =	ssyncset.done $0x0  }
0xa4: {  	s25 =	simm.s32 $0x1B8E;
	s24 =	sld [smem:$0x3FFE];
	[sflag:s23] =	ssyncadd.s32 $0xFFFFFFFF  }
0xa5: {  	s26 =	simm.s32 $execute0_lowered;
	[smem:$0x3FD2] =	sst s25  }
0xa6: {  	s5 =	sshll.u32 s26, $0x1;
	_ =	strace $0x80000049;
	[dreg:$0x1] =	wrdreg $0xFFFFFFFF  }
0xa7: {  	s28 =	simm.s32 $_size_execute0_lowered;
	s3 =	sadd.s32 s3, s5;
	[dreg:$0x0] =	wrdreg $0x0  }
0xa8: {  	s5 =	sshll.u32 s28, $0x1;
	[dreg:$0x2] =	wrdreg s3  }
0xa9: {  	[dreg:$0x3] =	wrdreg s5  }
0xaa: {  	[dreg:$0x4] =	wrdreg $0xC0  }
0xab: {  	_ =	task [dreg:s7], $0x5FFFF  }
0xac: {  	[dreg:$0x1] =	wrdreg $0xFFFFFFFF  }
0xad: {  	[dreg:$0x0] =	wrdreg $0x60  }
0xae: {  	[dreg:$0x2] =	wrdreg s24  }
0xaf: {  	[dreg:$0x3] =	wrdreg s2  }
0xb0: {  	[dreg:$0x4] =	wrdreg $0xC5000  }
0xb1: {  	[dreg:$0x5] =	wrdreg $0x9  }
0xb2: {  	_ =	task.clear_ibuf [dreg:s7], $0x6FFFF;
	_ =	strace $0x90000049  }
0xb3: {  	s29 =	simm.s32 $0x9;
	_ =	strace $0x8000004B  }
0xb4: {  	_ =	swait.ge [sflag:s29], $0x1  }
0xb5: {  	[sflag:s29] =	ssyncadd.s32 $0xFFFFFFFF  }
0xb6: {  	_ =	strace $0x9000004B  }
0xb7: {  	_ =	sfence  }
0xb8: {  	s30 =	sld [smem:$0x0];
	_ =	sdelay $0x2  }
0xb9: {  	s31 =	sshll.u32 s1, $0xD;
	s1 =	sshrl.u32 s1, $0x2  }
0xba: {  	s3 =	sand.u32 $0x4000, s31;
	s1 =	sadd.s32 s1, s30  }
0xbb: {  	s0 =	sor.u32 s3, s0;
	s1 =	sshll.u32 s1, $0x11  }
0xbc: {  	s0 =	sor.u32 s1, s0  }
0xbd: {  	s0 =	sadd.s32 $0x8F2B, s0  }
0xbe: {  	[sflag:s0] =	ssyncadd.remote.s32 $0x1  }
0xbf: {  	_ =	sfence.sel $0xFFFF  }
0xc0: {  	[dreg:$0x0] =	wrdreg $0xFFFFFFFF;
	(pc) =	sbr.abs _section_cstart, $3  }
0xc1: {  	[dreg:$0x1] =	wrdreg $0xFFFFFFFF  }
0xc2: {  	_ =	task.clear_ibuf [dreg:s7], $0x2FFFF;
	_ =	strace $0x9FFFFFFF  }
0xc3: {  	(tm) =	ssettm $0x7FFFFFFF  }
tec
execute0_lowered:
.L_overlay_start_1:
0x0: {  	(tag) =	ssettag $0x1  }
0x1: {  	s0 =	rddreg [dreg:$0x0]  }
0x2: {  	s1 =	rddreg [dreg:$0x1]  }
0x3: {  	s2 =	rddreg [dreg:$0x2];
	s3 =	simm.s32 $0x0;
	s18 =	stileid.u32  }
0x4: {  	s6 =	srdreg.scid;
	s19 =	simm.s32 $0x200;
	s31 =	simm.s32 $0x80  }
0x5: {  	s20 =	simm.s32 $0x0;
	[smem:$0x7FF] =	sst s3;
	s5 =	smul.u32 $0x2780, s18  }
0x6: {  	s4 =	sadd.s32 $0x51200, s0;
	s6 =	sand.u32 $0x1, s6;
	s10 =	smul.u32 $0x4F000, s18  }
0x7: {  	s8 =	sshll.u32 s18, $0x1;
	s12 =	sadd.s32 $0x9F600, s0;
	s17 =	smul.u32 $0x9E00, s18  }
0x8: {  	s16 =	sadd.s32 $0x128400, s2;
	p0 =	seq.s32 s18, $0xF;
	s22 =	smul.u32 $0x27200, s6  }
0x9: {  	_ =	strace $0x8000004A;
	s9 =	ssub.s32 $0x2, s6;
	s15 =	smul.u32 $0x139000, s6  }
0xa: {  	s8 =	sor.u32 s6, s8;
	s24 =	smul.u32 $0x4F00, s6;
	[dreg:$0x4] =	wrdreg s31  }
0xb: {  	s7 =	sadd.s32 s5, s0;
	s11 =	sshrl.u32 s9, $0x1;
	s8 =	smul.u32 $0x4F00, s8  }
0xc: {  	s21 =	sshrl.u32 s10, $0x2;
	s0 =	sadd.s32 $0x9D480, s0;
	s13 =	ssub.s32 s9, s11  }
0xd: {  	s14 =	sadd.s32 s21, s2;
	s7 =	sadd.s32 $0x78400, s7;
	[dreg:$0x6] =	wrdreg s0  }
0xe: {  	s5 =	sadd.s32 s5, s22;
	s29 =	sshrl.u32 s15, $0x3;
	s0 =	sadd.s32 s24, s17  }
0xf: {  	s15 =	sshrl.u32 @p0 s16, $0x3;
	s21 =	simm.s32 $0x40;
	s24 =	simm.s32 $0x3  }
0x10: {  	[dreg:$0x5] =	wrdreg s7;
	s23 =	sshrl.u32 s8, $0x3;
	s5 =	sadd.s32 s12, s5  }
0x11: {  	s30 =	sadd.s32 s12, s29;
	s0 =	sadd.s32 $0x400, s0;
	s13 =	smax.u32 s13, $0x1  }
0x12: {  	s17 =	sshrl.u32 @!p0 s14, $0x3;
	s7 =	sadd.s32 s1, s23;
	[dreg:$0xa] =	wrdreg s5  }
0x13: {  	s5 =	sadd.s32 $0x25080, s30;
	s0 =	sshrl.u32 s0, $0x3;
	s25 =	sadd.s32 $0x20, s7  }
0x14: {  	s26 =	sadd.s32 $0x40, s7;
	s28 =	sadd.s32 $0x60, s7;
	[dreg:$0xb] =	wrdreg s5  }
0x15: {  	s23 =	sadd.s32 s0, s1;
	s0 =	sshll.u32 @!p0 s18, $0x6;
	[dreg:$0x7] =	wrdreg s25  }
0x16: {  	s18 =	simm.s32 $0x100;
	s1 =	simm.s32 $0x2;
	[dreg:$0x8] =	wrdreg s26  }
0x17: {  	[dreg:$0x9] =	wrdreg s28;
	s16 =	sor.u32 @!p0 $0x1C04, s0;
	s0 =	simm.s32 $0x1  }
.LBB2_1:
0x18: {  	s5 =	simm.s32 @p0 $0x1FC4;
	s6 =	rddreg [dreg:$0x6]  }
0x19: {  	[spmem:s15], [sflag:s5] =	dma.local @p0 [hbm:s6], $0x2180  }
0x1a: {  	s5 =	simm.s32 @p0 $0x4  }
0x1b: {  	_ =	swait.ge @p0 [sflag:s5], $0x2180  }
0x1c: {  	[sflag:s5] =	ssyncset.done @p0 $0x0  }
0x1d: {  	[sflag:s5] =	ssyncadd.s32 @p0 $0xFFFFDE80;
	s5 =	rddreg [dreg:$0x5]  }
0x1e: {  	[spmem:s17], [sflag:s16] =	dma.local @!p0 [hbm:s5], $0x2780  }
0x1f: {  	s5 =	simm.s32 @!p0 $0x4  }
0x20: {  	_ =	swait.ge @!p0 [sflag:s5], $0x2780  }
0x21: {  	[sflag:s5] =	ssyncset.done @!p0 $0x0  }
0x22: {  	[sflag:s5] =	ssyncadd.s32 @!p0 $0xFFFFD880  }
0x23: {  	s22 =	simm.s32 $0x4;
	[bflag:$0x0] =	sbarrier.arrive $0xFFFF  }
0x24: {  	[tilespmem:s3], [sflag:$0x4] =	stream.linear.gather [hbm4b:s7+s3], $0x100, $0x38;
	[tilespmem:$0x1FE00] =	vst v63  }
0x25: {  	_ =	swait.ge [sflag:s22], $0x100  }
0x26: {  	s25 =	simm.s32 $0x300;
	[sflag:s22] =	ssyncset.done $0x0  }
0x27: {  	s26 =	simm.s32 $0x500;
	s11 =	rddreg [dreg:$0x7];
	[sflag:s22] =	ssyncadd.s32 $0xFFFFFF00  }
0x28: {  	[tilespmem:s18], [sflag:$0x3] =	stream.linear.gather [hbm4b:s11+s3], $0x100, $0x38;
	[tilespmem:$0x1FE00] =	vst v63  }
0x29: {  	s8 =	simm.s32 $0x4500;
	s9 =	simm.s32 $0x140;
	s12 =	rddreg [dreg:$0x8]  }
0x2a: {  	[tilespmem:s19], [sflag:$0x3] =	stream.linear.gather [hbm4b:s12+s3], $0x100, $0x38;
	[tilespmem:$0x1FE00] =	vst v63  }
0x2b: {  	s10 =	simm.s32 $0x6500;
	p3 =	por $0x0, $0x0;
	s14 =	rddreg [dreg:$0x9]  }
0x2c: {  	[tilespmem:s25], [sflag:$0x3] =	stream.linear.gather [hbm4b:s14+s3], $0x100, $0x38;
	[tilespmem:$0x1FE00] =	vst v63  }
0x2d: {  	s6 =	simm.s32 $0x2500;
	s30 =	simm.s32 @!p3 $0x3;
	s25 =	simm.s32 $0x0  }
0x2e: {  	p1 =	por @!p3 $0x0, $0x0;
	p2 =	por p3, p3;
	s5 =	smul.u32 $0xCD, s25  }
0x2f: {  	[tilespmem:s26], [sflag:$0x1] =	stream.indirect.gather [hbm4b:s4+s21], $0x80, s3, s21, $0xb8;
	[tilespmem:$0x1FE00] =	vst v63  }
0x30: {  	p1 =	por p1, p3;
	s11 =	simm.s32 $0x8500;
	s26 =	smul.u32 $0xAB, s25  }
0x31: {  	[tilespmem:s6], [sflag:$0x1] =	stream.indirect.gather [hbm4b:s4+s21], $0x80, s21, s21, $0xb8;
	[tilespmem:$0x1FE00] =	vst v63  }
0x32: {  	s5 =	sshrl.u32 s5, $0xA;
	s6 =	sshrl.u32 s26, $0x9;
	_ =	swait.ge [sflag:s24], $0x100  }
0x33: {  	s5 =	sand.u32 $0x3F, s5;
	s26 =	smul.u32 @!p1 $0xCD, s22;
	[sflag:s24] =	ssyncset.done $0x0  }
0x34: {  	s6 =	sand.u32 $0x7F, s6;
	s5 =	smul.u32 $0x5, s5;
	[sflag:s24] =	ssyncadd.s32 $0xFFFFFF00  }
0x35: {  	[tilespmem:s8], [sflag:$0x1] =	stream.indirect.gather [hbm4b:s4+s21], $0x80, s18, s21, $0xb8;
	[tilespmem:$0x1FE00] =	vst v63  }
0x36: {  	s12 =	simm.s32 $0x240;
	s14 =	simm.s32 $0xA500;
	s6 =	smul.u32 $0x3, s6  }
0x37: {  	[tilespmem:s10], [sflag:$0x1] =	stream.indirect.gather [hbm4b:s4+s21], $0x80, s9, s21, $0xb8;
	[tilespmem:$0x1FE00] =	vst v63  }
0x38: {  	s25 =	simm.s32 @!p3 $0x3;
	s26 =	sshrl.u32 @!p1 s26, $0xA;
	_ =	swait.ge [sflag:s24], $0x100  }
0x39: {  	s5 =	ssub.s32 $0x0, s5;
	s6 =	ssub.s32 $0x0, s6;
	[sflag:s24] =	ssyncset.done $0x0  }
0x3a: {  	s5 =	sand.u32 $0xFF, s5;
	s6 =	sand.u32 $0xFF, s6;
	[sflag:s24] =	ssyncadd.s32 $0xFFFFFF00  }
0x3b: {  	[tilespmem:s11], [sflag:$0x1] =	stream.indirect.gather [hbm4b:s4+s21], $0x80, s19, s21, $0xb8;
	[tilespmem:$0x1FE00] =	vst v63  }
0x3c: {  	s26 =	sand.u32 @!p1 $0x3F, s26;
	s5 =	sshll.u32 s5, $0x8;
	s6 =	sshll.u32 s6, $0xE  }
0x3d: {  	[tilespmem:s14], [sflag:$0x1] =	stream.indirect.gather [hbm4b:s4+s21], $0x80, s12, s21, $0xb8;
	[tilespmem:$0x1FE00] =	vst v63  }
0x3e: {  	s5 =	sor.u32 $0x80, s5;
	s31 =	sor.u32 $0x500, s6;
	_ =	swait.ge [sflag:s0], $0x4000  }
0x3f: {  	s29 =	sadd.s32 @!p3 $0x2500, s6;
	s14 =	sand.u32 @!p3 $0xFF, s25;
	[sflag:s0] =	ssyncset.done $0x0  }
0x40: {  	s14 =	smul.u32 @!p3 $0xCD, s14;
	s28 =	rddreg [dreg:$0x4];
	[sflag:s0] =	ssyncadd.s32 $0xFFFFC000  }
0x41: {  	[spmem:s2] =	stream.indirect.scatter.add.f32 [tilespmem:s31], [sflag:$0x2], $0x80, s5, s28, $0xb8;
	[tilespmem:$0x1FE00] =	vst v63  }
0x42: {  	s6 =	smul.u32 @!p1 $0x5, s26;
	s26 =	simm.s32 $0x5;
	s5 =	sshrl.u32 @!p2 s14, $0xA  }
0x43: {  	s28 =	sadd.s32 $0x20, s23;
	s14 =	smov.u32 s23;
	s5 =	smul.u32 @!p2 $0x5, s5  }
.LBB2_2:
0x44: {  	s8 =	sadd.s32 $0xFFFFFFFC, s26  }
0x45: {  	_ =	swait.ge @!p2 [sflag:s30], $0x100;
	s9 =	simm.s32 @!p2 $0x2;
	s12 =	simm.s32 @!p1 $0x0  }
0x46: {  	s6 =	ssub.s32 @!p1 s22, s6;
	s22 =	smov.u32 s26;
	s10 =	smul.u32 $0xAB, s8  }
0x47: {  	s26 =	sadd.s32 $0x1, s26;
	[sflag:s30] =	ssyncset.done @!p2 $0x0;
	s11 =	smul.u32 $0xCD, s8  }
0x48: {  	s5 =	ssub.s32 @!p2 s25, s5;
	p4 =	sgt.u32 s8, $0x4B;
	p3 =	sne.s32 s26, $0x53  }
0x49: {  	s6 =	sand.u32 @!p1 $0xFF, s6;
	[sflag:s30] =	ssyncadd.s32 @!p2 $0xFFFFFF00;
	s5 =	sand.u32 @!p2 $0xFF, s5  }
0x4a: {  	s30 =	simm.s32 @!p4 $0x3;
	s6 =	sshll.u32 @!p1 s6, $0x8;
	s10 =	sshrl.u32 s10, $0x9  }
0x4b: {  	_ =	swait.ge @!p2 [sflag:s9], $0x4000;
	s11 =	sshrl.u32 s11, $0xA;
	s5 =	sshll.u32 @!p2 s5, $0x8  }
0x4c: {  	s10 =	sand.u32 $0x7F, s10;
	[sflag:s9] =	ssyncset.done @!p2 $0x0;
	s11 =	sand.u32 $0x3F, s11  }
0x4d: {  	s10 =	smul.u32 $0x3, s10;
	[sflag:s9] =	ssyncadd.s32 @!p2 $0xFFFFC000;
	s9 =	simm.s32 @!p2 $0x40  }
0x4e: {  	[tilespmem:s31], [sflag:$0x1] =	stream.indirect.gather @!p2 [hbm4b:s4+s9], $0x80, s5, s9, $0xb8;
	[tilespmem:$0x1FE00] =	vst v63  }
0x4f: {  	s25 =	sor.u32 @!p2 $0x40, s5;
	s11 =	smul.u32 $0x5, s11;
	s10 =	ssub.s32 s8, s10  }
0x50: {  	[tilespmem:s29], [sflag:$0x1] =	stream.indirect.gather @!p2 [hbm4b:s4+s9], $0x80, s25, s9, $0xb8;
	[tilespmem:$0x1FE00] =	vst v63  }
0x51: {  	s11 =	ssub.s32 s8, s11;
	s5 =	sand.u32 $0xFF, s10;
	s25 =	sadd.s32 @!p4 $0x3, s8  }
0x52: {  	[tilespmem:s6], [sflag:$0x3] =	stream.linear.gather @!p1 [hbm4b:s14+s12], $0x100, $0x38;
	[tilespmem:$0x1FE00] =	vst v63  }
0x53: {  	s9 =	sand.u32 $0xFF, s11;
	p2 =	por p4, p4;
	p1 =	seq.s32 @!p4 s22, $0x4F  }
0x54: {  	s5 =	sshll.u32 s5, $0xE;
	s6 =	sshll.u32 s9, $0x8;
	p1 =	por p1, p4  }
0x55: {  	s10 =	sor.u32 $0x80, s6;
	s6 =	sand.u32 @!p4 $0xFF, s25;
	s9 =	smul.u32 @!p1 $0xCD, s22  }
0x56: {  	s31 =	sor.u32 $0x500, s5;
	_ =	swait.ge [sflag:s0], $0x4000;
	s6 =	smul.u32 @!p4 $0xCD, s6  }
.Ltmp0:
0x57: {  	s12 =	rddreg [dreg:$0x4];
	[sflag:s0] =	ssyncset.done $0x0;
	(pc) =	sbr.rel @p3 .LBB2_2-.Ltmp0, $4  }
0x58: {  	[sflag:s0] =	ssyncadd.s32 $0xFFFFC000;
	s9 =	sshrl.u32 @!p1 s9, $0xA;
	s11 =	sshrl.u32 @!p2 s6, $0xA  }
0x59: {  	[spmem:s2] =	stream.indirect.scatter.add.f32 [tilespmem:s31], [sflag:$0x2], $0x80, s10, s12, $0xb8;
	[tilespmem:$0x1FE00] =	vst v63  }
0x5a: {  	s29 =	sadd.s32 @!p4 $0x2500, s5;
	s6 =	sand.u32 @!p1 $0x3F, s9;
	s5 =	smul.u32 @!p2 $0x5, s11  }
0x5b: {  	s14 =	smov.u32 s28;
	s28 =	sadd.s32 $0x20, s28;
	s6 =	smul.u32 @!p1 $0x5, s6  }
0x5c: {  	_ =	swait.ge @!p2 [sflag:s30], $0x100  }
0x5d: {  	[sflag:s30] =	ssyncset.done @!p2 $0x0  }
0x5e: {  	s8 =	simm.s32 @!p2 $0x2;
	[sflag:s30] =	ssyncadd.s32 @!p2 $0xFFFFFF00  }
0x5f: {  	s5 =	ssub.s32 @!p2 s25, s5;
	_ =	swait.ge @!p2 [sflag:s8], $0x4000  }
0x60: {  	s6 =	ssub.s32 @!p1 s22, s6;
	s5 =	sand.u32 @!p2 $0xFF, s5;
	[sflag:s8] =	ssyncset.done @!p2 $0x0  }
0x61: {  	s5 =	sshll.u32 @!p2 s5, $0x8;
	[sflag:s8] =	ssyncadd.s32 @!p2 $0xFFFFC000;
	s8 =	simm.s32 @!p2 $0x40  }
0x62: {  	[tilespmem:s31], [sflag:$0x1] =	stream.indirect.gather @!p2 [hbm4b:s4+s8], $0x80, s5, s8, $0xb8;
	[tilespmem:$0x1FE00] =	vst v63  }
0x63: {  	s6 =	sand.u32 @!p1 $0xFF, s6;
	s5 =	sor.u32 @!p2 $0x40, s5  }
0x64: {  	[tilespmem:s29], [sflag:$0x1] =	stream.indirect.gather @!p2 [hbm4b:s4+s8], $0x80, s5, s8, $0xb8;
	[tilespmem:$0x1FE00] =	vst v63  }
0x65: {  	s5 =	sshll.u32 @!p1 s6, $0x8;
	s6 =	simm.s32 @!p1 $0x0  }
0x66: {  	[tilespmem:s5], [sflag:$0x3] =	stream.linear.gather @!p1 [hbm4b:s14+s6], $0x100, $0x38;
	[tilespmem:$0x1FE00] =	vst v63  }
0x67: {  	_ =	swait.ge [sflag:s1], $0x4000  }
0x68: {  	[sflag:s1] =	ssyncset.done $0x0  }
0x69: {  	[sflag:s1] =	ssyncadd.s32 $0xFFFFC000  }
0x6a: {  	_ =	swait.ge [sflag:s1], $0x4000  }
0x6b: {  	[sflag:s1] =	ssyncset.done $0x0  }
0x6c: {  	[sflag:s1] =	ssyncadd.s32 $0xFFFFC000  }
0x6d: {  	_ =	swait.ge [sflag:s1], $0x4000  }
0x6e: {  	[sflag:s1] =	ssyncset.done $0x0  }
0x6f: {  	[sflag:s1] =	ssyncadd.s32 $0xFFFFC000  }
0x70: {  	[bflag:$0x0] =	sbarrier.arrive $0xFFFF  }
0x71: {  	s5 =	simm.s32 @p0 $0x1FC4;
	s6 =	rddreg [dreg:$0xb]  }
0x72: {  	[hbm:s6], [sflag:s5] =	dma.local @p0 [spmem:s15], $0x2180  }
0x73: {  	s5 =	simm.s32 @p0 $0x4  }
0x74: {  	_ =	swait.ge @p0 [sflag:s5], $0x2180  }
0x75: {  	s20 =	sadd.s32 $0x1, s20;
	[sflag:s5] =	ssyncset.done @p0 $0x0  }
0x76: {  	p1 =	sne.s32 s20, s13;
	[sflag:s5] =	ssyncadd.s32 @p0 $0xFFFFDE80;
	s5 =	rddreg [dreg:$0xa]  }
0x77: {  	[hbm:s5], [sflag:s16] =	dma.local @!p0 [spmem:s17], $0x2780  }
.Ltmp1:
0x78: {  	_ = 	snop;
	(pc) =	sbr.rel @p1 .LBB2_1-.Ltmp1, $4  }
0x79: {  	s5 =	simm.s32 @!p0 $0x4  }
0x7a: {  	_ =	swait.ge @!p0 [sflag:s5], $0x2780  }
0x7b: {  	[sflag:s5] =	ssyncset.done @!p0 $0x0  }
0x7c: {  	[sflag:s5] =	ssyncadd.s32 @!p0 $0xFFFFD880  }
0x7d: {  	_ =	sfence.sel $0x180000  }
0x7e: {  	[bflag:$0x0] =	sbarrier.arrive $0xFFFF  }
0x7f: {  	_ =	strace $0x9000004A  }
0x80: {  	s0 =	stileid.u32;
	[bflag:$0x2] =	sbarrier.arrive $0xFFFF  }
0x81: {  	p0 =	sne.s32 s0, $0x0;
	s0 =	rddreg [dreg:$0x3]  }
0x82: {  	s0 =	sadd.s32 @!p0 $0x100000, s0  }
0x83: {  	[sflag:s0] =	ssyncadd.tile.s32 @!p0 $0x1;
	_ =	shalt  }
.Lfunc_end2:
_tile_overlayer_lowered:
.L_overlay_start_2:
0x84: {  	(tag) =	ssettag $0x2  }
0x85: {  	s0 =	rddreg [dreg:$0x0];
	s2 =	stileid.u32  }
0x86: {  	s1 =	rddreg [dreg:$0x1];
	p0 =	sne.s32 s2, $0x0  }
0x87: {  	s3 =	rddreg [dreg:$0x2];
	[bflag:$0x3] =	sbarrier.arrive $0xFFFF;
	s2 =	simm.s32 @!p0 $0x1C04  }
0x88: {  	[timem:s3], [sflag:s2] =	dma.local @!p0 [hbm:s0], s1  }
0x89: {  	s0 =	simm.s32 @!p0 $0x4  }
0x8a: {  	_ =	swait.ge @!p0 [sflag:s0], s1  }
0x8b: {  	s1 =	ssub.s32 @!p0 $0x0, s1;
	[sflag:s0] =	ssyncset.done @!p0 $0x0  }
0x8c: {  	[sflag:s0] =	ssyncadd.s32 @!p0 s1  }
0x8d: {  	[bflag:$0x3] =	sbarrier.arrive $0xFFFF  }
0x8e: {  	_ =	shalt  }

// kernel: kernel.14.cloned.1.call-start
scs
__scs_entry_jumppad:
0x0: {  	(pc) =	sbr.rel $0x88, $3  }
0x1: {  	(tag) =	ssettag $0x0;
	lr =	simm.s32 $0x1  }
0x2: {  	[smem:$0x3F9B] =	sst lr;
	_ =	strace $0xD0000000  }
0x3: {  	_ = 	snop  }
0x4: {  	_ = 	snop  }
0x5: {  	_ = 	snop  }
0x6: {  	_ = 	snop  }
0x7: {  	_ = 	snop  }
__scs_overlays_trampoline_lowered:
0x8: {  	[smem:$0x3FAA] =	sst s0  }
0x9: {  	[smem:$0x3FAB] =	sst s1  }
0xa: {  	[smem:$0x3FAC] =	sst s2  }
0xb: {  	[smem:$0x3FAD] =	sst s3  }
0xc: {  	[smem:$0x3FAE] =	sst s4  }
0xd: {  	[smem:$0x3FAF] =	sst s5  }
0xe: {  	[smem:$0x3FB0] =	sst s6  }
0xf: {  	[smem:$0x3FB1] =	sst s7  }
0x10: {  	[smem:$0x3FB2] =	sst s8  }
0x11: {  	[smem:$0x3FB3] =	sst s9;
	s0 =	simm.s32 @!p0 $0x0  }
0x12: {  	s1 =	sld [smem:$0x3F99];
	s0 =	simm.s32 @p0 $0x1  }
0x13: {  	[smem:$0x3FB4] =	sst s0;
	s0 =	simm.s32 @!p1 $0x0  }
0x14: {  	s2 =	sld [smem:$0x3F98];
	s0 =	simm.s32 @p1 $0x1  }
0x15: {  	[smem:$0x3FB5] =	sst s0;
	s0 =	simm.s32 @!p2 $0x0  }
0x16: {  	s3 =	sld [smem:$0x3FDB];
	s0 =	simm.s32 @p2 $0x1  }
0x17: {  	s4 =	simm.s32 $0x1BF5;
	[smem:$0x3FB7] =	sst s0  }
0x18: {  	s0 =	sld [smem:$0x3F9A];
	_ =	swait.ge [sflag:s4], $0x0  }
0x19: {  	s7 =	sld [smem:$0x3F9B]  }
0x1a: {  	s8 =	sadd.s32 $0xFFFFE003, lr  }
0x1b: {  	s9 =	sadd.s32 $0xFFFFFEF7, lr;
	s5 =	simm.s32 $0xFFFFFFFF;
	p2 =	slt.u32 s8, $0xFFFFF086  }
0x1c: {  	p1 =	slt.u32 s9, $0xF7A;
	s5 =	simm.s32 @!p2 $0x0  }
0x1d: {  	s5 =	simm.s32 @p1 $0x1;
	p0 =	seq.s32 s7, s2  }
0x1e: {  	s7 =	smul.u32 @!p0 $0xF7A, s2;
	p2 =	seq.s32 @!p0 s5, $0x0  }
0x1f: {  	s9 =	smul.u32 $0xF7A, s1;
	s8 =	simm.s32 @!p0 $0x1BF5;
	p2 =	por !p2, p0  }
0x20: {  	[sflag:s8] =	ssyncset.s32 @!p0 $0xFFFFF086;
	s6 =	sadd.s32 @!p0 s3, s7;
	s7 =	simm.s32 @!p0 $0x108  }
0x21: {  	s3 =	sadd.s32 s3, s9;
	s6 =	sadd.s32 @!p0 $0x88, s6;
	s7 =	simm.s32 @p2 $0x1082  }
0x22: {  	[simem:s7], [sflag:s8] =	dma.local @!p0 [hbm:s6], $0xF7A  }
0x23: {  	s9 =	sor.u32 $0xD0000000, s2;
	s6 =	simm.s32 $0x108;
	_ =	swait.ge @!p0 [sflag:s8], $0x0  }
0x24: {  	s3 =	sadd.s32 $0x88, s3;
	s6 =	simm.s32 @!p1 $0x1082;
	[sflag:s4] =	ssyncset.s32 $0xFFFFF086  }
0x25: {  	[simem:s6], [sflag:s4] =	dma.local [hbm:s3], $0xF7A  }
0x26: {  	[smem:$0x3F9B] =	sst s1;
	(tag) =	ssettag s2;
	_ =	strace s9  }
0x27: {  	s1 =	sld [smem:$0x3FAB]  }
0x28: {  	s2 =	sld [smem:$0x3FAC]  }
0x29: {  	s4 =	sld [smem:$0x3FAE]  }
0x2a: {  	p0 =	seq.s32 s5, $0x0;
	s5 =	sld [smem:$0x3FAF]  }
0x2b: {  	s6 =	sld [smem:$0x3FB0]  }
0x2c: {  	s7 =	sld [smem:$0x3FB1]  }
0x2d: {  	s3 =	simm.s32 $0x108;
	s8 =	sld [smem:$0x3FB2]  }
0x2e: {  	s3 =	simm.s32 @!p0 $0x1082;
	s9 =	sld [smem:$0x3FB3]  }
0x2f: {  	lr =	sadd.s32 s0, s3;
	s0 =	sld [smem:$0x3FAA]  }
0x30: {  	s3 =	sld [smem:$0x3FAD]  }
0x31: {  	[smem:$0x3FB6] =	sst s10  }
0x32: {  	s10 =	sld [smem:$0x3FB4];
	_ =	sdelay $0x3  }
0x33: {  	p0 =	seq.s32 s10, $0x1;
	s10 =	sld [smem:$0x3FB6];
	_ =	sdelay $0x3  }
0x34: {  	[smem:$0x3FB6] =	sst s10  }
0x35: {  	s10 =	sld [smem:$0x3FB5];
	_ =	sdelay $0x3  }
0x36: {  	p1 =	seq.s32 s10, $0x1;
	s10 =	sld [smem:$0x3FB6];
	_ =	sdelay $0x3  }
0x37: {  	[smem:$0x3FB6] =	sst s10  }
0x38: {  	s10 =	sld [smem:$0x3FB7]  }
0x39: {  	_ = 	snop;
	(pc) =	sbr.ind lr, $3  }
0x3a: {  	_ = 	snop  }
0x3b: {  	_ = 	snop  }
0x3c: {  	p2 =	seq.s32 s10, $0x1;
	s10 =	sld [smem:$0x3FB6]  }
0x3d: {  	_ =	shalt  }
0x3e: {  	_ =	shalt  }
0x3f: {  	_ =	shalt  }
0x40: {  	_ =	shalt  }
0x41: {  	_ =	shalt  }
0x42: {  	_ =	shalt  }
0x43: {  	_ =	shalt  }
0x44: {  	_ =	shalt  }
0x45: {  	_ =	shalt  }
0x46: {  	_ =	shalt  }
0x47: {  	_ =	shalt  }
0x48: {  	_ =	shalt  }
0x49: {  	_ =	shalt  }
0x4a: {  	_ =	shalt  }
0x4b: {  	_ =	shalt  }
0x4c: {  	_ =	shalt  }
0x4d: {  	_ =	shalt  }
0x4e: {  	_ =	shalt  }
0x4f: {  	_ =	shalt  }
0x50: {  	_ =	shalt  }
0x51: {  	_ =	shalt  }
0x52: {  	_ =	shalt  }
0x53: {  	_ =	shalt  }
0x54: {  	_ =	shalt  }
0x55: {  	_ =	shalt  }
0x56: {  	_ =	shalt  }
0x57: {  	_ =	shalt  }
0x58: {  	_ =	shalt  }
0x59: {  	_ =	shalt  }
0x5a: {  	_ =	shalt  }
0x5b: {  	_ =	shalt  }
0x5c: {  	_ =	shalt  }
0x5d: {  	_ =	shalt  }
0x5e: {  	_ =	shalt  }
0x5f: {  	_ =	shalt  }
0x60: {  	_ =	shalt  }
0x61: {  	_ =	shalt  }
0x62: {  	_ =	shalt  }
0x63: {  	_ =	shalt  }
0x64: {  	_ =	shalt  }
0x65: {  	_ =	shalt  }
0x66: {  	_ =	shalt  }
0x67: {  	_ =	shalt  }
0x68: {  	_ =	shalt  }
0x69: {  	_ =	shalt  }
0x6a: {  	_ =	shalt  }
0x6b: {  	_ =	shalt  }
0x6c: {  	_ =	shalt  }
0x6d: {  	_ =	shalt  }
0x6e: {  	_ =	shalt  }
0x6f: {  	_ =	shalt  }
0x70: {  	_ =	shalt  }
0x71: {  	_ =	shalt  }
0x72: {  	_ =	shalt  }
0x73: {  	_ =	shalt  }
0x74: {  	_ =	shalt  }
0x75: {  	_ =	shalt  }
0x76: {  	_ =	shalt  }
0x77: {  	_ =	shalt  }
0x78: {  	_ =	shalt  }
0x79: {  	_ =	shalt  }
0x7a: {  	_ =	shalt  }
0x7b: {  	_ =	shalt  }
0x7c: {  	_ =	shalt  }
0x7d: {  	_ =	shalt  }
0x7e: {  	_ =	shalt  }
0x7f: {  	_ =	shalt  }
0x80: {  	_ =	shalt  }
0x81: {  	_ =	shalt  }
0x82: {  	_ =	shalt  }
0x83: {  	_ =	shalt  }
0x84: {  	_ =	shalt  }
0x85: {  	_ =	shalt  }
0x86: {  	_ =	shalt  }
0x87: {  	_ =	shalt  }
.Lfunc_end0:
.L_simem_size_0:
called_computation.2_lowered:
.L_overlay_start_0:
0x88: {  	s2 =	sld [smem:$0x3FD9]  }
0x89: {  	s3 =	sld [smem:$0x3FFE];
	_ =	sdelay $0x1  }
0x8a: {  	s1 =	srdreg.scid  }
0x8b: {  	s0 =	sand.u32 $0x1, s1  }
0x8c: {  	s17 =	sshll.u32 s0, $0xA;
	s2 =	sadd.s32 s3, s2  }
0x8d: {  	s2 =	sadd.s32 s2, s17  }
0x8e: {  	[smem:$0x3FC2] =	sst s2  }
0x8f: {  	_ = 	snop  }
0x90: {  	s2 =	sld [smem:$0x3FD0];
	(tm) =	ssettm $0x1  }
0x91: {  	s18 =	sld [smem:$0x3FFB];
	_ =	sdelay $0x3  }
0x92: {  	_ =	strace s18  }
0x93: {  	s3 =	sld [smem:$0x3FFC];
	_ =	sdelay $0x3  }
0x94: {  	_ =	strace s3  }
0x95: {  	s3 =	sld [smem:$0x3FFD];
	_ =	sdelay $0x3  }
0x96: {  	_ =	strace s3  }
0x97: {  	_ =	strace $0x8FFFFFFF  }
0x98: {  	s19 =	sld [smem:$0x3FDB];
	_ =	sdelay $0x1  }
0x99: {  	s4 =	simm.s32 $_scs_section_size  }
0x9a: {  	s5 =	simm.s32 $_size__tile_overlayer_lowered;
	s6 =	simm.s32 $_tile_overlayer_lowered  }
0x9b: {  	s22 =	simm.s32 $0x1BFF;
	s21 =	sshll.u32 s6, $0x1;
	s3 =	sadd.s32 s4, s19  }
0x9c: {  	s7 =	simm.s32 $0x0;
	s20 =	sshll.u32 s5, $0x1;
	s5 =	sadd.s32 s21, s3  }
0x9d: {  	[timem:s7], [sflag:s22] =	dma.local [hbm:s5], s20  }
0x9e: {  	_ =	swait.ge [sflag:s22], s20  }
0x9f: {  	s4 =	ssub.s32 $0x0, s20;
	[sflag:s22] =	ssyncset.done $0x0  }
0xa0: {  	[sflag:s22] =	ssyncadd.s32 s4;
	_ =	sdelay $0x1  }
0xa1: {  	s23 =	simm.s32 $0x1B8B  }
0xa2: {  	_ =	swait.ge [sflag:s23], $0x1  }
0xa3: {  	[sflag:s23] =	ssyncset.done $0x0  }
0xa4: {  	s25 =	simm.s32 $0x1B8E;
	s24 =	sld [smem:$0x3FFE];
	[sflag:s23] =	ssyncadd.s32 $0xFFFFFFFF  }
0xa5: {  	s26 =	simm.s32 $execute0_lowered;
	[smem:$0x3FD2] =	sst s25  }
0xa6: {  	s5 =	sshll.u32 s26, $0x1;
	_ =	strace $0x8000004C;
	[dreg:$0x1] =	wrdreg $0xFFFFFFFF  }
0xa7: {  	s28 =	simm.s32 $_size_execute0_lowered;
	s3 =	sadd.s32 s3, s5;
	[dreg:$0x0] =	wrdreg $0x0  }
0xa8: {  	s5 =	sshll.u32 s28, $0x1;
	[dreg:$0x2] =	wrdreg s3  }
0xa9: {  	[dreg:$0x3] =	wrdreg s5  }
0xaa: {  	[dreg:$0x4] =	wrdreg $0xC0  }
0xab: {  	_ =	task [dreg:s7], $0x5FFFF  }
0xac: {  	[dreg:$0x1] =	wrdreg $0xFFFFFFFF  }
0xad: {  	[dreg:$0x0] =	wrdreg $0x60  }
0xae: {  	[dreg:$0x2] =	wrdreg s24  }
0xaf: {  	[dreg:$0x3] =	wrdreg s2  }
0xb0: {  	[dreg:$0x4] =	wrdreg $0xC5000  }
0xb1: {  	[dreg:$0x5] =	wrdreg $0x9  }
0xb2: {  	_ =	task.clear_ibuf [dreg:s7], $0x6FFFF;
	_ =	strace $0x9000004C  }
0xb3: {  	s29 =	simm.s32 $0x9;
	_ =	strace $0x8000004E  }
0xb4: {  	_ =	swait.ge [sflag:s29], $0x1  }
0xb5: {  	[sflag:s29] =	ssyncadd.s32 $0xFFFFFFFF  }
0xb6: {  	_ =	strace $0x9000004E  }
0xb7: {  	_ =	sfence  }
0xb8: {  	s30 =	sld [smem:$0x0];
	_ =	sdelay $0x2  }
0xb9: {  	s31 =	sshll.u32 s1, $0xD;
	s1 =	sshrl.u32 s1, $0x2  }
0xba: {  	s3 =	sand.u32 $0x4000, s31;
	s1 =	sadd.s32 s1, s30  }
0xbb: {  	s0 =	sor.u32 s3, s0;
	s1 =	sshll.u32 s1, $0x11  }
0xbc: {  	s0 =	sor.u32 s1, s0  }
0xbd: {  	s0 =	sadd.s32 $0x8F2B, s0  }
0xbe: {  	[sflag:s0] =	ssyncadd.remote.s32 $0x1  }
0xbf: {  	_ =	sfence.sel $0xFFFF  }
0xc0: {  	[dreg:$0x0] =	wrdreg $0xFFFFFFFF;
	(pc) =	sbr.abs _section_cstart, $3  }
0xc1: {  	[dreg:$0x1] =	wrdreg $0xFFFFFFFF  }
0xc2: {  	_ =	task.clear_ibuf [dreg:s7], $0x2FFFF;
	_ =	strace $0x9FFFFFFF  }
0xc3: {  	(tm) =	ssettm $0x7FFFFFFF  }
tec
execute0_lowered:
.L_overlay_start_1:
0x0: {  	(tag) =	ssettag $0x1  }
0x1: {  	s0 =	rddreg [dreg:$0x0]  }
0x2: {  	s1 =	rddreg [dreg:$0x1]  }
0x3: {  	s2 =	rddreg [dreg:$0x2];
	s3 =	simm.s32 $0x0;
	s18 =	stileid.u32  }
0x4: {  	s6 =	srdreg.scid;
	s19 =	simm.s32 $0x200;
	s31 =	simm.s32 $0x80  }
0x5: {  	s20 =	simm.s32 $0x0;
	[smem:$0x7FF] =	sst s3;
	s5 =	smul.u32 $0x2780, s18  }
0x6: {  	s4 =	sadd.s32 $0x51200, s0;
	s6 =	sand.u32 $0x1, s6;
	s10 =	smul.u32 $0x4F000, s18  }
0x7: {  	s8 =	sshll.u32 s18, $0x1;
	s12 =	sadd.s32 $0x9F600, s0;
	s17 =	smul.u32 $0x9E00, s18  }
0x8: {  	s16 =	sadd.s32 $0x128400, s2;
	p0 =	seq.s32 s18, $0xF;
	s22 =	smul.u32 $0x27200, s6  }
0x9: {  	_ =	strace $0x8000004D;
	s9 =	ssub.s32 $0x2, s6;
	s15 =	smul.u32 $0x139000, s6  }
0xa: {  	s8 =	sor.u32 s6, s8;
	s24 =	smul.u32 $0x4F00, s6;
	[dreg:$0x4] =	wrdreg s31  }
0xb: {  	s7 =	sadd.s32 s5, s0;
	s11 =	sshrl.u32 s9, $0x1;
	s8 =	smul.u32 $0x4F00, s8  }
0xc: {  	s21 =	sshrl.u32 s10, $0x2;
	s0 =	sadd.s32 $0x9D480, s0;
	s13 =	ssub.s32 s9, s11  }
0xd: {  	s14 =	sadd.s32 s21, s2;
	s7 =	sadd.s32 $0x78400, s7;
	[dreg:$0x6] =	wrdreg s0  }
0xe: {  	s5 =	sadd.s32 s5, s22;
	s29 =	sshrl.u32 s15, $0x3;
	s0 =	sadd.s32 s24, s17  }
0xf: {  	s15 =	sshrl.u32 @p0 s16, $0x3;
	s21 =	simm.s32 $0x40;
	s24 =	simm.s32 $0x3  }
0x10: {  	[dreg:$0x5] =	wrdreg s7;
	s23 =	sshrl.u32 s8, $0x3;
	s5 =	sadd.s32 s12, s5  }
0x11: {  	s30 =	sadd.s32 s12, s29;
	s0 =	sadd.s32 $0x400, s0;
	s13 =	smax.u32 s13, $0x1  }
0x12: {  	s17 =	sshrl.u32 @!p0 s14, $0x3;
	s7 =	sadd.s32 s1, s23;
	[dreg:$0xa] =	wrdreg s5  }
0x13: {  	s5 =	sadd.s32 $0x25080, s30;
	s0 =	sshrl.u32 s0, $0x3;
	s25 =	sadd.s32 $0x20, s7  }
0x14: {  	s26 =	sadd.s32 $0x40, s7;
	s28 =	sadd.s32 $0x60, s7;
	[dreg:$0xb] =	wrdreg s5  }
0x15: {  	s23 =	sadd.s32 s0, s1;
	s0 =	sshll.u32 @!p0 s18, $0x6;
	[dreg:$0x7] =	wrdreg s25  }
0x16: {  	s18 =	simm.s32 $0x100;
	s1 =	simm.s32 $0x2;
	[dreg:$0x8] =	wrdreg s26  }
0x17: {  	[dreg:$0x9] =	wrdreg s28;
	s16 =	sor.u32 @!p0 $0x1C04, s0;
	s0 =	simm.s32 $0x1  }
.LBB2_1:
0x18: {  	s5 =	simm.s32 @p0 $0x1FC4;
	s6 =	rddreg [dreg:$0x6]  }
0x19: {  	[spmem:s15], [sflag:s5] =	dma.local @p0 [hbm:s6], $0x2180  }
0x1a: {  	s5 =	simm.s32 @p0 $0x4  }
0x1b: {  	_ =	swait.ge @p0 [sflag:s5], $0x2180  }
0x1c: {  	[sflag:s5] =	ssyncset.done @p0 $0x0  }
0x1d: {  	[sflag:s5] =	ssyncadd.s32 @p0 $0xFFFFDE80;
	s5 =	rddreg [dreg:$0x5]  }
0x1e: {  	[spmem:s17], [sflag:s16] =	dma.local @!p0 [hbm:s5], $0x2780  }
0x1f: {  	s5 =	simm.s32 @!p0 $0x4  }
0x20: {  	_ =	swait.ge @!p0 [sflag:s5], $0x2780  }
0x21: {  	[sflag:s5] =	ssyncset.done @!p0 $0x0  }
0x22: {  	[sflag:s5] =	ssyncadd.s32 @!p0 $0xFFFFD880  }
0x23: {  	s22 =	simm.s32 $0x4;
	[bflag:$0x0] =	sbarrier.arrive $0xFFFF  }
0x24: {  	[tilespmem:s3], [sflag:$0x4] =	stream.linear.gather [hbm4b:s7+s3], $0x100, $0x38;
	[tilespmem:$0x1FE00] =	vst v63  }
0x25: {  	_ =	swait.ge [sflag:s22], $0x100  }
0x26: {  	s25 =	simm.s32 $0x300;
	[sflag:s22] =	ssyncset.done $0x0  }
0x27: {  	s26 =	simm.s32 $0x500;
	s11 =	rddreg [dreg:$0x7];
	[sflag:s22] =	ssyncadd.s32 $0xFFFFFF00  }
0x28: {  	[tilespmem:s18], [sflag:$0x3] =	stream.linear.gather [hbm4b:s11+s3], $0x100, $0x38;
	[tilespmem:$0x1FE00] =	vst v63  }
0x29: {  	s8 =	simm.s32 $0x4500;
	s9 =	simm.s32 $0x140;
	s12 =	rddreg [dreg:$0x8]  }
0x2a: {  	[tilespmem:s19], [sflag:$0x3] =	stream.linear.gather [hbm4b:s12+s3], $0x100, $0x38;
	[tilespmem:$0x1FE00] =	vst v63  }
0x2b: {  	s10 =	simm.s32 $0x6500;
	p3 =	por $0x0, $0x0;
	s14 =	rddreg [dreg:$0x9]  }
0x2c: {  	[tilespmem:s25], [sflag:$0x3] =	stream.linear.gather [hbm4b:s14+s3], $0x100, $0x38;
	[tilespmem:$0x1FE00] =	vst v63  }
0x2d: {  	s6 =	simm.s32 $0x2500;
	s30 =	simm.s32 @!p3 $0x3;
	s25 =	simm.s32 $0x0  }
0x2e: {  	p1 =	por @!p3 $0x0, $0x0;
	p2 =	por p3, p3;
	s5 =	smul.u32 $0xCD, s25  }
0x2f: {  	[tilespmem:s26], [sflag:$0x1] =	stream.indirect.gather [hbm4b:s4+s21], $0x80, s3, s21, $0xb8;
	[tilespmem:$0x1FE00] =	vst v63  }
0x30: {  	p1 =	por p1, p3;
	s11 =	simm.s32 $0x8500;
	s26 =	smul.u32 $0xAB, s25  }
0x31: {  	[tilespmem:s6], [sflag:$0x1] =	stream.indirect.gather [hbm4b:s4+s21], $0x80, s21, s21, $0xb8;
	[tilespmem:$0x1FE00] =	vst v63  }
0x32: {  	s5 =	sshrl.u32 s5, $0xA;
	s6 =	sshrl.u32 s26, $0x9;
	_ =	swait.ge [sflag:s24], $0x100  }
0x33: {  	s5 =	sand.u32 $0x3F, s5;
	s26 =	smul.u32 @!p1 $0xCD, s22;
	[sflag:s24] =	ssyncset.done $0x0  }
0x34: {  	s6 =	sand.u32 $0x7F, s6;
	s5 =	smul.u32 $0x5, s5;
	[sflag:s24] =	ssyncadd.s32 $0xFFFFFF00  }
0x35: {  	[tilespmem:s8], [sflag:$0x1] =	stream.indirect.gather [hbm4b:s4+s21], $0x80, s18, s21, $0xb8;
	[tilespmem:$0x1FE00] =	vst v63  }
0x36: {  	s12 =	simm.s32 $0x240;
	s14 =	simm.s32 $0xA500;
	s6 =	smul.u32 $0x3, s6  }
0x37: {  	[tilespmem:s10], [sflag:$0x1] =	stream.indirect.gather [hbm4b:s4+s21], $0x80, s9, s21, $0xb8;
	[tilespmem:$0x1FE00] =	vst v63  }
0x38: {  	s25 =	simm.s32 @!p3 $0x3;
	s26 =	sshrl.u32 @!p1 s26, $0xA;
	_ =	swait.ge [sflag:s24], $0x100  }
0x39: {  	s5 =	ssub.s32 $0x0, s5;
	s6 =	ssub.s32 $0x0, s6;
	[sflag:s24] =	ssyncset.done $0x0  }
0x3a: {  	s5 =	sand.u32 $0xFF, s5;
	s6 =	sand.u32 $0xFF, s6;
	[sflag:s24] =	ssyncadd.s32 $0xFFFFFF00  }
0x3b: {  	[tilespmem:s11], [sflag:$0x1] =	stream.indirect.gather [hbm4b:s4+s21], $0x80, s19, s21, $0xb8;
	[tilespmem:$0x1FE00] =	vst v63  }
0x3c: {  	s26 =	sand.u32 @!p1 $0x3F, s26;
	s5 =	sshll.u32 s5, $0x8;
	s6 =	sshll.u32 s6, $0xE  }
0x3d: {  	[tilespmem:s14], [sflag:$0x1] =	stream.indirect.gather [hbm4b:s4+s21], $0x80, s12, s21, $0xb8;
	[tilespmem:$0x1FE00] =	vst v63  }
0x3e: {  	s5 =	sor.u32 $0x80, s5;
	s31 =	sor.u32 $0x500, s6;
	_ =	swait.ge [sflag:s0], $0x4000  }
0x3f: {  	s29 =	sadd.s32 @!p3 $0x2500, s6;
	s14 =	sand.u32 @!p3 $0xFF, s25;
	[sflag:s0] =	ssyncset.done $0x0  }
0x40: {  	s14 =	smul.u32 @!p3 $0xCD, s14;
	s28 =	rddreg [dreg:$0x4];
	[sflag:s0] =	ssyncadd.s32 $0xFFFFC000  }
0x41: {  	[spmem:s2] =	stream.indirect.scatter.add.f32 [tilespmem:s31], [sflag:$0x2], $0x80, s5, s28, $0xb8;
	[tilespmem:$0x1FE00] =	vst v63  }
0x42: {  	s6 =	smul.u32 @!p1 $0x5, s26;
	s26 =	simm.s32 $0x5;
	s5 =	sshrl.u32 @!p2 s14, $0xA  }
0x43: {  	s28 =	sadd.s32 $0x20, s23;
	s14 =	smov.u32 s23;
	s5 =	smul.u32 @!p2 $0x5, s5  }
.LBB2_2:
0x44: {  	s8 =	sadd.s32 $0xFFFFFFFC, s26  }
0x45: {  	_ =	swait.ge @!p2 [sflag:s30], $0x100;
	s9 =	simm.s32 @!p2 $0x2;
	s12 =	simm.s32 @!p1 $0x0  }
0x46: {  	s6 =	ssub.s32 @!p1 s22, s6;
	s22 =	smov.u32 s26;
	s10 =	smul.u32 $0xAB, s8  }
0x47: {  	s26 =	sadd.s32 $0x1, s26;
	[sflag:s30] =	ssyncset.done @!p2 $0x0;
	s11 =	smul.u32 $0xCD, s8  }
0x48: {  	s5 =	ssub.s32 @!p2 s25, s5;
	p4 =	sgt.u32 s8, $0x4B;
	p3 =	sne.s32 s26, $0x53  }
0x49: {  	s6 =	sand.u32 @!p1 $0xFF, s6;
	[sflag:s30] =	ssyncadd.s32 @!p2 $0xFFFFFF00;
	s5 =	sand.u32 @!p2 $0xFF, s5  }
0x4a: {  	s30 =	simm.s32 @!p4 $0x3;
	s6 =	sshll.u32 @!p1 s6, $0x8;
	s10 =	sshrl.u32 s10, $0x9  }
0x4b: {  	_ =	swait.ge @!p2 [sflag:s9], $0x4000;
	s11 =	sshrl.u32 s11, $0xA;
	s5 =	sshll.u32 @!p2 s5, $0x8  }
0x4c: {  	s10 =	sand.u32 $0x7F, s10;
	[sflag:s9] =	ssyncset.done @!p2 $0x0;
	s11 =	sand.u32 $0x3F, s11  }
0x4d: {  	s10 =	smul.u32 $0x3, s10;
	[sflag:s9] =	ssyncadd.s32 @!p2 $0xFFFFC000;
	s9 =	simm.s32 @!p2 $0x40  }
0x4e: {  	[tilespmem:s31], [sflag:$0x1] =	stream.indirect.gather @!p2 [hbm4b:s4+s9], $0x80, s5, s9, $0xb8;
	[tilespmem:$0x1FE00] =	vst v63  }
0x4f: {  	s25 =	sor.u32 @!p2 $0x40, s5;
	s11 =	smul.u32 $0x5, s11;
	s10 =	ssub.s32 s8, s10  }
0x50: {  	[tilespmem:s29], [sflag:$0x1] =	stream.indirect.gather @!p2 [hbm4b:s4+s9], $0x80, s25, s9, $0xb8;
	[tilespmem:$0x1FE00] =	vst v63  }
0x51: {  	s11 =	ssub.s32 s8, s11;
	s5 =	sand.u32 $0xFF, s10;
	s25 =	sadd.s32 @!p4 $0x3, s8  }
0x52: {  	[tilespmem:s6], [sflag:$0x3] =	stream.linear.gather @!p1 [hbm4b:s14+s12], $0x100, $0x38;
	[tilespmem:$0x1FE00] =	vst v63  }
0x53: {  	s9 =	sand.u32 $0xFF, s11;
	p2 =	por p4, p4;
	p1 =	seq.s32 @!p4 s22, $0x4F  }
0x54: {  	s5 =	sshll.u32 s5, $0xE;
	s6 =	sshll.u32 s9, $0x8;
	p1 =	por p1, p4  }
0x55: {  	s10 =	sor.u32 $0x80, s6;
	s6 =	sand.u32 @!p4 $0xFF, s25;
	s9 =	smul.u32 @!p1 $0xCD, s22  }
0x56: {  	s31 =	sor.u32 $0x500, s5;
	_ =	swait.ge [sflag:s0], $0x4000;
	s6 =	smul.u32 @!p4 $0xCD, s6  }
.Ltmp0:
0x57: {  	s12 =	rddreg [dreg:$0x4];
	[sflag:s0] =	ssyncset.done $0x0;
	(pc) =	sbr.rel @p3 .LBB2_2-.Ltmp0, $4  }
0x58: {  	[sflag:s0] =	ssyncadd.s32 $0xFFFFC000;
	s9 =	sshrl.u32 @!p1 s9, $0xA;
	s11 =	sshrl.u32 @!p2 s6, $0xA  }
0x59: {  	[spmem:s2] =	stream.indirect.scatter.add.f32 [tilespmem:s31], [sflag:$0x2], $0x80, s10, s12, $0xb8;
	[tilespmem:$0x1FE00] =	vst v63  }
0x5a: {  	s29 =	sadd.s32 @!p4 $0x2500, s5;
	s6 =	sand.u32 @!p1 $0x3F, s9;
	s5 =	smul.u32 @!p2 $0x5, s11  }
0x5b: {  	s14 =	smov.u32 s28;
	s28 =	sadd.s32 $0x20, s28;
	s6 =	smul.u32 @!p1 $0x5, s6  }
0x5c: {  	_ =	swait.ge @!p2 [sflag:s30], $0x100  }
0x5d: {  	[sflag:s30] =	ssyncset.done @!p2 $0x0  }
0x5e: {  	s8 =	simm.s32 @!p2 $0x2;
	[sflag:s30] =	ssyncadd.s32 @!p2 $0xFFFFFF00  }
0x5f: {  	s5 =	ssub.s32 @!p2 s25, s5;
	_ =	swait.ge @!p2 [sflag:s8], $0x4000  }
0x60: {  	s6 =	ssub.s32 @!p1 s22, s6;
	s5 =	sand.u32 @!p2 $0xFF, s5;
	[sflag:s8] =	ssyncset.done @!p2 $0x0  }
0x61: {  	s5 =	sshll.u32 @!p2 s5, $0x8;
	[sflag:s8] =	ssyncadd.s32 @!p2 $0xFFFFC000;
	s8 =	simm.s32 @!p2 $0x40  }
0x62: {  	[tilespmem:s31], [sflag:$0x1] =	stream.indirect.gather @!p2 [hbm4b:s4+s8], $0x80, s5, s8, $0xb8;
	[tilespmem:$0x1FE00] =	vst v63  }
0x63: {  	s6 =	sand.u32 @!p1 $0xFF, s6;
	s5 =	sor.u32 @!p2 $0x40, s5  }
0x64: {  	[tilespmem:s29], [sflag:$0x1] =	stream.indirect.gather @!p2 [hbm4b:s4+s8], $0x80, s5, s8, $0xb8;
	[tilespmem:$0x1FE00] =	vst v63  }
0x65: {  	s5 =	sshll.u32 @!p1 s6, $0x8;
	s6 =	simm.s32 @!p1 $0x0  }
0x66: {  	[tilespmem:s5], [sflag:$0x3] =	stream.linear.gather @!p1 [hbm4b:s14+s6], $0x100, $0x38;
	[tilespmem:$0x1FE00] =	vst v63  }
0x67: {  	_ =	swait.ge [sflag:s1], $0x4000  }
0x68: {  	[sflag:s1] =	ssyncset.done $0x0  }
0x69: {  	[sflag:s1] =	ssyncadd.s32 $0xFFFFC000  }
0x6a: {  	_ =	swait.ge [sflag:s1], $0x4000  }
0x6b: {  	[sflag:s1] =	ssyncset.done $0x0  }
0x6c: {  	[sflag:s1] =	ssyncadd.s32 $0xFFFFC000  }
0x6d: {  	_ =	swait.ge [sflag:s1], $0x4000  }
0x6e: {  	[sflag:s1] =	ssyncset.done $0x0  }
0x6f: {  	[sflag:s1] =	ssyncadd.s32 $0xFFFFC000  }
0x70: {  	[bflag:$0x0] =	sbarrier.arrive $0xFFFF  }
0x71: {  	s5 =	simm.s32 @p0 $0x1FC4;
	s6 =	rddreg [dreg:$0xb]  }
0x72: {  	[hbm:s6], [sflag:s5] =	dma.local @p0 [spmem:s15], $0x2180  }
0x73: {  	s5 =	simm.s32 @p0 $0x4  }
0x74: {  	_ =	swait.ge @p0 [sflag:s5], $0x2180  }
0x75: {  	s20 =	sadd.s32 $0x1, s20;
	[sflag:s5] =	ssyncset.done @p0 $0x0  }
0x76: {  	p1 =	sne.s32 s20, s13;
	[sflag:s5] =	ssyncadd.s32 @p0 $0xFFFFDE80;
	s5 =	rddreg [dreg:$0xa]  }
0x77: {  	[hbm:s5], [sflag:s16] =	dma.local @!p0 [spmem:s17], $0x2780  }
.Ltmp1:
0x78: {  	_ = 	snop;
	(pc) =	sbr.rel @p1 .LBB2_1-.Ltmp1, $4  }
0x79: {  	s5 =	simm.s32 @!p0 $0x4  }
0x7a: {  	_ =	swait.ge @!p0 [sflag:s5], $0x2780  }
0x7b: {  	[sflag:s5] =	ssyncset.done @!p0 $0x0  }
0x7c: {  	[sflag:s5] =	ssyncadd.s32 @!p0 $0xFFFFD880  }
0x7d: {  	_ =	sfence.sel $0x180000  }
0x7e: {  	[bflag:$0x0] =	sbarrier.arrive $0xFFFF  }
0x7f: {  	_ =	strace $0x9000004D  }
0x80: {  	s0 =	stileid.u32;
	[bflag:$0x2] =	sbarrier.arrive $0xFFFF  }
0x81: {  	p0 =	sne.s32 s0, $0x0;
	s0 =	rddreg [dreg:$0x3]  }
0x82: {  	s0 =	sadd.s32 @!p0 $0x100000, s0  }
0x83: {  	[sflag:s0] =	ssyncadd.tile.s32 @!p0 $0x1;
	_ =	shalt  }
.Lfunc_end2:
_tile_overlayer_lowered:
.L_overlay_start_2:
0x84: {  	(tag) =	ssettag $0x2  }
0x85: {  	s0 =	rddreg [dreg:$0x0];
	s2 =	stileid.u32  }
0x86: {  	s1 =	rddreg [dreg:$0x1];
	p0 =	sne.s32 s2, $0x0  }
0x87: {  	s3 =	rddreg [dreg:$0x2];
	[bflag:$0x3] =	sbarrier.arrive $0xFFFF;
	s2 =	simm.s32 @!p0 $0x1C04  }
0x88: {  	[timem:s3], [sflag:s2] =	dma.local @!p0 [hbm:s0], s1  }
0x89: {  	s0 =	simm.s32 @!p0 $0x4  }
0x8a: {  	_ =	swait.ge @!p0 [sflag:s0], s1  }
0x8b: {  	s1 =	ssub.s32 @!p0 $0x0, s1;
	[sflag:s0] =	ssyncset.done @!p0 $0x0  }
0x8c: {  	[sflag:s0] =	ssyncadd.s32 @!p0 s1  }
0x8d: {  	[bflag:$0x3] =	sbarrier.arrive $0xFFFF  }
0x8e: {  	_ =	shalt  }

// kernel: kernel.8.cloned.1.call-start
scs
__scs_entry_jumppad:
0x0: {  	(pc) =	sbr.rel $0x88, $3  }
0x1: {  	(tag) =	ssettag $0x0;
	lr =	simm.s32 $0x1  }
0x2: {  	[smem:$0x3F9B] =	sst lr;
	_ =	strace $0xD0000000  }
0x3: {  	_ = 	snop  }
0x4: {  	_ = 	snop  }
0x5: {  	_ = 	snop  }
0x6: {  	_ = 	snop  }
0x7: {  	_ = 	snop  }
__scs_overlays_trampoline_lowered:
0x8: {  	[smem:$0x3FAA] =	sst s0  }
0x9: {  	[smem:$0x3FAB] =	sst s1  }
0xa: {  	[smem:$0x3FAC] =	sst s2  }
0xb: {  	[smem:$0x3FAD] =	sst s3  }
0xc: {  	[smem:$0x3FAE] =	sst s4  }
0xd: {  	[smem:$0x3FAF] =	sst s5  }
0xe: {  	[smem:$0x3FB0] =	sst s6  }
0xf: {  	[smem:$0x3FB1] =	sst s7  }
0x10: {  	[smem:$0x3FB2] =	sst s8  }
0x11: {  	[smem:$0x3FB3] =	sst s9;
	s0 =	simm.s32 @!p0 $0x0  }
0x12: {  	s1 =	sld [smem:$0x3F99];
	s0 =	simm.s32 @p0 $0x1  }
0x13: {  	[smem:$0x3FB4] =	sst s0;
	s0 =	simm.s32 @!p1 $0x0  }
0x14: {  	s2 =	sld [smem:$0x3F98];
	s0 =	simm.s32 @p1 $0x1  }
0x15: {  	[smem:$0x3FB5] =	sst s0;
	s0 =	simm.s32 @!p2 $0x0  }
0x16: {  	s3 =	sld [smem:$0x3FDB];
	s0 =	simm.s32 @p2 $0x1  }
0x17: {  	s4 =	simm.s32 $0x1BF5;
	[smem:$0x3FB7] =	sst s0  }
0x18: {  	s0 =	sld [smem:$0x3F9A];
	_ =	swait.ge [sflag:s4], $0x0  }
0x19: {  	s7 =	sld [smem:$0x3F9B]  }
0x1a: {  	s8 =	sadd.s32 $0xFFFFE003, lr  }
0x1b: {  	s9 =	sadd.s32 $0xFFFFFEF7, lr;
	s5 =	simm.s32 $0xFFFFFFFF;
	p2 =	slt.u32 s8, $0xFFFFF086  }
0x1c: {  	p1 =	slt.u32 s9, $0xF7A;
	s5 =	simm.s32 @!p2 $0x0  }
0x1d: {  	s5 =	simm.s32 @p1 $0x1;
	p0 =	seq.s32 s7, s2  }
0x1e: {  	s7 =	smul.u32 @!p0 $0xF7A, s2;
	p2 =	seq.s32 @!p0 s5, $0x0  }
0x1f: {  	s9 =	smul.u32 $0xF7A, s1;
	s8 =	simm.s32 @!p0 $0x1BF5;
	p2 =	por !p2, p0  }
0x20: {  	[sflag:s8] =	ssyncset.s32 @!p0 $0xFFFFF086;
	s6 =	sadd.s32 @!p0 s3, s7;
	s7 =	simm.s32 @!p0 $0x108  }
0x21: {  	s3 =	sadd.s32 s3, s9;
	s6 =	sadd.s32 @!p0 $0x88, s6;
	s7 =	simm.s32 @p2 $0x1082  }
0x22: {  	[simem:s7], [sflag:s8] =	dma.local @!p0 [hbm:s6], $0xF7A  }
0x23: {  	s9 =	sor.u32 $0xD0000000, s2;
	s6 =	simm.s32 $0x108;
	_ =	swait.ge @!p0 [sflag:s8], $0x0  }
0x24: {  	s3 =	sadd.s32 $0x88, s3;
	s6 =	simm.s32 @!p1 $0x1082;
	[sflag:s4] =	ssyncset.s32 $0xFFFFF086  }
0x25: {  	[simem:s6], [sflag:s4] =	dma.local [hbm:s3], $0xF7A  }
0x26: {  	[smem:$0x3F9B] =	sst s1;
	(tag) =	ssettag s2;
	_ =	strace s9  }
0x27: {  	s1 =	sld [smem:$0x3FAB]  }
0x28: {  	s2 =	sld [smem:$0x3FAC]  }
0x29: {  	s4 =	sld [smem:$0x3FAE]  }
0x2a: {  	p0 =	seq.s32 s5, $0x0;
	s5 =	sld [smem:$0x3FAF]  }
0x2b: {  	s6 =	sld [smem:$0x3FB0]  }
0x2c: {  	s7 =	sld [smem:$0x3FB1]  }
0x2d: {  	s3 =	simm.s32 $0x108;
	s8 =	sld [smem:$0x3FB2]  }
0x2e: {  	s3 =	simm.s32 @!p0 $0x1082;
	s9 =	sld [smem:$0x3FB3]  }
0x2f: {  	lr =	sadd.s32 s0, s3;
	s0 =	sld [smem:$0x3FAA]  }
0x30: {  	s3 =	sld [smem:$0x3FAD]  }
0x31: {  	[smem:$0x3FB6] =	sst s10  }
0x32: {  	s10 =	sld [smem:$0x3FB4];
	_ =	sdelay $0x3  }
0x33: {  	p0 =	seq.s32 s10, $0x1;
	s10 =	sld [smem:$0x3FB6];
	_ =	sdelay $0x3  }
0x34: {  	[smem:$0x3FB6] =	sst s10  }
0x35: {  	s10 =	sld [smem:$0x3FB5];
	_ =	sdelay $0x3  }
0x36: {  	p1 =	seq.s32 s10, $0x1;
	s10 =	sld [smem:$0x3FB6];
	_ =	sdelay $0x3  }
0x37: {  	[smem:$0x3FB6] =	sst s10  }
0x38: {  	s10 =	sld [smem:$0x3FB7]  }
0x39: {  	_ = 	snop;
	(pc) =	sbr.ind lr, $3  }
0x3a: {  	_ = 	snop  }
0x3b: {  	_ = 	snop  }
0x3c: {  	p2 =	seq.s32 s10, $0x1;
	s10 =	sld [smem:$0x3FB6]  }
0x3d: {  	_ =	shalt  }
0x3e: {  	_ =	shalt  }
0x3f: {  	_ =	shalt  }
0x40: {  	_ =	shalt  }
0x41: {  	_ =	shalt  }
0x42: {  	_ =	shalt  }
0x43: {  	_ =	shalt  }
0x44: {  	_ =	shalt  }
0x45: {  	_ =	shalt  }
0x46: {  	_ =	shalt  }
0x47: {  	_ =	shalt  }
0x48: {  	_ =	shalt  }
0x49: {  	_ =	shalt  }
0x4a: {  	_ =	shalt  }
0x4b: {  	_ =	shalt  }
0x4c: {  	_ =	shalt  }
0x4d: {  	_ =	shalt  }
0x4e: {  	_ =	shalt  }
0x4f: {  	_ =	shalt  }
0x50: {  	_ =	shalt  }
0x51: {  	_ =	shalt  }
0x52: {  	_ =	shalt  }
0x53: {  	_ =	shalt  }
0x54: {  	_ =	shalt  }
0x55: {  	_ =	shalt  }
0x56: {  	_ =	shalt  }
0x57: {  	_ =	shalt  }
0x58: {  	_ =	shalt  }
0x59: {  	_ =	shalt  }
0x5a: {  	_ =	shalt  }
0x5b: {  	_ =	shalt  }
0x5c: {  	_ =	shalt  }
0x5d: {  	_ =	shalt  }
0x5e: {  	_ =	shalt  }
0x5f: {  	_ =	shalt  }
0x60: {  	_ =	shalt  }
0x61: {  	_ =	shalt  }
0x62: {  	_ =	shalt  }
0x63: {  	_ =	shalt  }
0x64: {  	_ =	shalt  }
0x65: {  	_ =	shalt  }
0x66: {  	_ =	shalt  }
0x67: {  	_ =	shalt  }
0x68: {  	_ =	shalt  }
0x69: {  	_ =	shalt  }
0x6a: {  	_ =	shalt  }
0x6b: {  	_ =	shalt  }
0x6c: {  	_ =	shalt  }
0x6d: {  	_ =	shalt  }
0x6e: {  	_ =	shalt  }
0x6f: {  	_ =	shalt  }
0x70: {  	_ =	shalt  }
0x71: {  	_ =	shalt  }
0x72: {  	_ =	shalt  }
0x73: {  	_ =	shalt  }
0x74: {  	_ =	shalt  }
0x75: {  	_ =	shalt  }
0x76: {  	_ =	shalt  }
0x77: {  	_ =	shalt  }
0x78: {  	_ =	shalt  }
0x79: {  	_ =	shalt  }
0x7a: {  	_ =	shalt  }
0x7b: {  	_ =	shalt  }
0x7c: {  	_ =	shalt  }
0x7d: {  	_ =	shalt  }
0x7e: {  	_ =	shalt  }
0x7f: {  	_ =	shalt  }
0x80: {  	_ =	shalt  }
0x81: {  	_ =	shalt  }
0x82: {  	_ =	shalt  }
0x83: {  	_ =	shalt  }
0x84: {  	_ =	shalt  }
0x85: {  	_ =	shalt  }
0x86: {  	_ =	shalt  }
0x87: {  	_ =	shalt  }
.Lfunc_end0:
.L_simem_size_0:
called_computation_lowered:
.L_overlay_start_0:
0x88: {  	s2 =	sld [smem:$0x3FD9]  }
0x89: {  	s3 =	sld [smem:$0x3FFE];
	_ =	sdelay $0x1  }
0x8a: {  	s1 =	srdreg.scid  }
0x8b: {  	s0 =	sand.u32 $0x1, s1  }
0x8c: {  	s17 =	sshll.u32 s0, $0xA;
	s2 =	sadd.s32 s3, s2  }
0x8d: {  	s2 =	sadd.s32 s2, s17  }
0x8e: {  	[smem:$0x3FC2] =	sst s2  }
0x8f: {  	_ = 	snop  }
0x90: {  	s2 =	sld [smem:$0x3FD0];
	(tm) =	ssettm $0x1  }
0x91: {  	s18 =	sld [smem:$0x3FFB];
	_ =	sdelay $0x3  }
0x92: {  	_ =	strace s18  }
0x93: {  	s3 =	sld [smem:$0x3FFC];
	_ =	sdelay $0x3  }
0x94: {  	_ =	strace s3  }
0x95: {  	s3 =	sld [smem:$0x3FFD];
	_ =	sdelay $0x3  }
0x96: {  	_ =	strace s3  }
0x97: {  	_ =	strace $0x8FFFFFFF  }
0x98: {  	s19 =	sld [smem:$0x3FDB];
	_ =	sdelay $0x1  }
0x99: {  	s4 =	simm.s32 $_scs_section_size  }
0x9a: {  	s5 =	simm.s32 $_size__tile_overlayer_lowered;
	s6 =	simm.s32 $_tile_overlayer_lowered  }
0x9b: {  	s22 =	simm.s32 $0x1BFF;
	s21 =	sshll.u32 s6, $0x1;
	s3 =	sadd.s32 s4, s19  }
0x9c: {  	s7 =	simm.s32 $0x0;
	s20 =	sshll.u32 s5, $0x1;
	s5 =	sadd.s32 s21, s3  }
0x9d: {  	[timem:s7], [sflag:s22] =	dma.local [hbm:s5], s20  }
0x9e: {  	_ =	swait.ge [sflag:s22], s20  }
0x9f: {  	s4 =	ssub.s32 $0x0, s20;
	[sflag:s22] =	ssyncset.done $0x0  }
0xa0: {  	[sflag:s22] =	ssyncadd.s32 s4;
	_ =	sdelay $0x1  }
0xa1: {  	s23 =	simm.s32 $0x1B8B  }
0xa2: {  	_ =	swait.ge [sflag:s23], $0x1  }
0xa3: {  	[sflag:s23] =	ssyncset.done $0x0  }
0xa4: {  	s25 =	simm.s32 $0x1B8E;
	s24 =	sld [smem:$0x3FFE];
	[sflag:s23] =	ssyncadd.s32 $0xFFFFFFFF  }
0xa5: {  	s26 =	simm.s32 $execute0_lowered;
	[smem:$0x3FD2] =	sst s25  }
0xa6: {  	s5 =	sshll.u32 s26, $0x1;
	_ =	strace $0x80000046;
	[dreg:$0x1] =	wrdreg $0xFFFFFFFF  }
0xa7: {  	s28 =	simm.s32 $_size_execute0_lowered;
	s3 =	sadd.s32 s3, s5;
	[dreg:$0x0] =	wrdreg $0x0  }
0xa8: {  	s5 =	sshll.u32 s28, $0x1;
	[dreg:$0x2] =	wrdreg s3  }
0xa9: {  	[dreg:$0x3] =	wrdreg s5  }
0xaa: {  	[dreg:$0x4] =	wrdreg $0xC0  }
0xab: {  	_ =	task [dreg:s7], $0x5FFFF  }
0xac: {  	[dreg:$0x1] =	wrdreg $0xFFFFFFFF  }
0xad: {  	[dreg:$0x0] =	wrdreg $0x60  }
0xae: {  	[dreg:$0x2] =	wrdreg s2  }
0xaf: {  	[dreg:$0x3] =	wrdreg s24  }
0xb0: {  	[dreg:$0x4] =	wrdreg $0x4F800  }
0xb1: {  	[dreg:$0x5] =	wrdreg $0x9  }
0xb2: {  	_ =	task.clear_ibuf [dreg:s7], $0x6FFFF;
	_ =	strace $0x90000046  }
0xb3: {  	s29 =	simm.s32 $0x9;
	_ =	strace $0x80000048  }
0xb4: {  	_ =	swait.ge [sflag:s29], $0x1  }
0xb5: {  	[sflag:s29] =	ssyncadd.s32 $0xFFFFFFFF  }
0xb6: {  	_ =	strace $0x90000048  }
0xb7: {  	_ =	sfence  }
0xb8: {  	s30 =	sld [smem:$0x0];
	_ =	sdelay $0x2  }
0xb9: {  	s31 =	sshll.u32 s1, $0xD;
	s1 =	sshrl.u32 s1, $0x2  }
0xba: {  	s3 =	sand.u32 $0x4000, s31;
	s1 =	sadd.s32 s1, s30  }
0xbb: {  	s0 =	sor.u32 s3, s0;
	s1 =	sshll.u32 s1, $0x11  }
0xbc: {  	s0 =	sor.u32 s1, s0  }
0xbd: {  	s0 =	sadd.s32 $0x8F2B, s0  }
0xbe: {  	[sflag:s0] =	ssyncadd.remote.s32 $0x1  }
0xbf: {  	_ =	sfence.sel $0xFFFF  }
0xc0: {  	[dreg:$0x0] =	wrdreg $0xFFFFFFFF;
	(pc) =	sbr.abs _section_cstart, $3  }
0xc1: {  	[dreg:$0x1] =	wrdreg $0xFFFFFFFF  }
0xc2: {  	_ =	task.clear_ibuf [dreg:s7], $0x2FFFF;
	_ =	strace $0x9FFFFFFF  }
0xc3: {  	(tm) =	ssettm $0x7FFFFFFF  }
tec
execute0_lowered:
.L_overlay_start_1:
0x0: {  	(tag) =	ssettag $0x1  }
0x1: {  	s6 =	rddreg [dreg:$0x0]  }
0x2: {  	s4 =	rddreg [dreg:$0x1]  }
0x3: {  	s2 =	rddreg [dreg:$0x2]  }
0x4: {  	s0 =	stileid.u32;
	s7 =	srdreg.scid  }
0x5: {  	s1 =	rddreg [dreg:$0x3];
	s3 =	simm.s32 $0x0;
	s13 =	simm.s32 $0x0  }
0x6: {  	s5 =	smul.u32 $0x280, s0;
	s7 =	sand.u32 $0x1, s7;
	[smem:$0x7FF] =	sst s3  }
0x7: {  	s11 =	sshll.u32 s0, $0x1;
	s31 =	sshll.u32 s0, $0x6;
	s9 =	smul.u32 $0x2800, s7  }
0x8: {  	_ =	strace $0x80000047;
	s10 =	ssub.s32 $0x2, s7;
	s7 =	sor.u32 s7, s11  }
0x9: {  	s11 =	simm.s32 $0x80;
	s8 =	sshrl.u32 s5, $0x3;
	s12 =	sshrl.u32 s10, $0x1  }
0xa: {  	s7 =	smul.u32 $0x9E0, s7;
	s30 =	sadd.s32 s5, s2;
	s8 =	sadd.s32 s8, s4  }
0xb: {  	s9 =	sadd.s32 s5, s9;
	s10 =	ssub.s32 s10, s12;
	s5 =	sor.u32 $0x1C01, s31  }
0xc: {  	s12 =	simm.s32 $0x4F00;
	s9 =	sshrl.u32 s9, $0x3;
	s6 =	sadd.s32 s6, s7  }
0xd: {  	s9 =	sadd.s32 s9, s4;
	s4 =	sadd.s32 $0x1200, s8;
	s8 =	smax.u32 s10, $0x1  }
0xe: {  	v0 =	vimm.f32 $1.000000000e+00;
	s10 =	simm.s32 $0x1;
	s7 =	sadd.s32 $0x1800, s9;
	s9 =	sshrl.u32 s30, $0x3  }
.LBB2_1:
0xf: {  	[tilespmem:$0x4F00] =	vst v0  }
0x10: {  	[tilespmem:$0x4F10] =	vst v0  }
0x11: {  	[tilespmem:$0x4F20] =	vst v0  }
0x12: {  	[tilespmem:$0x4F30] =	vst v0  }
0x13: {  	[tilespmem:$0x4F40] =	vst v0  }
0x14: {  	[tilespmem:$0x4F50] =	vst v0  }
0x15: {  	[tilespmem:$0x4F60] =	vst v0  }
0x16: {  	[tilespmem:$0x4F70] =	vst v0  }
0x17: {  	[spmem:s9], [sflag:s5] =	dma.local [hbm:s4], $0x50  }
0x18: {  	_ =	swait.ge [sflag:s10], $0x50  }
0x19: {  	[sflag:s10] =	ssyncset.done $0x0  }
0x1a: {  	[sflag:s10] =	ssyncadd.s32 $0xFFFFFFB0  }
0x1b: {  	[tilespmem:s3], [sflag:$0x1] =	stream.linear.gather [hbm4b:s6+s3], $0x4F00, $0x38;
	[tilespmem:$0x5200] =	vst v63  }
0x1c: {  	_ =	swait.ge [sflag:s10], $0x4F00  }
0x1d: {  	[sflag:s10] =	ssyncset.done $0x0  }
0x1e: {  	[sflag:s10] =	ssyncadd.s32 $0xFFFFB100  }
0x1f: {  	s14 =	simm.s32 $0x80;
	[bflag:$0x0] =	sbarrier.arrive $0xFFFF  }
0x20: {  	[spmem:s2] =	stream.indirect.scatter.add.f32 [tilespmem:s12], [sflag:$0x1], $0x1, s14, s11, $0xb8;
	[tilespmem:$0x5200] =	vst v63  }
0x21: {  	_ =	swait.ge [sflag:s10], $0x80  }
0x22: {  	s14 =	simm.s32 $0x600;
	[sflag:s10] =	ssyncset.done $0x0  }
.LBB2_2:
0x23: {  	s15 =	sshra.s32 s14, $0x2;
	[sflag:s10] =	ssyncadd.s32 $0xFFFFFF80;
	p0 =	sne.s32 s14, $0x13A00  }
0x24: {  	[spmem:s2] =	stream.indirect.scatter.add.f32 [tilespmem:s12], [sflag:$0x1], $0x1, s15, s11, $0xb8;
	[tilespmem:$0x5200] =	vst v63  }
.Ltmp0:
0x25: {  	_ = 	snop;
	(pc) =	sbr.rel @p0 .LBB2_2-.Ltmp0, $4  }
0x26: {  	_ = 	snop  }
0x27: {  	s14 =	sadd.s32 $0x400, s14  }
0x28: {  	_ =	swait.ge [sflag:s10], $0x80  }
0x29: {  	[sflag:s10] =	ssyncset.done $0x0  }
0x2a: {  	s13 =	sadd.s32 $0x1, s13  }
0x2b: {  	[sflag:s10] =	ssyncadd.s32 $0xFFFFFF80;
	p0 =	sne.s32 s13, s8  }
.Ltmp1:
0x2c: {  	[bflag:$0x0] =	sbarrier.arrive $0xFFFF;
	(pc) =	sbr.rel @p0 .LBB2_1-.Ltmp1, $4  }
0x2d: {  	[hbm:s7], [sflag:s5] =	dma.local [spmem:s9], $0x50  }
0x2e: {  	_ =	swait.ge [sflag:s10], $0x50  }
0x2f: {  	[sflag:s10] =	ssyncset.done $0x0  }
0x30: {  	[sflag:s10] =	ssyncadd.s32 $0xFFFFFFB0  }
0x31: {  	_ =	sfence.sel $0x180000  }
0x32: {  	[bflag:$0x0] =	sbarrier.arrive $0xFFFF  }
0x33: {  	p0 =	sne.s32 s0, $0x0;
	_ =	strace $0x90000047  }
0x34: {  	s0 =	sadd.s32 @!p0 $0x100000, s1;
	[bflag:$0x2] =	sbarrier.arrive $0xFFFF  }
0x35: {  	[sflag:s0] =	ssyncadd.tile.s32 @!p0 $0x1;
	_ =	shalt  }
.Lfunc_end2:
_tile_overlayer_lowered:
.L_overlay_start_2:
0x36: {  	(tag) =	ssettag $0x2  }
0x37: {  	s0 =	rddreg [dreg:$0x0];
	s2 =	stileid.u32  }
0x38: {  	s1 =	rddreg [dreg:$0x1];
	p0 =	sne.s32 s2, $0x0  }
0x39: {  	s3 =	rddreg [dreg:$0x2];
	[bflag:$0x3] =	sbarrier.arrive $0xFFFF;
	s2 =	simm.s32 @!p0 $0x1C01  }
0x3a: {  	[timem:s3], [sflag:s2] =	dma.local @!p0 [hbm:s0], s1  }
0x3b: {  	s0 =	simm.s32 @!p0 $0x1  }
0x3c: {  	_ =	swait.ge @!p0 [sflag:s0], s1  }
0x3d: {  	s1 =	ssub.s32 @!p0 $0x0, s1;
	[sflag:s0] =	ssyncset.done @!p0 $0x0  }
0x3e: {  	[sflag:s0] =	ssyncadd.s32 @!p0 s1  }
0x3f: {  	[bflag:$0x3] =	sbarrier.arrive $0xFFFF  }
0x40: {  	_ =	shalt  }

</sc_bundles>
